<compile_context>
chip_gen: v7x
topology: tpu7x:2x2x1
jax: 0.10.2.dev20260603
libtpu: 0.0.44.dev20260713+nightly
codegen_flags: <defaults>
</compile_context>

<pallas_src>
import functools

import jax
import jax.numpy as jnp
from jax import lax
from jax.experimental import pallas as pl
from jax.experimental.pallas import tpu as pltpu
from jax.experimental.pallas import tpu_sc as plsc

N = 10000
E = 320000
D = 128
G = 64
BN_EPS = 1e-5

NW = 32
CH = 128
EPT = 10240
NCH = EPT // CH
PAD_E = NW * EPT - E
ROWS_ACC = 10240
STRIPE = ROWS_ACC // 16

BLK = 2000
NBLK = N // BLK



_sc_mesh = plsc.VectorSubcoreMesh(core_axis_name="c", subcore_axis_name="s")


NB = 2
GROUPS = NCH // NB


def _unpack_chunk(pk_v, usrc, udst, j, b):
    for k in range(CH // 16):
        v = pk_v[j, pl.ds(k * 16, 16)]
        usrc[b, pl.ds(k * 16, 16)] = lax.bitwise_and(v, 0x3FFF)
        udst[b, pl.ds(k * 16, 16)] = lax.shift_right_logical(v, 14)


@functools.partial(
    pl.kernel,
    out_type=jax.ShapeDtypeStruct((2, ROWS_ACC, D), jnp.float32),
    mesh=_sc_mesh,
    scratch_types=[
        pltpu.VMEM((NCH, CH), jnp.int32),
        pltpu.VMEM((NB, CH), jnp.int32),
        pltpu.VMEM((NB, CH), jnp.int32),
    ] + [pltpu.VMEM((CH, D), jnp.float32)] * NB
    + [
        pltpu.VMEM_SHARED((ROWS_ACC, D), jnp.float32),
    ] + [pltpu.SemaphoreType.DMA] * (2 * NB),
)
def _sc_segment_sum(table, packed, zeros, out, pk_v, usrc, udst, *rest):
    bufs = rest[:NB]
    acc = rest[NB]
    gsem = rest[NB + 1:NB + 1 + NB]
    ssem = rest[NB + 1 + NB:]
    c = lax.axis_index("c")
    si = lax.axis_index("s")
    wid = si * 2 + c
    pltpu.sync_copy(zeros, acc.at[pl.ds(si * STRIPE, STRIPE)])
    pltpu.sync_copy(packed.at[wid], pk_v)
    plsc.subcore_barrier()

    for b in range(NB):
        _unpack_chunk(pk_v, usrc, udst, b, b)
        pltpu.async_copy(table.at[usrc.at[b]], bufs[b], gsem[b])

    def group(g, carry):
        base = g * NB
        for b in range(NB):
            j = base + b
            pltpu.make_async_copy(table.at[usrc.at[b]], bufs[b],
                                  gsem[b]).wait()
            pltpu.async_copy(bufs[b], acc.at[udst.at[b]], ssem[b],
                             add=True)
        for b in range(NB):
            j = base + b
            pltpu.make_async_copy(bufs[b], acc.at[udst.at[b]],
                                  ssem[b]).wait()

            @pl.when(g < GROUPS - 1)
            def _():
                _unpack_chunk(pk_v, usrc, udst, j + NB, b)
                pltpu.async_copy(table.at[usrc.at[b]], bufs[b], gsem[b])

        return carry

    lax.fori_loop(0, GROUPS, group, 0)
    plsc.subcore_barrier()
    pltpu.sync_copy(acc.at[pl.ds(si * STRIPE, STRIPE)],
                    out.at[c, pl.ds(si * STRIPE, STRIPE)])



def _tc1_body(x_ref, a0_ref, a1_ref, b_ref, w1_ref, b1_ref, w2_ref, b2_ref,
              s2_ref, t2_ref, h_ref, p0_ref, p1_ref):
    i = pl.program_id(0)
    xb = x_ref[...]
    s = xb + a0_ref[...] + a1_ref[...]
    r = jnp.maximum(jnp.dot(s, w1_ref[...], preferred_element_type=jnp.float32)
                    + b1_ref[...], 0.0)
    r = jnp.maximum(jnp.dot(r, w2_ref[...], preferred_element_type=jnp.float32)
                    + b2_ref[...], 0.0)
    h = r * s2_ref[...] + t2_ref[...]
    h_ref[...] = h
    bvec = b_ref[0, 0, :]
    gi = lax.broadcasted_iota(jnp.int32, (G, BLK), 0)
    onehot = jnp.where(bvec[None, :] == gi, 1.0, 0.0)

    @pl.when(i == 0)
    def _():
        p0_ref[...] = jnp.zeros_like(p0_ref)
        p1_ref[...] = jnp.zeros_like(p1_ref)

    p0_ref[...] += jnp.dot(onehot, xb, preferred_element_type=jnp.float32)
    p1_ref[...] += jnp.dot(onehot, h, preferred_element_type=jnp.float32)


def _tc2_body(h_ref, a0_ref, a1_ref, b_ref, w1_ref, b1_ref, w2_ref, b2_ref,
              s2_ref, t2_ref, p0_ref, p1_ref, v0_ref, v1_ref, v2_ref, cst_ref,
              out_ref, p2_acc, cnt_acc):
    i = pl.program_id(0)
    hb = h_ref[...]
    s = hb + a0_ref[...] + a1_ref[...]
    r = jnp.maximum(jnp.dot(s, w1_ref[...], preferred_element_type=jnp.float32)
                    + b1_ref[...], 0.0)
    r = jnp.maximum(jnp.dot(r, w2_ref[...], preferred_element_type=jnp.float32)
                    + b2_ref[...], 0.0)
    h2 = r * s2_ref[...] + t2_ref[...]
    bvec = b_ref[0, 0, :]
    gi = lax.broadcasted_iota(jnp.int32, (G, BLK), 0)
    onehot = jnp.where(bvec[None, :] == gi, 1.0, 0.0)

    @pl.when(i == 0)
    def _():
        p2_acc[...] = jnp.zeros_like(p2_acc)
        cnt_acc[...] = jnp.zeros_like(cnt_acc)

    p2_acc[...] += jnp.dot(onehot, h2, preferred_element_type=jnp.float32)
    cnt_acc[...] += jnp.broadcast_to(
        jnp.sum(onehot, axis=1, keepdims=True), (G, D))

    @pl.when(i == NBLK - 1)
    def _():
        cnt = jnp.maximum(cnt_acc[...], 1.0)
        z = (p0_ref[...] / cnt) * v0_ref[...] \
            + (p1_ref[...] / cnt) * v1_ref[...] \
            + (p2_acc[...] / cnt) * v2_ref[...]
        res = jnp.sum(z, axis=1, keepdims=True) + cst_ref[0, 0]
        out_ref[...] = jnp.broadcast_to(res, (G, D))


def _row_spec(i):
    return (i, 0)


def _full_spec(i):
    return (0, 0)


_W_SPEC = pl.BlockSpec((D, D), _full_spec)
_V_SPEC = pl.BlockSpec((1, D), _full_spec)
_P_SPEC = pl.BlockSpec((G, D), _full_spec)
_X_SPEC = pl.BlockSpec((BLK, D), _row_spec)
_B_SPEC = pl.BlockSpec((1, 1, BLK), lambda i: (i, 0, 0))


def _tc1(x, a0, a1, batch3, w1, b1, w2, b2, s2, t2):
    return pl.pallas_call(
        _tc1_body,
        grid=(NBLK,),
        in_specs=[_X_SPEC, _X_SPEC, _X_SPEC, _B_SPEC,
                  _W_SPEC, _V_SPEC, _W_SPEC, _V_SPEC, _V_SPEC, _V_SPEC],
        out_specs=[_X_SPEC, _P_SPEC, _P_SPEC],
        out_shape=[
            jax.ShapeDtypeStruct((N, D), jnp.float32),
            jax.ShapeDtypeStruct((G, D), jnp.float32),
            jax.ShapeDtypeStruct((G, D), jnp.float32),
        ],
    )(x, a0, a1, batch3, w1, b1, w2, b2, s2, t2)


def _tc2(h1, a0, a1, batch3, w1, b1, w2, b2, s2, t2, p0, p1, v0, v1, v2, cst):
    return pl.pallas_call(
        _tc2_body,
        grid=(NBLK,),
        in_specs=[_X_SPEC, _X_SPEC, _X_SPEC, _B_SPEC,
                  _W_SPEC, _V_SPEC, _W_SPEC, _V_SPEC, _V_SPEC, _V_SPEC,
                  _P_SPEC, _P_SPEC, _V_SPEC, _V_SPEC, _V_SPEC, _V_SPEC],
        out_specs=[_P_SPEC],
        out_shape=[jax.ShapeDtypeStruct((G, D), jnp.float32)],
        scratch_shapes=[
            pltpu.VMEM((G, D), jnp.float32),
            pltpu.VMEM((G, D), jnp.float32),
        ],
    )(h1, a0, a1, batch3, w1, b1, w2, b2, s2, t2, p0, p1, v0, v1, v2, cst)



def kernel(x, edge_index, batch, W1a, b1a, g1a, be1a, W2a, b2a, g2a, be2a,
           W1b, b1b, g1b, be1b, W2b, b2b, g2b, be2b, gbn, bbn, Wl, bl):
    f32 = jnp.float32
    src = edge_index[0]
    dst = edge_index[1]
    pk = jnp.bitwise_or(src, jnp.left_shift(dst, 14))
    pk_pad = jnp.left_shift(
        N + (jnp.arange(PAD_E, dtype=jnp.int32) % (ROWS_ACC - N)), 14)
    packed = jnp.concatenate([pk, pk_pad]).reshape(NW, NCH, CH)
    zeros = jnp.zeros((STRIPE, D), f32)
    batch3 = batch.reshape(NBLK, 1, BLK)

    sc = 1.0 / jnp.sqrt(1.0 + BN_EPS)
    w2a_f = (g1a * sc)[:, None] * W2a
    b2a_f = (b2a + be1a @ W2a).reshape(1, D)
    s2a = (g2a * sc).reshape(1, D)
    t2a = be2a.reshape(1, D)
    w2b_f = (g1b * sc)[:, None] * W2b
    b2b_f = (b2b + be1b @ W2b).reshape(1, D)
    s2b = (g2b * sc).reshape(1, D)
    t2b = be2b.reshape(1, D)
    wl = Wl[:, 0]
    v = (gbn * sc) * wl
    v0 = v[0:D].reshape(1, D)
    v1 = v[D:2 * D].reshape(1, D)
    v2 = v[2 * D:3 * D].reshape(1, D)
    cst = jnp.full((1, D), bl[0] + bbn @ wl, f32)

    agg1 = _sc_segment_sum(x, packed, zeros)
    h1, p0, p1 = _tc1(x, agg1[0, :N], agg1[1, :N], batch3,
                      W1a, b1a.reshape(1, D), w2a_f, b2a_f, s2a, t2a)
    agg2 = _sc_segment_sum(h1, packed, zeros)
    outb = _tc2(h1, agg2[0, :N], agg2[1, :N], batch3,
                W1b, b1b.reshape(1, D), w2b_f, b2b_f, s2b, t2b,
                p0, p1, v0, v1, v2, cst)
    return outb[0][:, 0]

# --- scband reference (transcript-rebuilt; emitter-appended) ---
"""Pipeline reference for scband-gnn-30416958390395 (READ-ONLY COPY).

The authoritative reference and input builder live on the scoring server;
editing this copy changes nothing except your own understanding.
"""

import jax, jax.numpy as jnp
import numpy as np

N = 10000
E = 320000
D = 128
H = 128
G = 64
BN_EPS = 1e-5


def _init_linear(key, fan_in, fan_out):
    return jax.random.normal(key, (fan_in, fan_out), dtype=jnp.float32) * (1.0 / np.sqrt(fan_in))


def setup_inputs(seed: int = 0) -> dict:
    key = jax.random.key(seed)
    ks = jax.random.split(key, 10)
    x = jax.random.normal(ks[0], (N, D), dtype=jnp.float32)
    edge_index = jax.random.randint(ks[1], (2, E), 0, N, dtype=jnp.int32)
    batch = jnp.sort(jax.random.randint(ks[2], (N,), 0, G, dtype=jnp.int32))
    inp = {"x": x, "edge_index": edge_index, "batch": batch}
    # GIN layer 0 MLP: Linear(D,H), ReLU, BN(H), Linear(H,H), ReLU, BN(H)
    inp["W1a"] = _init_linear(ks[3], D, H)
    inp["b1a"] = jnp.zeros((H,), jnp.float32)
    inp["g1a"] = jnp.ones((H,), jnp.float32)
    inp["be1a"] = jnp.zeros((H,), jnp.float32)
    inp["W2a"] = _init_linear(ks[4], H, H)
    inp["b2a"] = jnp.zeros((H,), jnp.float32)
    inp["g2a"] = jnp.ones((H,), jnp.float32)
    inp["be2a"] = jnp.zeros((H,), jnp.float32)
    # GIN layer 1 MLP: Linear(H,H), ReLU, BN(H), Linear(H,H), ReLU, BN(H)
    inp["W1b"] = _init_linear(ks[5], H, H)
    inp["b1b"] = jnp.zeros((H,), jnp.float32)
    inp["g1b"] = jnp.ones((H,), jnp.float32)
    inp["be1b"] = jnp.zeros((H,), jnp.float32)
    inp["W2b"] = _init_linear(ks[6], H, H)
    inp["b2b"] = jnp.zeros((H,), jnp.float32)
    inp["g2b"] = jnp.ones((H,), jnp.float32)
    inp["be2b"] = jnp.zeros((H,), jnp.float32)
    # final BN + Linear on concat [G, D+2H]
    inp["gbn"] = jnp.ones((D + 2 * H,), jnp.float32)
    inp["bbn"] = jnp.zeros((D + 2 * H,), jnp.float32)
    inp["Wl"] = _init_linear(ks[7], D + 2 * H, 1)
    inp["bl"] = jnp.zeros((1,), jnp.float32)
    return inp


def _bn_eval(h, g, b):
    # eval-mode BatchNorm1d with running_mean=0, running_var=1
    return h / jnp.sqrt(1.0 + BN_EPS) * g + b


def _mlp(h, W1, b1, g1, be1, W2, b2, g2, be2):
    h = jax.nn.relu(h @ W1 + b1)
    h = _bn_eval(h, g1, be1)
    h = jax.nn.relu(h @ W2 + b2)
    h = _bn_eval(h, g2, be2)
    return h


def _gin(x, edge_index, W1, b1, g1, be1, W2, b2, g2, be2):
    # GINConv with eps=0: MLP((1+eps)*x_i + sum_{j in N(i)} x_j)
    src = edge_index[0]
    dst = edge_index[1]
    agg = jax.ops.segment_sum(x[src], dst, num_segments=N)
    return _mlp(x + agg, W1, b1, g1, be1, W2, b2, g2, be2)


def _pool(x, batch):
    sums = jax.ops.segment_sum(x, batch, num_segments=G)
    cnt = jax.ops.segment_sum(jnp.ones((x.shape[0],), jnp.float32), batch, num_segments=G)
    return sums / jnp.maximum(cnt, 1.0)[:, None]


def reference(x, edge_index, batch, W1a, b1a, g1a, be1a, W2a, b2a, g2a, be2a, W1b, b1b, g1b, be1b, W2b, b2b, g2b, be2b, gbn, bbn, Wl, bl):
    xs = [_pool(x, batch)]
    h = _gin(x, edge_index, W1a, b1a, g1a, be1a, W2a, b2a, g2a, be2a)
    xs.append(_pool(h, batch))
    h = _gin(h, edge_index, W1b, b1b, g1b, be1b, W2b, b2b, g2b, be2b)
    xs.append(_pool(h, batch))
    z = jnp.concatenate(xs, axis=-1)
    z = _bn_eval(z, gbn, bbn)
    # dropout is identity in eval mode
    out = z @ Wl + bl
    return jnp.squeeze(out, axis=-1)

if __name__ == "__main__":
    import jax
    _d = setup_inputs()
    print(jax.jit(kernel)(*tuple(_d.values())))

</pallas_src>

<mosaic_0001>
#map = affine_map<(d0, d1) -> (0, 0)>
#map1 = affine_map<(d0, d1) -> (0, 0, 0)>
module attributes {stable_mosaic.version = 14 : i64} {
  func.func @_sc_segment_sum(%arg0: i32, %arg1: i32, %arg2: memref<10000x128xf32, #tpu.memory_space<hbm>>, %arg3: memref<32x80x128xi32, #tpu.memory_space<hbm>>, %arg4: memref<640x128xf32, #tpu.memory_space<hbm>>, %arg5: memref<2x10240x128xf32, #tpu.memory_space<hbm>>, %arg6: memref<80x128xi32, #tpu.memory_space<vmem>>, %arg7: memref<2x128xi32, #tpu.memory_space<vmem>>, %arg8: memref<2x128xi32, #tpu.memory_space<vmem>>, %arg9: memref<128x128xf32, #tpu.memory_space<vmem>>, %arg10: memref<128x128xf32, #tpu.memory_space<vmem>>, %arg11: memref<10240x128xf32, #tpu.memory_space<vmem_shared>>, %arg12: memref<!tpu.dma_semaphore, #tpu.memory_space<semaphore_mem>>, %arg13: memref<!tpu.dma_semaphore, #tpu.memory_space<semaphore_mem>>, %arg14: memref<!tpu.dma_semaphore, #tpu.memory_space<semaphore_mem>>, %arg15: memref<!tpu.dma_semaphore, #tpu.memory_space<semaphore_mem>>) attributes {dimension_semantics = [#tpu.dimension_semantics<core_parallel>, #tpu.dimension_semantics<subcore_parallel>], iteration_bounds = array<i64: 2, 16>, scalar_prefetch = 0 : i64, scratch_operands = 10 : i64, tpu.core_type = #tpu.core_type<sc_vector_subcore>, window_params = [{transform_indices = #map}, {transform_indices = #map1}, {transform_indices = #map}, {transform_indices = #map1}]} {
    %mul3A = arith.constant 2 : i32
    %mul3A_0 = arith.muli %arg1, %mul3A : i32
    %add3A = arith.addi %mul3A_0, %arg0 : i32
    %mul3A_1 = arith.constant 640 : i32
    %mul3A_2 = arith.muli %arg1, %mul3A_1 : i32
    "tpu.region"() ({
      %run_scoped3A = tpu.sem_alloc : memref<!tpu.dma_semaphore, #tpu.memory_space<semaphore_mem>>
      %dma_start3A_390 = arith.constant 0 : i32
      %dma_start3A_391 = tpu.memref_slice %arg11[%mul3A_2, %dma_start3A_390] : memref<10240x128xf32, #tpu.memory_space<vmem_shared>> -> memref<640x128xf32, #tpu.memory_space<vmem_shared>>
      tpu.enqueue_dma source(%arg4 : memref<640x128xf32, #tpu.memory_space<hbm>>) target(%dma_start3A_391 : memref<640x128xf32, #tpu.memory_space<vmem_shared>>) target_semaphore(%run_scoped3A : memref<!tpu.dma_semaphore, #tpu.memory_space<semaphore_mem>>)
      %dma_wait3A = arith.constant 0 : i32
      %dma_wait3A_392 = tpu.memref_slice %arg11[%mul3A_2, %dma_wait3A] : memref<10240x128xf32, #tpu.memory_space<vmem_shared>> -> memref<640x128xf32, #tpu.memory_space<vmem_shared>>
      tpu.wait_dma2 semaphore(%run_scoped3A : memref<!tpu.dma_semaphore, #tpu.memory_space<semaphore_mem>>) src(%arg4 : memref<640x128xf32, #tpu.memory_space<hbm>>) dst(%dma_wait3A_392 : memref<640x128xf32, #tpu.memory_space<vmem_shared>>)
      tpu.yield
    }) : () -> ()
    "tpu.region"() ({
      %run_scoped3A = tpu.sem_alloc : memref<!tpu.dma_semaphore, #tpu.memory_space<semaphore_mem>>
      %dma_start3A_390 = arith.constant 0 : i32
      %dma_start3A_391 = arith.constant 0 : i32
      %dma_start3A_392 = tpu.memref_slice %arg3[%add3A, %dma_start3A_390, %dma_start3A_391] : memref<32x80x128xi32, #tpu.memory_space<hbm>> -> memref<1x80x128xi32, #tpu.memory_space<hbm>>
      %dma_start3A_393 = tpu.memref_squeeze %dma_start3A_392 : memref<1x80x128xi32, #tpu.memory_space<hbm>> -> memref<80x128xi32, #tpu.memory_space<hbm>>
      %dma_start3A_394 = arith.constant 0 : i32
      %dma_start3A_395 = arith.constant 0 : i32
      %dma_start3A_396 = tpu.memref_slice %arg3[%add3A, %dma_start3A_394, %dma_start3A_395] : memref<32x80x128xi32, #tpu.memory_space<hbm>> -> memref<1x80x128xi32, #tpu.memory_space<hbm>>
      %dma_start3A_397 = tpu.memref_squeeze %dma_start3A_396 : memref<1x80x128xi32, #tpu.memory_space<hbm>> -> memref<80x128xi32, #tpu.memory_space<hbm>>
      tpu.enqueue_dma source(%dma_start3A_397 : memref<80x128xi32, #tpu.memory_space<hbm>>) target(%arg6 : memref<80x128xi32, #tpu.memory_space<vmem>>) target_semaphore(%run_scoped3A : memref<!tpu.dma_semaphore, #tpu.memory_space<semaphore_mem>>)
      %dma_wait3A = arith.constant 0 : i32
      %dma_wait3A_398 = arith.constant 0 : i32
      %dma_wait3A_399 = tpu.memref_slice %arg3[%add3A, %dma_wait3A, %dma_wait3A_398] : memref<32x80x128xi32, #tpu.memory_space<hbm>> -> memref<1x80x128xi32, #tpu.memory_space<hbm>>
      %dma_wait3A_400 = tpu.memref_squeeze %dma_wait3A_399 : memref<1x80x128xi32, #tpu.memory_space<hbm>> -> memref<80x128xi32, #tpu.memory_space<hbm>>
      %dma_wait3A_401 = arith.constant 0 : i32
      %dma_wait3A_402 = arith.constant 0 : i32
      %dma_wait3A_403 = tpu.memref_slice %arg3[%add3A, %dma_wait3A_401, %dma_wait3A_402] : memref<32x80x128xi32, #tpu.memory_space<hbm>> -> memref<1x80x128xi32, #tpu.memory_space<hbm>>
      %dma_wait3A_404 = tpu.memref_squeeze %dma_wait3A_403 : memref<1x80x128xi32, #tpu.memory_space<hbm>> -> memref<80x128xi32, #tpu.memory_space<hbm>>
      tpu.wait_dma2 semaphore(%run_scoped3A : memref<!tpu.dma_semaphore, #tpu.memory_space<semaphore_mem>>) src(%dma_wait3A_404 : memref<80x128xi32, #tpu.memory_space<hbm>>) dst(%arg6 : memref<80x128xi32, #tpu.memory_space<vmem>>)
      tpu.yield
    }) : () -> ()
    %barrier3A = arith.constant 0 : index
    tpu.barrier barrier_id(%barrier3A)
    %get3A = arith.constant 0 : i32
    %get3A_3 = arith.index_cast %get3A : i32 to index
    %get3A_4 = arith.constant 0 : index
    %get3A_5 = tpu.vector_load %arg6[%get3A_3, %get3A_4] {strides = array<i32>} : memref<80x128xi32, #tpu.memory_space<vmem>>, vector<1x16xi32>,
    %get3A_6 = vector.shape_cast %get3A_5 : vector<1x16xi32> to vector<16xi32>
    %and3A = arith.constant 16383 : i32
    %and3A_7 = vector.broadcast %and3A : i32 to vector<16xi32>
    %and3A_8 = arith.andi %get3A_6, %and3A_7 : vector<16xi32>
    %swap3A = arith.constant 0 : i32
    %swap3A_9 = arith.index_cast %swap3A : i32 to index
    %swap3A_10 = arith.constant 0 : index
    %swap3A_11 = tpu.vector_load %arg7[%swap3A_9, %swap3A_10] {strides = array<i32>} : memref<2x128xi32, #tpu.memory_space<vmem>>, vector<1x16xi32>,
    %swap3A_12 = vector.shape_cast %swap3A_11 : vector<1x16xi32> to vector<16xi32>
    %swap3A_13 = vector.shape_cast %and3A_8 : vector<16xi32> to vector<1x16xi32>
    tpu.vector_store %arg7[%swap3A_9, %swap3A_10], %swap3A_13 {strides = array<i32>} : memref<2x128xi32, #tpu.memory_space<vmem>>, vector<1x16xi32>,
    %shift_right_logical3A = arith.constant 14 : i32
    %shift_right_logical3A_14 = vector.broadcast %shift_right_logical3A : i32 to vector<16xi32>
    %shift_right_logical3A_15 = arith.shrui %get3A_6, %shift_right_logical3A_14 : vector<16xi32>
    %swap3A_16 = arith.constant 0 : i32
    %swap3A_17 = arith.index_cast %swap3A_16 : i32 to index
    %swap3A_18 = arith.constant 0 : index
    %swap3A_19 = tpu.vector_load %arg8[%swap3A_17, %swap3A_18] {strides = array<i32>} : memref<2x128xi32, #tpu.memory_space<vmem>>, vector<1x16xi32>,
    %swap3A_20 = vector.shape_cast %swap3A_19 : vector<1x16xi32> to vector<16xi32>
    %swap3A_21 = vector.shape_cast %shift_right_logical3A_15 : vector<16xi32> to vector<1x16xi32>
    tpu.vector_store %arg8[%swap3A_17, %swap3A_18], %swap3A_21 {strides = array<i32>} : memref<2x128xi32, #tpu.memory_space<vmem>>, vector<1x16xi32>,
    %get3A_22 = arith.constant 0 : i32
    %get3A_23 = arith.index_cast %get3A_22 : i32 to index
    %get3A_24 = arith.constant 16 : index
    %get3A_25 = tpu.vector_load %arg6[%get3A_23, %get3A_24] {strides = array<i32>} : memref<80x128xi32, #tpu.memory_space<vmem>>, vector<1x16xi32>,
    %get3A_26 = vector.shape_cast %get3A_25 : vector<1x16xi32> to vector<16xi32>
    %and3A_27 = arith.constant 16383 : i32
    %and3A_28 = vector.broadcast %and3A_27 : i32 to vector<16xi32>
    %and3A_29 = arith.andi %get3A_26, %and3A_28 : vector<16xi32>
    %swap3A_30 = arith.constant 0 : i32
    %swap3A_31 = arith.index_cast %swap3A_30 : i32 to index
    %swap3A_32 = arith.constant 16 : index
    %swap3A_33 = tpu.vector_load %arg7[%swap3A_31, %swap3A_32] {strides = array<i32>} : memref<2x128xi32, #tpu.memory_space<vmem>>, vector<1x16xi32>,
    %swap3A_34 = vector.shape_cast %swap3A_33 : vector<1x16xi32> to vector<16xi32>
    %swap3A_35 = vector.shape_cast %and3A_29 : vector<16xi32> to vector<1x16xi32>
    tpu.vector_store %arg7[%swap3A_31, %swap3A_32], %swap3A_35 {strides = array<i32>} : memref<2x128xi32, #tpu.memory_space<vmem>>, vector<1x16xi32>,
    %shift_right_logical3A_36 = arith.constant 14 : i32
    %shift_right_logical3A_37 = vector.broadcast %shift_right_logical3A_36 : i32 to vector<16xi32>
    %shift_right_logical3A_38 = arith.shrui %get3A_26, %shift_right_logical3A_37 : vector<16xi32>
    %swap3A_39 = arith.constant 0 : i32
    %swap3A_40 = arith.index_cast %swap3A_39 : i32 to index
    %swap3A_41 = arith.constant 16 : index
    %swap3A_42 = tpu.vector_load %arg8[%swap3A_40, %swap3A_41] {strides = array<i32>} : memref<2x128xi32, #tpu.memory_space<vmem>>, vector<1x16xi32>,
    %swap3A_43 = vector.shape_cast %swap3A_42 : vector<1x16xi32> to vector<16xi32>
    %swap3A_44 = vector.shape_cast %shift_right_logical3A_38 : vector<16xi32> to vector<1x16xi32>
    tpu.vector_store %arg8[%swap3A_40, %swap3A_41], %swap3A_44 {strides = array<i32>} : memref<2x128xi32, #tpu.memory_space<vmem>>, vector<1x16xi32>,
    %get3A_45 = arith.constant 0 : i32
    %get3A_46 = arith.index_cast %get3A_45 : i32 to index
    %get3A_47 = arith.constant 32 : index
    %get3A_48 = tpu.vector_load %arg6[%get3A_46, %get3A_47] {strides = array<i32>} : memref<80x128xi32, #tpu.memory_space<vmem>>, vector<1x16xi32>,
    %get3A_49 = vector.shape_cast %get3A_48 : vector<1x16xi32> to vector<16xi32>
    %and3A_50 = arith.constant 16383 : i32
    %and3A_51 = vector.broadcast %and3A_50 : i32 to vector<16xi32>
    %and3A_52 = arith.andi %get3A_49, %and3A_51 : vector<16xi32>
    %swap3A_53 = arith.constant 0 : i32
    %swap3A_54 = arith.index_cast %swap3A_53 : i32 to index
    %swap3A_55 = arith.constant 32 : index
    %swap3A_56 = tpu.vector_load %arg7[%swap3A_54, %swap3A_55] {strides = array<i32>} : memref<2x128xi32, #tpu.memory_space<vmem>>, vector<1x16xi32>,
    %swap3A_57 = vector.shape_cast %swap3A_56 : vector<1x16xi32> to vector<16xi32>
    %swap3A_58 = vector.shape_cast %and3A_52 : vector<16xi32> to vector<1x16xi32>
    tpu.vector_store %arg7[%swap3A_54, %swap3A_55], %swap3A_58 {strides = array<i32>} : memref<2x128xi32, #tpu.memory_space<vmem>>, vector<1x16xi32>,
    %shift_right_logical3A_59 = arith.constant 14 : i32
    %shift_right_logical3A_60 = vector.broadcast %shift_right_logical3A_59 : i32 to vector<16xi32>
    %shift_right_logical3A_61 = arith.shrui %get3A_49, %shift_right_logical3A_60 : vector<16xi32>
    %swap3A_62 = arith.constant 0 : i32
    %swap3A_63 = arith.index_cast %swap3A_62 : i32 to index
    %swap3A_64 = arith.constant 32 : index
    %swap3A_65 = tpu.vector_load %arg8[%swap3A_63, %swap3A_64] {strides = array<i32>} : memref<2x128xi32, #tpu.memory_space<vmem>>, vector<1x16xi32>,
    %swap3A_66 = vector.shape_cast %swap3A_65 : vector<1x16xi32> to vector<16xi32>
    %swap3A_67 = vector.shape_cast %shift_right_logical3A_61 : vector<16xi32> to vector<1x16xi32>
    tpu.vector_store %arg8[%swap3A_63, %swap3A_64], %swap3A_67 {strides = array<i32>} : memref<2x128xi32, #tpu.memory_space<vmem>>, vector<1x16xi32>,
    %get3A_68 = arith.constant 0 : i32
    %get3A_69 = arith.index_cast %get3A_68 : i32 to index
    %get3A_70 = arith.constant 48 : index
    %get3A_71 = tpu.vector_load %arg6[%get3A_69, %get3A_70] {strides = array<i32>} : memref<80x128xi32, #tpu.memory_space<vmem>>, vector<1x16xi32>,
    %get3A_72 = vector.shape_cast %get3A_71 : vector<1x16xi32> to vector<16xi32>
    %and3A_73 = arith.constant 16383 : i32
    %and3A_74 = vector.broadcast %and3A_73 : i32 to vector<16xi32>
    %and3A_75 = arith.andi %get3A_72, %and3A_74 : vector<16xi32>
    %swap3A_76 = arith.constant 0 : i32
    %swap3A_77 = arith.index_cast %swap3A_76 : i32 to index
    %swap3A_78 = arith.constant 48 : index
    %swap3A_79 = tpu.vector_load %arg7[%swap3A_77, %swap3A_78] {strides = array<i32>} : memref<2x128xi32, #tpu.memory_space<vmem>>, vector<1x16xi32>,
    %swap3A_80 = vector.shape_cast %swap3A_79 : vector<1x16xi32> to vector<16xi32>
    %swap3A_81 = vector.shape_cast %and3A_75 : vector<16xi32> to vector<1x16xi32>
    tpu.vector_store %arg7[%swap3A_77, %swap3A_78], %swap3A_81 {strides = array<i32>} : memref<2x128xi32, #tpu.memory_space<vmem>>, vector<1x16xi32>,
    %shift_right_logical3A_82 = arith.constant 14 : i32
    %shift_right_logical3A_83 = vector.broadcast %shift_right_logical3A_82 : i32 to vector<16xi32>
    %shift_right_logical3A_84 = arith.shrui %get3A_72, %shift_right_logical3A_83 : vector<16xi32>
    %swap3A_85 = arith.constant 0 : i32
    %swap3A_86 = arith.index_cast %swap3A_85 : i32 to index
    %swap3A_87 = arith.constant 48 : index
    %swap3A_88 = tpu.vector_load %arg8[%swap3A_86, %swap3A_87] {strides = array<i32>} : memref<2x128xi32, #tpu.memory_space<vmem>>, vector<1x16xi32>,
    %swap3A_89 = vector.shape_cast %swap3A_88 : vector<1x16xi32> to vector<16xi32>
    %swap3A_90 = vector.shape_cast %shift_right_logical3A_84 : vector<16xi32> to vector<1x16xi32>
    tpu.vector_store %arg8[%swap3A_86, %swap3A_87], %swap3A_90 {strides = array<i32>} : memref<2x128xi32, #tpu.memory_space<vmem>>, vector<1x16xi32>,
    %get3A_91 = arith.constant 0 : i32
    %get3A_92 = arith.index_cast %get3A_91 : i32 to index
    %get3A_93 = arith.constant 64 : index
    %get3A_94 = tpu.vector_load %arg6[%get3A_92, %get3A_93] {strides = array<i32>} : memref<80x128xi32, #tpu.memory_space<vmem>>, vector<1x16xi32>,
    %get3A_95 = vector.shape_cast %get3A_94 : vector<1x16xi32> to vector<16xi32>
    %and3A_96 = arith.constant 16383 : i32
    %and3A_97 = vector.broadcast %and3A_96 : i32 to vector<16xi32>
    %and3A_98 = arith.andi %get3A_95, %and3A_97 : vector<16xi32>
    %swap3A_99 = arith.constant 0 : i32
    %swap3A_100 = arith.index_cast %swap3A_99 : i32 to index
    %swap3A_101 = arith.constant 64 : index
    %swap3A_102 = tpu.vector_load %arg7[%swap3A_100, %swap3A_101] {strides = array<i32>} : memref<2x128xi32, #tpu.memory_space<vmem>>, vector<1x16xi32>,
    %swap3A_103 = vector.shape_cast %swap3A_102 : vector<1x16xi32> to vector<16xi32>
    %swap3A_104 = vector.shape_cast %and3A_98 : vector<16xi32> to vector<1x16xi32>
    tpu.vector_store %arg7[%swap3A_100, %swap3A_101], %swap3A_104 {strides = array<i32>} : memref<2x128xi32, #tpu.memory_space<vmem>>, vector<1x16xi32>,
    %shift_right_logical3A_105 = arith.constant 14 : i32
    %shift_right_logical3A_106 = vector.broadcast %shift_right_logical3A_105 : i32 to vector<16xi32>
    %shift_right_logical3A_107 = arith.shrui %get3A_95, %shift_right_logical3A_106 : vector<16xi32>
    %swap3A_108 = arith.constant 0 : i32
    %swap3A_109 = arith.index_cast %swap3A_108 : i32 to index
    %swap3A_110 = arith.constant 64 : index
    %swap3A_111 = tpu.vector_load %arg8[%swap3A_109, %swap3A_110] {strides = array<i32>} : memref<2x128xi32, #tpu.memory_space<vmem>>, vector<1x16xi32>,
    %swap3A_112 = vector.shape_cast %swap3A_111 : vector<1x16xi32> to vector<16xi32>
    %swap3A_113 = vector.shape_cast %shift_right_logical3A_107 : vector<16xi32> to vector<1x16xi32>
    tpu.vector_store %arg8[%swap3A_109, %swap3A_110], %swap3A_113 {strides = array<i32>} : memref<2x128xi32, #tpu.memory_space<vmem>>, vector<1x16xi32>,
    %get3A_114 = arith.constant 0 : i32
    %get3A_115 = arith.index_cast %get3A_114 : i32 to index
    %get3A_116 = arith.constant 80 : index
    %get3A_117 = tpu.vector_load %arg6[%get3A_115, %get3A_116] {strides = array<i32>} : memref<80x128xi32, #tpu.memory_space<vmem>>, vector<1x16xi32>,
    %get3A_118 = vector.shape_cast %get3A_117 : vector<1x16xi32> to vector<16xi32>
    %and3A_119 = arith.constant 16383 : i32
    %and3A_120 = vector.broadcast %and3A_119 : i32 to vector<16xi32>
    %and3A_121 = arith.andi %get3A_118, %and3A_120 : vector<16xi32>
    %swap3A_122 = arith.constant 0 : i32
    %swap3A_123 = arith.index_cast %swap3A_122 : i32 to index
    %swap3A_124 = arith.constant 80 : index
    %swap3A_125 = tpu.vector_load %arg7[%swap3A_123, %swap3A_124] {strides = array<i32>} : memref<2x128xi32, #tpu.memory_space<vmem>>, vector<1x16xi32>,
    %swap3A_126 = vector.shape_cast %swap3A_125 : vector<1x16xi32> to vector<16xi32>
    %swap3A_127 = vector.shape_cast %and3A_121 : vector<16xi32> to vector<1x16xi32>
    tpu.vector_store %arg7[%swap3A_123, %swap3A_124], %swap3A_127 {strides = array<i32>} : memref<2x128xi32, #tpu.memory_space<vmem>>, vector<1x16xi32>,
    %shift_right_logical3A_128 = arith.constant 14 : i32
    %shift_right_logical3A_129 = vector.broadcast %shift_right_logical3A_128 : i32 to vector<16xi32>
    %shift_right_logical3A_130 = arith.shrui %get3A_118, %shift_right_logical3A_129 : vector<16xi32>
    %swap3A_131 = arith.constant 0 : i32
    %swap3A_132 = arith.index_cast %swap3A_131 : i32 to index
    %swap3A_133 = arith.constant 80 : index
    %swap3A_134 = tpu.vector_load %arg8[%swap3A_132, %swap3A_133] {strides = array<i32>} : memref<2x128xi32, #tpu.memory_space<vmem>>, vector<1x16xi32>,
    %swap3A_135 = vector.shape_cast %swap3A_134 : vector<1x16xi32> to vector<16xi32>
    %swap3A_136 = vector.shape_cast %shift_right_logical3A_130 : vector<16xi32> to vector<1x16xi32>
    tpu.vector_store %arg8[%swap3A_132, %swap3A_133], %swap3A_136 {strides = array<i32>} : memref<2x128xi32, #tpu.memory_space<vmem>>, vector<1x16xi32>,
    %get3A_137 = arith.constant 0 : i32
    %get3A_138 = arith.index_cast %get3A_137 : i32 to index
    %get3A_139 = arith.constant 96 : index
    %get3A_140 = tpu.vector_load %arg6[%get3A_138, %get3A_139] {strides = array<i32>} : memref<80x128xi32, #tpu.memory_space<vmem>>, vector<1x16xi32>,
    %get3A_141 = vector.shape_cast %get3A_140 : vector<1x16xi32> to vector<16xi32>
    %and3A_142 = arith.constant 16383 : i32
    %and3A_143 = vector.broadcast %and3A_142 : i32 to vector<16xi32>
    %and3A_144 = arith.andi %get3A_141, %and3A_143 : vector<16xi32>
    %swap3A_145 = arith.constant 0 : i32
    %swap3A_146 = arith.index_cast %swap3A_145 : i32 to index
    %swap3A_147 = arith.constant 96 : index
    %swap3A_148 = tpu.vector_load %arg7[%swap3A_146, %swap3A_147] {strides = array<i32>} : memref<2x128xi32, #tpu.memory_space<vmem>>, vector<1x16xi32>,
    %swap3A_149 = vector.shape_cast %swap3A_148 : vector<1x16xi32> to vector<16xi32>
    %swap3A_150 = vector.shape_cast %and3A_144 : vector<16xi32> to vector<1x16xi32>
    tpu.vector_store %arg7[%swap3A_146, %swap3A_147], %swap3A_150 {strides = array<i32>} : memref<2x128xi32, #tpu.memory_space<vmem>>, vector<1x16xi32>,
    %shift_right_logical3A_151 = arith.constant 14 : i32
    %shift_right_logical3A_152 = vector.broadcast %shift_right_logical3A_151 : i32 to vector<16xi32>
    %shift_right_logical3A_153 = arith.shrui %get3A_141, %shift_right_logical3A_152 : vector<16xi32>
    %swap3A_154 = arith.constant 0 : i32
    %swap3A_155 = arith.index_cast %swap3A_154 : i32 to index
    %swap3A_156 = arith.constant 96 : index
    %swap3A_157 = tpu.vector_load %arg8[%swap3A_155, %swap3A_156] {strides = array<i32>} : memref<2x128xi32, #tpu.memory_space<vmem>>, vector<1x16xi32>,
    %swap3A_158 = vector.shape_cast %swap3A_157 : vector<1x16xi32> to vector<16xi32>
    %swap3A_159 = vector.shape_cast %shift_right_logical3A_153 : vector<16xi32> to vector<1x16xi32>
    tpu.vector_store %arg8[%swap3A_155, %swap3A_156], %swap3A_159 {strides = array<i32>} : memref<2x128xi32, #tpu.memory_space<vmem>>, vector<1x16xi32>,
    %get3A_160 = arith.constant 0 : i32
    %get3A_161 = arith.index_cast %get3A_160 : i32 to index
    %get3A_162 = arith.constant 112 : index
    %get3A_163 = tpu.vector_load %arg6[%get3A_161, %get3A_162] {strides = array<i32>} : memref<80x128xi32, #tpu.memory_space<vmem>>, vector<1x16xi32>,
    %get3A_164 = vector.shape_cast %get3A_163 : vector<1x16xi32> to vector<16xi32>
    %and3A_165 = arith.constant 16383 : i32
    %and3A_166 = vector.broadcast %and3A_165 : i32 to vector<16xi32>
    %and3A_167 = arith.andi %get3A_164, %and3A_166 : vector<16xi32>
    %swap3A_168 = arith.constant 0 : i32
    %swap3A_169 = arith.index_cast %swap3A_168 : i32 to index
    %swap3A_170 = arith.constant 112 : index
    %swap3A_171 = tpu.vector_load %arg7[%swap3A_169, %swap3A_170] {strides = array<i32>} : memref<2x128xi32, #tpu.memory_space<vmem>>, vector<1x16xi32>,
    %swap3A_172 = vector.shape_cast %swap3A_171 : vector<1x16xi32> to vector<16xi32>
    %swap3A_173 = vector.shape_cast %and3A_167 : vector<16xi32> to vector<1x16xi32>
    tpu.vector_store %arg7[%swap3A_169, %swap3A_170], %swap3A_173 {strides = array<i32>} : memref<2x128xi32, #tpu.memory_space<vmem>>, vector<1x16xi32>,
    %shift_right_logical3A_174 = arith.constant 14 : i32
    %shift_right_logical3A_175 = vector.broadcast %shift_right_logical3A_174 : i32 to vector<16xi32>
    %shift_right_logical3A_176 = arith.shrui %get3A_164, %shift_right_logical3A_175 : vector<16xi32>
    %swap3A_177 = arith.constant 0 : i32
    %swap3A_178 = arith.index_cast %swap3A_177 : i32 to index
    %swap3A_179 = arith.constant 112 : index
    %swap3A_180 = tpu.vector_load %arg8[%swap3A_178, %swap3A_179] {strides = array<i32>} : memref<2x128xi32, #tpu.memory_space<vmem>>, vector<1x16xi32>,
    %swap3A_181 = vector.shape_cast %swap3A_180 : vector<1x16xi32> to vector<16xi32>
    %swap3A_182 = vector.shape_cast %shift_right_logical3A_176 : vector<16xi32> to vector<1x16xi32>
    tpu.vector_store %arg8[%swap3A_178, %swap3A_179], %swap3A_182 {strides = array<i32>} : memref<2x128xi32, #tpu.memory_space<vmem>>, vector<1x16xi32>,
    %dma_start3A = arith.constant 0 : i32
    %dma_start3A_183 = arith.constant 0 : i32
    %dma_start3A_184 = tpu.memref_slice %arg7[%dma_start3A, %dma_start3A_183] : memref<2x128xi32, #tpu.memory_space<vmem>> -> memref<1x128xi32, #tpu.memory_space<vmem>>
    %dma_start3A_185 = tpu.memref_squeeze %dma_start3A_184 : memref<1x128xi32, #tpu.memory_space<vmem>> -> memref<128xi32, #tpu.memory_space<vmem>>
    %dma_start3A_186 = arith.constant 0 : i32
    %dma_start3A_187 = arith.constant 0 : i32
    %dma_start3A_188 = tpu.memref_slice %arg2[%dma_start3A_186, %dma_start3A_187] : memref<10000x128xf32, #tpu.memory_space<hbm>> -> memref<10000x128xf32, #tpu.memory_space<hbm>>
    tpu.enqueue_indirect_dma source(%dma_start3A_188 : memref<10000x128xf32, #tpu.memory_space<hbm>>) target(%arg9 : memref<128x128xf32, #tpu.memory_space<vmem>>) offsets(%dma_start3A_185 : memref<128xi32, #tpu.memory_space<vmem>>) semaphore(%arg12 : memref<!tpu.dma_semaphore, #tpu.memory_space<semaphore_mem>>)
    %get3A_189 = arith.constant 1 : i32
    %get3A_190 = arith.index_cast %get3A_189 : i32 to index
    %get3A_191 = arith.constant 0 : index
    %get3A_192 = tpu.vector_load %arg6[%get3A_190, %get3A_191] {strides = array<i32>} : memref<80x128xi32, #tpu.memory_space<vmem>>, vector<1x16xi32>,
    %get3A_193 = vector.shape_cast %get3A_192 : vector<1x16xi32> to vector<16xi32>
    %and3A_194 = arith.constant 16383 : i32
    %and3A_195 = vector.broadcast %and3A_194 : i32 to vector<16xi32>
    %and3A_196 = arith.andi %get3A_193, %and3A_195 : vector<16xi32>
    %swap3A_197 = arith.constant 1 : i32
    %swap3A_198 = arith.index_cast %swap3A_197 : i32 to index
    %swap3A_199 = arith.constant 0 : index
    %swap3A_200 = tpu.vector_load %arg7[%swap3A_198, %swap3A_199] {strides = array<i32>} : memref<2x128xi32, #tpu.memory_space<vmem>>, vector<1x16xi32>,
    %swap3A_201 = vector.shape_cast %swap3A_200 : vector<1x16xi32> to vector<16xi32>
    %swap3A_202 = vector.shape_cast %and3A_196 : vector<16xi32> to vector<1x16xi32>
    tpu.vector_store %arg7[%swap3A_198, %swap3A_199], %swap3A_202 {strides = array<i32>} : memref<2x128xi32, #tpu.memory_space<vmem>>, vector<1x16xi32>,
    %shift_right_logical3A_203 = arith.constant 14 : i32
    %shift_right_logical3A_204 = vector.broadcast %shift_right_logical3A_203 : i32 to vector<16xi32>
    %shift_right_logical3A_205 = arith.shrui %get3A_193, %shift_right_logical3A_204 : vector<16xi32>
    %swap3A_206 = arith.constant 1 : i32
    %swap3A_207 = arith.index_cast %swap3A_206 : i32 to index
    %swap3A_208 = arith.constant 0 : index
    %swap3A_209 = tpu.vector_load %arg8[%swap3A_207, %swap3A_208] {strides = array<i32>} : memref<2x128xi32, #tpu.memory_space<vmem>>, vector<1x16xi32>,
    %swap3A_210 = vector.shape_cast %swap3A_209 : vector<1x16xi32> to vector<16xi32>
    %swap3A_211 = vector.shape_cast %shift_right_logical3A_205 : vector<16xi32> to vector<1x16xi32>
    tpu.vector_store %arg8[%swap3A_207, %swap3A_208], %swap3A_211 {strides = array<i32>} : memref<2x128xi32, #tpu.memory_space<vmem>>, vector<1x16xi32>,
    %get3A_212 = arith.constant 1 : i32
    %get3A_213 = arith.index_cast %get3A_212 : i32 to index
    %get3A_214 = arith.constant 16 : index
    %get3A_215 = tpu.vector_load %arg6[%get3A_213, %get3A_214] {strides = array<i32>} : memref<80x128xi32, #tpu.memory_space<vmem>>, vector<1x16xi32>,
    %get3A_216 = vector.shape_cast %get3A_215 : vector<1x16xi32> to vector<16xi32>
    %and3A_217 = arith.constant 16383 : i32
    %and3A_218 = vector.broadcast %and3A_217 : i32 to vector<16xi32>
    %and3A_219 = arith.andi %get3A_216, %and3A_218 : vector<16xi32>
    %swap3A_220 = arith.constant 1 : i32
    %swap3A_221 = arith.index_cast %swap3A_220 : i32 to index
    %swap3A_222 = arith.constant 16 : index
    %swap3A_223 = tpu.vector_load %arg7[%swap3A_221, %swap3A_222] {strides = array<i32>} : memref<2x128xi32, #tpu.memory_space<vmem>>, vector<1x16xi32>,
    %swap3A_224 = vector.shape_cast %swap3A_223 : vector<1x16xi32> to vector<16xi32>
    %swap3A_225 = vector.shape_cast %and3A_219 : vector<16xi32> to vector<1x16xi32>
    tpu.vector_store %arg7[%swap3A_221, %swap3A_222], %swap3A_225 {strides = array<i32>} : memref<2x128xi32, #tpu.memory_space<vmem>>, vector<1x16xi32>,
    %shift_right_logical3A_226 = arith.constant 14 : i32
    %shift_right_logical3A_227 = vector.broadcast %shift_right_logical3A_226 : i32 to vector<16xi32>
    %shift_right_logical3A_228 = arith.shrui %get3A_216, %shift_right_logical3A_227 : vector<16xi32>
    %swap3A_229 = arith.constant 1 : i32
    %swap3A_230 = arith.index_cast %swap3A_229 : i32 to index
    %swap3A_231 = arith.constant 16 : index
    %swap3A_232 = tpu.vector_load %arg8[%swap3A_230, %swap3A_231] {strides = array<i32>} : memref<2x128xi32, #tpu.memory_space<vmem>>, vector<1x16xi32>,
    %swap3A_233 = vector.shape_cast %swap3A_232 : vector<1x16xi32> to vector<16xi32>
    %swap3A_234 = vector.shape_cast %shift_right_logical3A_228 : vector<16xi32> to vector<1x16xi32>
    tpu.vector_store %arg8[%swap3A_230, %swap3A_231], %swap3A_234 {strides = array<i32>} : memref<2x128xi32, #tpu.memory_space<vmem>>, vector<1x16xi32>,
    %get3A_235 = arith.constant 1 : i32
    %get3A_236 = arith.index_cast %get3A_235 : i32 to index
    %get3A_237 = arith.constant 32 : index
    %get3A_238 = tpu.vector_load %arg6[%get3A_236, %get3A_237] {strides = array<i32>} : memref<80x128xi32, #tpu.memory_space<vmem>>, vector<1x16xi32>,
    %get3A_239 = vector.shape_cast %get3A_238 : vector<1x16xi32> to vector<16xi32>
    %and3A_240 = arith.constant 16383 : i32
    %and3A_241 = vector.broadcast %and3A_240 : i32 to vector<16xi32>
    %and3A_242 = arith.andi %get3A_239, %and3A_241 : vector<16xi32>
    %swap3A_243 = arith.constant 1 : i32
    %swap3A_244 = arith.index_cast %swap3A_243 : i32 to index
    %swap3A_245 = arith.constant 32 : index
    %swap3A_246 = tpu.vector_load %arg7[%swap3A_244, %swap3A_245] {strides = array<i32>} : memref<2x128xi32, #tpu.memory_space<vmem>>, vector<1x16xi32>,
    %swap3A_247 = vector.shape_cast %swap3A_246 : vector<1x16xi32> to vector<16xi32>
    %swap3A_248 = vector.shape_cast %and3A_242 : vector<16xi32> to vector<1x16xi32>
    tpu.vector_store %arg7[%swap3A_244, %swap3A_245], %swap3A_248 {strides = array<i32>} : memref<2x128xi32, #tpu.memory_space<vmem>>, vector<1x16xi32>,
    %shift_right_logical3A_249 = arith.constant 14 : i32
    %shift_right_logical3A_250 = vector.broadcast %shift_right_logical3A_249 : i32 to vector<16xi32>
    %shift_right_logical3A_251 = arith.shrui %get3A_239, %shift_right_logical3A_250 : vector<16xi32>
    %swap3A_252 = arith.constant 1 : i32
    %swap3A_253 = arith.index_cast %swap3A_252 : i32 to index
    %swap3A_254 = arith.constant 32 : index
    %swap3A_255 = tpu.vector_load %arg8[%swap3A_253, %swap3A_254] {strides = array<i32>} : memref<2x128xi32, #tpu.memory_space<vmem>>, vector<1x16xi32>,
    %swap3A_256 = vector.shape_cast %swap3A_255 : vector<1x16xi32> to vector<16xi32>
    %swap3A_257 = vector.shape_cast %shift_right_logical3A_251 : vector<16xi32> to vector<1x16xi32>
    tpu.vector_store %arg8[%swap3A_253, %swap3A_254], %swap3A_257 {strides = array<i32>} : memref<2x128xi32, #tpu.memory_space<vmem>>, vector<1x16xi32>,
    %get3A_258 = arith.constant 1 : i32
    %get3A_259 = arith.index_cast %get3A_258 : i32 to index
    %get3A_260 = arith.constant 48 : index
    %get3A_261 = tpu.vector_load %arg6[%get3A_259, %get3A_260] {strides = array<i32>} : memref<80x128xi32, #tpu.memory_space<vmem>>, vector<1x16xi32>,
    %get3A_262 = vector.shape_cast %get3A_261 : vector<1x16xi32> to vector<16xi32>
    %and3A_263 = arith.constant 16383 : i32
    %and3A_264 = vector.broadcast %and3A_263 : i32 to vector<16xi32>
    %and3A_265 = arith.andi %get3A_262, %and3A_264 : vector<16xi32>
    %swap3A_266 = arith.constant 1 : i32
    %swap3A_267 = arith.index_cast %swap3A_266 : i32 to index
    %swap3A_268 = arith.constant 48 : index
    %swap3A_269 = tpu.vector_load %arg7[%swap3A_267, %swap3A_268] {strides = array<i32>} : memref<2x128xi32, #tpu.memory_space<vmem>>, vector<1x16xi32>,
    %swap3A_270 = vector.shape_cast %swap3A_269 : vector<1x16xi32> to vector<16xi32>
    %swap3A_271 = vector.shape_cast %and3A_265 : vector<16xi32> to vector<1x16xi32>
    tpu.vector_store %arg7[%swap3A_267, %swap3A_268], %swap3A_271 {strides = array<i32>} : memref<2x128xi32, #tpu.memory_space<vmem>>, vector<1x16xi32>,
    %shift_right_logical3A_272 = arith.constant 14 : i32
    %shift_right_logical3A_273 = vector.broadcast %shift_right_logical3A_272 : i32 to vector<16xi32>
    %shift_right_logical3A_274 = arith.shrui %get3A_262, %shift_right_logical3A_273 : vector<16xi32>
    %swap3A_275 = arith.constant 1 : i32
    %swap3A_276 = arith.index_cast %swap3A_275 : i32 to index
    %swap3A_277 = arith.constant 48 : index
    %swap3A_278 = tpu.vector_load %arg8[%swap3A_276, %swap3A_277] {strides = array<i32>} : memref<2x128xi32, #tpu.memory_space<vmem>>, vector<1x16xi32>,
    %swap3A_279 = vector.shape_cast %swap3A_278 : vector<1x16xi32> to vector<16xi32>
    %swap3A_280 = vector.shape_cast %shift_right_logical3A_274 : vector<16xi32> to vector<1x16xi32>
    tpu.vector_store %arg8[%swap3A_276, %swap3A_277], %swap3A_280 {strides = array<i32>} : memref<2x128xi32, #tpu.memory_space<vmem>>, vector<1x16xi32>,
    %get3A_281 = arith.constant 1 : i32
    %get3A_282 = arith.index_cast %get3A_281 : i32 to index
    %get3A_283 = arith.constant 64 : index
    %get3A_284 = tpu.vector_load %arg6[%get3A_282, %get3A_283] {strides = array<i32>} : memref<80x128xi32, #tpu.memory_space<vmem>>, vector<1x16xi32>,
    %get3A_285 = vector.shape_cast %get3A_284 : vector<1x16xi32> to vector<16xi32>
    %and3A_286 = arith.constant 16383 : i32
    %and3A_287 = vector.broadcast %and3A_286 : i32 to vector<16xi32>
    %and3A_288 = arith.andi %get3A_285, %and3A_287 : vector<16xi32>
    %swap3A_289 = arith.constant 1 : i32
    %swap3A_290 = arith.index_cast %swap3A_289 : i32 to index
    %swap3A_291 = arith.constant 64 : index
    %swap3A_292 = tpu.vector_load %arg7[%swap3A_290, %swap3A_291] {strides = array<i32>} : memref<2x128xi32, #tpu.memory_space<vmem>>, vector<1x16xi32>,
    %swap3A_293 = vector.shape_cast %swap3A_292 : vector<1x16xi32> to vector<16xi32>
    %swap3A_294 = vector.shape_cast %and3A_288 : vector<16xi32> to vector<1x16xi32>
    tpu.vector_store %arg7[%swap3A_290, %swap3A_291], %swap3A_294 {strides = array<i32>} : memref<2x128xi32, #tpu.memory_space<vmem>>, vector<1x16xi32>,
    %shift_right_logical3A_295 = arith.constant 14 : i32
    %shift_right_logical3A_296 = vector.broadcast %shift_right_logical3A_295 : i32 to vector<16xi32>
    %shift_right_logical3A_297 = arith.shrui %get3A_285, %shift_right_logical3A_296 : vector<16xi32>
    %swap3A_298 = arith.constant 1 : i32
    %swap3A_299 = arith.index_cast %swap3A_298 : i32 to index
    %swap3A_300 = arith.constant 64 : index
    %swap3A_301 = tpu.vector_load %arg8[%swap3A_299, %swap3A_300] {strides = array<i32>} : memref<2x128xi32, #tpu.memory_space<vmem>>, vector<1x16xi32>,
    %swap3A_302 = vector.shape_cast %swap3A_301 : vector<1x16xi32> to vector<16xi32>
    %swap3A_303 = vector.shape_cast %shift_right_logical3A_297 : vector<16xi32> to vector<1x16xi32>
    tpu.vector_store %arg8[%swap3A_299, %swap3A_300], %swap3A_303 {strides = array<i32>} : memref<2x128xi32, #tpu.memory_space<vmem>>, vector<1x16xi32>,
    %get3A_304 = arith.constant 1 : i32
    %get3A_305 = arith.index_cast %get3A_304 : i32 to index
    %get3A_306 = arith.constant 80 : index
    %get3A_307 = tpu.vector_load %arg6[%get3A_305, %get3A_306] {strides = array<i32>} : memref<80x128xi32, #tpu.memory_space<vmem>>, vector<1x16xi32>,
    %get3A_308 = vector.shape_cast %get3A_307 : vector<1x16xi32> to vector<16xi32>
    %and3A_309 = arith.constant 16383 : i32
    %and3A_310 = vector.broadcast %and3A_309 : i32 to vector<16xi32>
    %and3A_311 = arith.andi %get3A_308, %and3A_310 : vector<16xi32>
    %swap3A_312 = arith.constant 1 : i32
    %swap3A_313 = arith.index_cast %swap3A_312 : i32 to index
    %swap3A_314 = arith.constant 80 : index
    %swap3A_315 = tpu.vector_load %arg7[%swap3A_313, %swap3A_314] {strides = array<i32>} : memref<2x128xi32, #tpu.memory_space<vmem>>, vector<1x16xi32>,
    %swap3A_316 = vector.shape_cast %swap3A_315 : vector<1x16xi32> to vector<16xi32>
    %swap3A_317 = vector.shape_cast %and3A_311 : vector<16xi32> to vector<1x16xi32>
    tpu.vector_store %arg7[%swap3A_313, %swap3A_314], %swap3A_317 {strides = array<i32>} : memref<2x128xi32, #tpu.memory_space<vmem>>, vector<1x16xi32>,
    %shift_right_logical3A_318 = arith.constant 14 : i32
    %shift_right_logical3A_319 = vector.broadcast %shift_right_logical3A_318 : i32 to vector<16xi32>
    %shift_right_logical3A_320 = arith.shrui %get3A_308, %shift_right_logical3A_319 : vector<16xi32>
    %swap3A_321 = arith.constant 1 : i32
    %swap3A_322 = arith.index_cast %swap3A_321 : i32 to index
    %swap3A_323 = arith.constant 80 : index
    %swap3A_324 = tpu.vector_load %arg8[%swap3A_322, %swap3A_323] {strides = array<i32>} : memref<2x128xi32, #tpu.memory_space<vmem>>, vector<1x16xi32>,
    %swap3A_325 = vector.shape_cast %swap3A_324 : vector<1x16xi32> to vector<16xi32>
    %swap3A_326 = vector.shape_cast %shift_right_logical3A_320 : vector<16xi32> to vector<1x16xi32>
    tpu.vector_store %arg8[%swap3A_322, %swap3A_323], %swap3A_326 {strides = array<i32>} : memref<2x128xi32, #tpu.memory_space<vmem>>, vector<1x16xi32>,
    %get3A_327 = arith.constant 1 : i32
    %get3A_328 = arith.index_cast %get3A_327 : i32 to index
    %get3A_329 = arith.constant 96 : index
    %get3A_330 = tpu.vector_load %arg6[%get3A_328, %get3A_329] {strides = array<i32>} : memref<80x128xi32, #tpu.memory_space<vmem>>, vector<1x16xi32>,
    %get3A_331 = vector.shape_cast %get3A_330 : vector<1x16xi32> to vector<16xi32>
    %and3A_332 = arith.constant 16383 : i32
    %and3A_333 = vector.broadcast %and3A_332 : i32 to vector<16xi32>
    %and3A_334 = arith.andi %get3A_331, %and3A_333 : vector<16xi32>
    %swap3A_335 = arith.constant 1 : i32
    %swap3A_336 = arith.index_cast %swap3A_335 : i32 to index
    %swap3A_337 = arith.constant 96 : index
    %swap3A_338 = tpu.vector_load %arg7[%swap3A_336, %swap3A_337] {strides = array<i32>} : memref<2x128xi32, #tpu.memory_space<vmem>>, vector<1x16xi32>,
    %swap3A_339 = vector.shape_cast %swap3A_338 : vector<1x16xi32> to vector<16xi32>
    %swap3A_340 = vector.shape_cast %and3A_334 : vector<16xi32> to vector<1x16xi32>
    tpu.vector_store %arg7[%swap3A_336, %swap3A_337], %swap3A_340 {strides = array<i32>} : memref<2x128xi32, #tpu.memory_space<vmem>>, vector<1x16xi32>,
    %shift_right_logical3A_341 = arith.constant 14 : i32
    %shift_right_logical3A_342 = vector.broadcast %shift_right_logical3A_341 : i32 to vector<16xi32>
    %shift_right_logical3A_343 = arith.shrui %get3A_331, %shift_right_logical3A_342 : vector<16xi32>
    %swap3A_344 = arith.constant 1 : i32
    %swap3A_345 = arith.index_cast %swap3A_344 : i32 to index
    %swap3A_346 = arith.constant 96 : index
    %swap3A_347 = tpu.vector_load %arg8[%swap3A_345, %swap3A_346] {strides = array<i32>} : memref<2x128xi32, #tpu.memory_space<vmem>>, vector<1x16xi32>,
    %swap3A_348 = vector.shape_cast %swap3A_347 : vector<1x16xi32> to vector<16xi32>
    %swap3A_349 = vector.shape_cast %shift_right_logical3A_343 : vector<16xi32> to vector<1x16xi32>
    tpu.vector_store %arg8[%swap3A_345, %swap3A_346], %swap3A_349 {strides = array<i32>} : memref<2x128xi32, #tpu.memory_space<vmem>>, vector<1x16xi32>,
    %get3A_350 = arith.constant 1 : i32
    %get3A_351 = arith.index_cast %get3A_350 : i32 to index
    %get3A_352 = arith.constant 112 : index
    %get3A_353 = tpu.vector_load %arg6[%get3A_351, %get3A_352] {strides = array<i32>} : memref<80x128xi32, #tpu.memory_space<vmem>>, vector<1x16xi32>,
    %get3A_354 = vector.shape_cast %get3A_353 : vector<1x16xi32> to vector<16xi32>
    %and3A_355 = arith.constant 16383 : i32
    %and3A_356 = vector.broadcast %and3A_355 : i32 to vector<16xi32>
    %and3A_357 = arith.andi %get3A_354, %and3A_356 : vector<16xi32>
    %swap3A_358 = arith.constant 1 : i32
    %swap3A_359 = arith.index_cast %swap3A_358 : i32 to index
    %swap3A_360 = arith.constant 112 : index
    %swap3A_361 = tpu.vector_load %arg7[%swap3A_359, %swap3A_360] {strides = array<i32>} : memref<2x128xi32, #tpu.memory_space<vmem>>, vector<1x16xi32>,
    %swap3A_362 = vector.shape_cast %swap3A_361 : vector<1x16xi32> to vector<16xi32>
    %swap3A_363 = vector.shape_cast %and3A_357 : vector<16xi32> to vector<1x16xi32>
    tpu.vector_store %arg7[%swap3A_359, %swap3A_360], %swap3A_363 {strides = array<i32>} : memref<2x128xi32, #tpu.memory_space<vmem>>, vector<1x16xi32>,
    %shift_right_logical3A_364 = arith.constant 14 : i32
    %shift_right_logical3A_365 = vector.broadcast %shift_right_logical3A_364 : i32 to vector<16xi32>
    %shift_right_logical3A_366 = arith.shrui %get3A_354, %shift_right_logical3A_365 : vector<16xi32>
    %swap3A_367 = arith.constant 1 : i32
    %swap3A_368 = arith.index_cast %swap3A_367 : i32 to index
    %swap3A_369 = arith.constant 112 : index
    %swap3A_370 = tpu.vector_load %arg8[%swap3A_368, %swap3A_369] {strides = array<i32>} : memref<2x128xi32, #tpu.memory_space<vmem>>, vector<1x16xi32>,
    %swap3A_371 = vector.shape_cast %swap3A_370 : vector<1x16xi32> to vector<16xi32>
    %swap3A_372 = vector.shape_cast %shift_right_logical3A_366 : vector<16xi32> to vector<1x16xi32>
    tpu.vector_store %arg8[%swap3A_368, %swap3A_369], %swap3A_372 {strides = array<i32>} : memref<2x128xi32, #tpu.memory_space<vmem>>, vector<1x16xi32>,
    %dma_start3A_373 = arith.constant 1 : i32
    %dma_start3A_374 = arith.constant 0 : i32
    %dma_start3A_375 = tpu.memref_slice %arg7[%dma_start3A_373, %dma_start3A_374] : memref<2x128xi32, #tpu.memory_space<vmem>> -> memref<1x128xi32, #tpu.memory_space<vmem>>
    %dma_start3A_376 = tpu.memref_squeeze %dma_start3A_375 : memref<1x128xi32, #tpu.memory_space<vmem>> -> memref<128xi32, #tpu.memory_space<vmem>>
    %dma_start3A_377 = arith.constant 0 : i32
    %dma_start3A_378 = arith.constant 0 : i32
    %dma_start3A_379 = tpu.memref_slice %arg2[%dma_start3A_377, %dma_start3A_378] : memref<10000x128xf32, #tpu.memory_space<hbm>> -> memref<10000x128xf32, #tpu.memory_space<hbm>>
    tpu.enqueue_indirect_dma source(%dma_start3A_379 : memref<10000x128xf32, #tpu.memory_space<hbm>>) target(%arg10 : memref<128x128xf32, #tpu.memory_space<vmem>>) offsets(%dma_start3A_376 : memref<128xi32, #tpu.memory_space<vmem>>) semaphore(%arg13 : memref<!tpu.dma_semaphore, #tpu.memory_space<semaphore_mem>>)
    %scan3A = arith.constant 0 : i32
    %scan3A_380 = arith.constant 0 : i32
    %scan3A_381 = arith.constant 40 : i32
    %scan3A_382 = arith.addi %scan3A_380, %scan3A_381 : i32
    %scan3A_383 = arith.constant 1 : i32
    scf.for %scan3A_390 = %scan3A_380 to %scan3A_382 step %scan3A_383  : i32 {
      %mul3A_391 = arith.constant 2 : i32
      %mul3A_392 = arith.muli %scan3A_390, %mul3A_391 : i32
      %add3A_393 = arith.constant 0 : i32
      %add3A_394 = arith.addi %mul3A_392, %add3A_393 : i32
      %dma_wait3A = arith.constant 0 : i32
      %dma_wait3A_395 = arith.constant 0 : i32
      %dma_wait3A_396 = tpu.memref_slice %arg7[%dma_wait3A, %dma_wait3A_395] : memref<2x128xi32, #tpu.memory_space<vmem>> -> memref<1x128xi32, #tpu.memory_space<vmem>>
      %dma_wait3A_397 = tpu.memref_squeeze %dma_wait3A_396 : memref<1x128xi32, #tpu.memory_space<vmem>> -> memref<128xi32, #tpu.memory_space<vmem>>
      %dma_wait3A_398 = arith.constant 0 : i32
      %dma_wait3A_399 = arith.constant 0 : i32
      %dma_wait3A_400 = tpu.memref_slice %arg2[%dma_wait3A_398, %dma_wait3A_399] : memref<10000x128xf32, #tpu.memory_space<hbm>> -> memref<10000x128xf32, #tpu.memory_space<hbm>>
      tpu.wait_indirect_dma semaphore(%arg12 : memref<!tpu.dma_semaphore, #tpu.memory_space<semaphore_mem>>) src(%dma_wait3A_400 : memref<10000x128xf32, #tpu.memory_space<hbm>>) dst(%arg9 : memref<128x128xf32, #tpu.memory_space<vmem>>)
      %dma_start3A_401 = arith.constant 0 : i32
      %dma_start3A_402 = arith.constant 0 : i32
      %dma_start3A_403 = tpu.memref_slice %arg8[%dma_start3A_401, %dma_start3A_402] : memref<2x128xi32, #tpu.memory_space<vmem>> -> memref<1x128xi32, #tpu.memory_space<vmem>>
      %dma_start3A_404 = tpu.memref_squeeze %dma_start3A_403 : memref<1x128xi32, #tpu.memory_space<vmem>> -> memref<128xi32, #tpu.memory_space<vmem>>
      %dma_start3A_405 = arith.constant 0 : i32
      %dma_start3A_406 = arith.constant 0 : i32
      %dma_start3A_407 = tpu.memref_slice %arg11[%dma_start3A_405, %dma_start3A_406] : memref<10240x128xf32, #tpu.memory_space<vmem_shared>> -> memref<10240x128xf32, #tpu.memory_space<vmem_shared>>
      tpu.enqueue_indirect_dma source(%arg9 : memref<128x128xf32, #tpu.memory_space<vmem>>) target(%dma_start3A_407 : memref<10240x128xf32, #tpu.memory_space<vmem_shared>>) offsets(%dma_start3A_404 : memref<128xi32, #tpu.memory_space<vmem>>) semaphore(%arg14 : memref<!tpu.dma_semaphore, #tpu.memory_space<semaphore_mem>>) {add = true}
      %add3A_408 = arith.constant 1 : i32
      %add3A_409 = arith.addi %mul3A_392, %add3A_408 : i32
      %dma_wait3A_410 = arith.constant 1 : i32
      %dma_wait3A_411 = arith.constant 0 : i32
      %dma_wait3A_412 = tpu.memref_slice %arg7[%dma_wait3A_410, %dma_wait3A_411] : memref<2x128xi32, #tpu.memory_space<vmem>> -> memref<1x128xi32, #tpu.memory_space<vmem>>
      %dma_wait3A_413 = tpu.memref_squeeze %dma_wait3A_412 : memref<1x128xi32, #tpu.memory_space<vmem>> -> memref<128xi32, #tpu.memory_space<vmem>>
      %dma_wait3A_414 = arith.constant 0 : i32
      %dma_wait3A_415 = arith.constant 0 : i32
      %dma_wait3A_416 = tpu.memref_slice %arg2[%dma_wait3A_414, %dma_wait3A_415] : memref<10000x128xf32, #tpu.memory_space<hbm>> -> memref<10000x128xf32, #tpu.memory_space<hbm>>
      tpu.wait_indirect_dma semaphore(%arg13 : memref<!tpu.dma_semaphore, #tpu.memory_space<semaphore_mem>>) src(%dma_wait3A_416 : memref<10000x128xf32, #tpu.memory_space<hbm>>) dst(%arg10 : memref<128x128xf32, #tpu.memory_space<vmem>>)
      %dma_start3A_417 = arith.constant 1 : i32
      %dma_start3A_418 = arith.constant 0 : i32
      %dma_start3A_419 = tpu.memref_slice %arg8[%dma_start3A_417, %dma_start3A_418] : memref<2x128xi32, #tpu.memory_space<vmem>> -> memref<1x128xi32, #tpu.memory_space<vmem>>
      %dma_start3A_420 = tpu.memref_squeeze %dma_start3A_419 : memref<1x128xi32, #tpu.memory_space<vmem>> -> memref<128xi32, #tpu.memory_space<vmem>>
      %dma_start3A_421 = arith.constant 0 : i32
      %dma_start3A_422 = arith.constant 0 : i32
      %dma_start3A_423 = tpu.memref_slice %arg11[%dma_start3A_421, %dma_start3A_422] : memref<10240x128xf32, #tpu.memory_space<vmem_shared>> -> memref<10240x128xf32, #tpu.memory_space<vmem_shared>>
      tpu.enqueue_indirect_dma source(%arg10 : memref<128x128xf32, #tpu.memory_space<vmem>>) target(%dma_start3A_423 : memref<10240x128xf32, #tpu.memory_space<vmem_shared>>) offsets(%dma_start3A_420 : memref<128xi32, #tpu.memory_space<vmem>>) semaphore(%arg15 : memref<!tpu.dma_semaphore, #tpu.memory_space<semaphore_mem>>) {add = true}
      %add3A_424 = arith.constant 0 : i32
      %add3A_425 = arith.addi %mul3A_392, %add3A_424 : i32
      %dma_wait3A_426 = arith.constant 0 : i32
      %dma_wait3A_427 = arith.constant 0 : i32
      %dma_wait3A_428 = tpu.memref_slice %arg8[%dma_wait3A_426, %dma_wait3A_427] : memref<2x128xi32, #tpu.memory_space<vmem>> -> memref<1x128xi32, #tpu.memory_space<vmem>>
      %dma_wait3A_429 = tpu.memref_squeeze %dma_wait3A_428 : memref<1x128xi32, #tpu.memory_space<vmem>> -> memref<128xi32, #tpu.memory_space<vmem>>
      %dma_wait3A_430 = arith.constant 0 : i32
      %dma_wait3A_431 = arith.constant 0 : i32
      %dma_wait3A_432 = tpu.memref_slice %arg11[%dma_wait3A_430, %dma_wait3A_431] : memref<10240x128xf32, #tpu.memory_space<vmem_shared>> -> memref<10240x128xf32, #tpu.memory_space<vmem_shared>>
      tpu.wait_indirect_dma semaphore(%arg14 : memref<!tpu.dma_semaphore, #tpu.memory_space<semaphore_mem>>) src(%arg9 : memref<128x128xf32, #tpu.memory_space<vmem>>) dst(%dma_wait3A_432 : memref<10240x128xf32, #tpu.memory_space<vmem_shared>>)
      %lt3A = arith.constant 39 : i32
      %lt3A_433 = arith.cmpi slt, %scan3A_390, %lt3A : i32
      %convert_element_type3A = arith.extui %lt3A_433 : i1 to i32
      %cond3A = arith.constant 0 : i32
      %cond3A_434 = arith.cmpi ne, %convert_element_type3A, %cond3A : i32
      scf.if %cond3A_434 {
        %add3A_449 = arith.constant 2 : i32
        %add3A_450 = arith.addi %add3A_425, %add3A_449 : i32
        %get3A_451 = arith.index_cast %add3A_450 : i32 to index
        %get3A_452 = arith.constant 0 : index
        %get3A_453 = tpu.vector_load %arg6[%get3A_451, %get3A_452] {strides = array<i32>} : memref<80x128xi32, #tpu.memory_space<vmem>>, vector<1x16xi32>,
        %get3A_454 = vector.shape_cast %get3A_453 : vector<1x16xi32> to vector<16xi32>
        %and3A_455 = arith.constant 16383 : i32
        %and3A_456 = vector.broadcast %and3A_455 : i32 to vector<16xi32>
        %and3A_457 = arith.andi %get3A_454, %and3A_456 : vector<16xi32>
        %swap3A_458 = arith.constant 0 : i32
        %swap3A_459 = arith.index_cast %swap3A_458 : i32 to index
        %swap3A_460 = arith.constant 0 : index
        %swap3A_461 = tpu.vector_load %arg7[%swap3A_459, %swap3A_460] {strides = array<i32>} : memref<2x128xi32, #tpu.memory_space<vmem>>, vector<1x16xi32>,
        %swap3A_462 = vector.shape_cast %swap3A_461 : vector<1x16xi32> to vector<16xi32>
        %swap3A_463 = vector.shape_cast %and3A_457 : vector<16xi32> to vector<1x16xi32>
        tpu.vector_store %arg7[%swap3A_459, %swap3A_460], %swap3A_463 {strides = array<i32>} : memref<2x128xi32, #tpu.memory_space<vmem>>, vector<1x16xi32>,
        %shift_right_logical3A_464 = arith.constant 14 : i32
        %shift_right_logical3A_465 = vector.broadcast %shift_right_logical3A_464 : i32 to vector<16xi32>
        %shift_right_logical3A_466 = arith.shrui %get3A_454, %shift_right_logical3A_465 : vector<16xi32>
        %swap3A_467 = arith.constant 0 : i32
        %swap3A_468 = arith.index_cast %swap3A_467 : i32 to index
        %swap3A_469 = arith.constant 0 : index
        %swap3A_470 = tpu.vector_load %arg8[%swap3A_468, %swap3A_469] {strides = array<i32>} : memref<2x128xi32, #tpu.memory_space<vmem>>, vector<1x16xi32>,
        %swap3A_471 = vector.shape_cast %swap3A_470 : vector<1x16xi32> to vector<16xi32>
        %swap3A_472 = vector.shape_cast %shift_right_logical3A_466 : vector<16xi32> to vector<1x16xi32>
        tpu.vector_store %arg8[%swap3A_468, %swap3A_469], %swap3A_472 {strides = array<i32>} : memref<2x128xi32, #tpu.memory_space<vmem>>, vector<1x16xi32>,
        %get3A_473 = arith.index_cast %add3A_450 : i32 to index
        %get3A_474 = arith.constant 16 : index
        %get3A_475 = tpu.vector_load %arg6[%get3A_473, %get3A_474] {strides = array<i32>} : memref<80x128xi32, #tpu.memory_space<vmem>>, vector<1x16xi32>,
        %get3A_476 = vector.shape_cast %get3A_475 : vector<1x16xi32> to vector<16xi32>
        %and3A_477 = arith.constant 16383 : i32
        %and3A_478 = vector.broadcast %and3A_477 : i32 to vector<16xi32>
        %and3A_479 = arith.andi %get3A_476, %and3A_478 : vector<16xi32>
        %swap3A_480 = arith.constant 0 : i32
        %swap3A_481 = arith.index_cast %swap3A_480 : i32 to index
        %swap3A_482 = arith.constant 16 : index
        %swap3A_483 = tpu.vector_load %arg7[%swap3A_481, %swap3A_482] {strides = array<i32>} : memref<2x128xi32, #tpu.memory_space<vmem>>, vector<1x16xi32>,
        %swap3A_484 = vector.shape_cast %swap3A_483 : vector<1x16xi32> to vector<16xi32>
        %swap3A_485 = vector.shape_cast %and3A_479 : vector<16xi32> to vector<1x16xi32>
        tpu.vector_store %arg7[%swap3A_481, %swap3A_482], %swap3A_485 {strides = array<i32>} : memref<2x128xi32, #tpu.memory_space<vmem>>, vector<1x16xi32>,
        %shift_right_logical3A_486 = arith.constant 14 : i32
        %shift_right_logical3A_487 = vector.broadcast %shift_right_logical3A_486 : i32 to vector<16xi32>
        %shift_right_logical3A_488 = arith.shrui %get3A_476, %shift_right_logical3A_487 : vector<16xi32>
        %swap3A_489 = arith.constant 0 : i32
        %swap3A_490 = arith.index_cast %swap3A_489 : i32 to index
        %swap3A_491 = arith.constant 16 : index
        %swap3A_492 = tpu.vector_load %arg8[%swap3A_490, %swap3A_491] {strides = array<i32>} : memref<2x128xi32, #tpu.memory_space<vmem>>, vector<1x16xi32>,
        %swap3A_493 = vector.shape_cast %swap3A_492 : vector<1x16xi32> to vector<16xi32>
        %swap3A_494 = vector.shape_cast %shift_right_logical3A_488 : vector<16xi32> to vector<1x16xi32>
        tpu.vector_store %arg8[%swap3A_490, %swap3A_491], %swap3A_494 {strides = array<i32>} : memref<2x128xi32, #tpu.memory_space<vmem>>, vector<1x16xi32>,
        %get3A_495 = arith.index_cast %add3A_450 : i32 to index
        %get3A_496 = arith.constant 32 : index
        %get3A_497 = tpu.vector_load %arg6[%get3A_495, %get3A_496] {strides = array<i32>} : memref<80x128xi32, #tpu.memory_space<vmem>>, vector<1x16xi32>,
        %get3A_498 = vector.shape_cast %get3A_497 : vector<1x16xi32> to vector<16xi32>
        %and3A_499 = arith.constant 16383 : i32
        %and3A_500 = vector.broadcast %and3A_499 : i32 to vector<16xi32>
        %and3A_501 = arith.andi %get3A_498, %and3A_500 : vector<16xi32>
        %swap3A_502 = arith.constant 0 : i32
        %swap3A_503 = arith.index_cast %swap3A_502 : i32 to index
        %swap3A_504 = arith.constant 32 : index
        %swap3A_505 = tpu.vector_load %arg7[%swap3A_503, %swap3A_504] {strides = array<i32>} : memref<2x128xi32, #tpu.memory_space<vmem>>, vector<1x16xi32>,
        %swap3A_506 = vector.shape_cast %swap3A_505 : vector<1x16xi32> to vector<16xi32>
        %swap3A_507 = vector.shape_cast %and3A_501 : vector<16xi32> to vector<1x16xi32>
        tpu.vector_store %arg7[%swap3A_503, %swap3A_504], %swap3A_507 {strides = array<i32>} : memref<2x128xi32, #tpu.memory_space<vmem>>, vector<1x16xi32>,
        %shift_right_logical3A_508 = arith.constant 14 : i32
        %shift_right_logical3A_509 = vector.broadcast %shift_right_logical3A_508 : i32 to vector<16xi32>
        %shift_right_logical3A_510 = arith.shrui %get3A_498, %shift_right_logical3A_509 : vector<16xi32>
        %swap3A_511 = arith.constant 0 : i32
        %swap3A_512 = arith.index_cast %swap3A_511 : i32 to index
        %swap3A_513 = arith.constant 32 : index
        %swap3A_514 = tpu.vector_load %arg8[%swap3A_512, %swap3A_513] {strides = array<i32>} : memref<2x128xi32, #tpu.memory_space<vmem>>, vector<1x16xi32>,
        %swap3A_515 = vector.shape_cast %swap3A_514 : vector<1x16xi32> to vector<16xi32>
        %swap3A_516 = vector.shape_cast %shift_right_logical3A_510 : vector<16xi32> to vector<1x16xi32>
        tpu.vector_store %arg8[%swap3A_512, %swap3A_513], %swap3A_516 {strides = array<i32>} : memref<2x128xi32, #tpu.memory_space<vmem>>, vector<1x16xi32>,
        %get3A_517 = arith.index_cast %add3A_450 : i32 to index
        %get3A_518 = arith.constant 48 : index
        %get3A_519 = tpu.vector_load %arg6[%get3A_517, %get3A_518] {strides = array<i32>} : memref<80x128xi32, #tpu.memory_space<vmem>>, vector<1x16xi32>,
        %get3A_520 = vector.shape_cast %get3A_519 : vector<1x16xi32> to vector<16xi32>
        %and3A_521 = arith.constant 16383 : i32
        %and3A_522 = vector.broadcast %and3A_521 : i32 to vector<16xi32>
        %and3A_523 = arith.andi %get3A_520, %and3A_522 : vector<16xi32>
        %swap3A_524 = arith.constant 0 : i32
        %swap3A_525 = arith.index_cast %swap3A_524 : i32 to index
        %swap3A_526 = arith.constant 48 : index
        %swap3A_527 = tpu.vector_load %arg7[%swap3A_525, %swap3A_526] {strides = array<i32>} : memref<2x128xi32, #tpu.memory_space<vmem>>, vector<1x16xi32>,
        %swap3A_528 = vector.shape_cast %swap3A_527 : vector<1x16xi32> to vector<16xi32>
        %swap3A_529 = vector.shape_cast %and3A_523 : vector<16xi32> to vector<1x16xi32>
        tpu.vector_store %arg7[%swap3A_525, %swap3A_526], %swap3A_529 {strides = array<i32>} : memref<2x128xi32, #tpu.memory_space<vmem>>, vector<1x16xi32>,
        %shift_right_logical3A_530 = arith.constant 14 : i32
        %shift_right_logical3A_531 = vector.broadcast %shift_right_logical3A_530 : i32 to vector<16xi32>
        %shift_right_logical3A_532 = arith.shrui %get3A_520, %shift_right_logical3A_531 : vector<16xi32>
        %swap3A_533 = arith.constant 0 : i32
        %swap3A_534 = arith.index_cast %swap3A_533 : i32 to index
        %swap3A_535 = arith.constant 48 : index
        %swap3A_536 = tpu.vector_load %arg8[%swap3A_534, %swap3A_535] {strides = array<i32>} : memref<2x128xi32, #tpu.memory_space<vmem>>, vector<1x16xi32>,
        %swap3A_537 = vector.shape_cast %swap3A_536 : vector<1x16xi32> to vector<16xi32>
        %swap3A_538 = vector.shape_cast %shift_right_logical3A_532 : vector<16xi32> to vector<1x16xi32>
        tpu.vector_store %arg8[%swap3A_534, %swap3A_535], %swap3A_538 {strides = array<i32>} : memref<2x128xi32, #tpu.memory_space<vmem>>, vector<1x16xi32>,
        %get3A_539 = arith.index_cast %add3A_450 : i32 to index
        %get3A_540 = arith.constant 64 : index
        %get3A_541 = tpu.vector_load %arg6[%get3A_539, %get3A_540] {strides = array<i32>} : memref<80x128xi32, #tpu.memory_space<vmem>>, vector<1x16xi32>,
        %get3A_542 = vector.shape_cast %get3A_541 : vector<1x16xi32> to vector<16xi32>
        %and3A_543 = arith.constant 16383 : i32
        %and3A_544 = vector.broadcast %and3A_543 : i32 to vector<16xi32>
        %and3A_545 = arith.andi %get3A_542, %and3A_544 : vector<16xi32>
        %swap3A_546 = arith.constant 0 : i32
        %swap3A_547 = arith.index_cast %swap3A_546 : i32 to index
        %swap3A_548 = arith.constant 64 : index
        %swap3A_549 = tpu.vector_load %arg7[%swap3A_547, %swap3A_548] {strides = array<i32>} : memref<2x128xi32, #tpu.memory_space<vmem>>, vector<1x16xi32>,
        %swap3A_550 = vector.shape_cast %swap3A_549 : vector<1x16xi32> to vector<16xi32>
        %swap3A_551 = vector.shape_cast %and3A_545 : vector<16xi32> to vector<1x16xi32>
        tpu.vector_store %arg7[%swap3A_547, %swap3A_548], %swap3A_551 {strides = array<i32>} : memref<2x128xi32, #tpu.memory_space<vmem>>, vector<1x16xi32>,
        %shift_right_logical3A_552 = arith.constant 14 : i32
        %shift_right_logical3A_553 = vector.broadcast %shift_right_logical3A_552 : i32 to vector<16xi32>
        %shift_right_logical3A_554 = arith.shrui %get3A_542, %shift_right_logical3A_553 : vector<16xi32>
        %swap3A_555 = arith.constant 0 : i32
        %swap3A_556 = arith.index_cast %swap3A_555 : i32 to index
        %swap3A_557 = arith.constant 64 : index
        %swap3A_558 = tpu.vector_load %arg8[%swap3A_556, %swap3A_557] {strides = array<i32>} : memref<2x128xi32, #tpu.memory_space<vmem>>, vector<1x16xi32>,
        %swap3A_559 = vector.shape_cast %swap3A_558 : vector<1x16xi32> to vector<16xi32>
        %swap3A_560 = vector.shape_cast %shift_right_logical3A_554 : vector<16xi32> to vector<1x16xi32>
        tpu.vector_store %arg8[%swap3A_556, %swap3A_557], %swap3A_560 {strides = array<i32>} : memref<2x128xi32, #tpu.memory_space<vmem>>, vector<1x16xi32>,
        %get3A_561 = arith.index_cast %add3A_450 : i32 to index
        %get3A_562 = arith.constant 80 : index
        %get3A_563 = tpu.vector_load %arg6[%get3A_561, %get3A_562] {strides = array<i32>} : memref<80x128xi32, #tpu.memory_space<vmem>>, vector<1x16xi32>,
        %get3A_564 = vector.shape_cast %get3A_563 : vector<1x16xi32> to vector<16xi32>
        %and3A_565 = arith.constant 16383 : i32
        %and3A_566 = vector.broadcast %and3A_565 : i32 to vector<16xi32>
        %and3A_567 = arith.andi %get3A_564, %and3A_566 : vector<16xi32>
        %swap3A_568 = arith.constant 0 : i32
        %swap3A_569 = arith.index_cast %swap3A_568 : i32 to index
        %swap3A_570 = arith.constant 80 : index
        %swap3A_571 = tpu.vector_load %arg7[%swap3A_569, %swap3A_570] {strides = array<i32>} : memref<2x128xi32, #tpu.memory_space<vmem>>, vector<1x16xi32>,
        %swap3A_572 = vector.shape_cast %swap3A_571 : vector<1x16xi32> to vector<16xi32>
        %swap3A_573 = vector.shape_cast %and3A_567 : vector<16xi32> to vector<1x16xi32>
        tpu.vector_store %arg7[%swap3A_569, %swap3A_570], %swap3A_573 {strides = array<i32>} : memref<2x128xi32, #tpu.memory_space<vmem>>, vector<1x16xi32>,
        %shift_right_logical3A_574 = arith.constant 14 : i32
        %shift_right_logical3A_575 = vector.broadcast %shift_right_logical3A_574 : i32 to vector<16xi32>
        %shift_right_logical3A_576 = arith.shrui %get3A_564, %shift_right_logical3A_575 : vector<16xi32>
        %swap3A_577 = arith.constant 0 : i32
        %swap3A_578 = arith.index_cast %swap3A_577 : i32 to index
        %swap3A_579 = arith.constant 80 : index
        %swap3A_580 = tpu.vector_load %arg8[%swap3A_578, %swap3A_579] {strides = array<i32>} : memref<2x128xi32, #tpu.memory_space<vmem>>, vector<1x16xi32>,
        %swap3A_581 = vector.shape_cast %swap3A_580 : vector<1x16xi32> to vector<16xi32>
        %swap3A_582 = vector.shape_cast %shift_right_logical3A_576 : vector<16xi32> to vector<1x16xi32>
        tpu.vector_store %arg8[%swap3A_578, %swap3A_579], %swap3A_582 {strides = array<i32>} : memref<2x128xi32, #tpu.memory_space<vmem>>, vector<1x16xi32>,
        %get3A_583 = arith.index_cast %add3A_450 : i32 to index
        %get3A_584 = arith.constant 96 : index
        %get3A_585 = tpu.vector_load %arg6[%get3A_583, %get3A_584] {strides = array<i32>} : memref<80x128xi32, #tpu.memory_space<vmem>>, vector<1x16xi32>,
        %get3A_586 = vector.shape_cast %get3A_585 : vector<1x16xi32> to vector<16xi32>
        %and3A_587 = arith.constant 16383 : i32
        %and3A_588 = vector.broadcast %and3A_587 : i32 to vector<16xi32>
        %and3A_589 = arith.andi %get3A_586, %and3A_588 : vector<16xi32>
        %swap3A_590 = arith.constant 0 : i32
        %swap3A_591 = arith.index_cast %swap3A_590 : i32 to index
        %swap3A_592 = arith.constant 96 : index
        %swap3A_593 = tpu.vector_load %arg7[%swap3A_591, %swap3A_592] {strides = array<i32>} : memref<2x128xi32, #tpu.memory_space<vmem>>, vector<1x16xi32>,
        %swap3A_594 = vector.shape_cast %swap3A_593 : vector<1x16xi32> to vector<16xi32>
        %swap3A_595 = vector.shape_cast %and3A_589 : vector<16xi32> to vector<1x16xi32>
        tpu.vector_store %arg7[%swap3A_591, %swap3A_592], %swap3A_595 {strides = array<i32>} : memref<2x128xi32, #tpu.memory_space<vmem>>, vector<1x16xi32>,
        %shift_right_logical3A_596 = arith.constant 14 : i32
        %shift_right_logical3A_597 = vector.broadcast %shift_right_logical3A_596 : i32 to vector<16xi32>
        %shift_right_logical3A_598 = arith.shrui %get3A_586, %shift_right_logical3A_597 : vector<16xi32>
        %swap3A_599 = arith.constant 0 : i32
        %swap3A_600 = arith.index_cast %swap3A_599 : i32 to index
        %swap3A_601 = arith.constant 96 : index
        %swap3A_602 = tpu.vector_load %arg8[%swap3A_600, %swap3A_601] {strides = array<i32>} : memref<2x128xi32, #tpu.memory_space<vmem>>, vector<1x16xi32>,
        %swap3A_603 = vector.shape_cast %swap3A_602 : vector<1x16xi32> to vector<16xi32>
        %swap3A_604 = vector.shape_cast %shift_right_logical3A_598 : vector<16xi32> to vector<1x16xi32>
        tpu.vector_store %arg8[%swap3A_600, %swap3A_601], %swap3A_604 {strides = array<i32>} : memref<2x128xi32, #tpu.memory_space<vmem>>, vector<1x16xi32>,
        %get3A_605 = arith.index_cast %add3A_450 : i32 to index
        %get3A_606 = arith.constant 112 : index
        %get3A_607 = tpu.vector_load %arg6[%get3A_605, %get3A_606] {strides = array<i32>} : memref<80x128xi32, #tpu.memory_space<vmem>>, vector<1x16xi32>,
        %get3A_608 = vector.shape_cast %get3A_607 : vector<1x16xi32> to vector<16xi32>
        %and3A_609 = arith.constant 16383 : i32
        %and3A_610 = vector.broadcast %and3A_609 : i32 to vector<16xi32>
        %and3A_611 = arith.andi %get3A_608, %and3A_610 : vector<16xi32>
        %swap3A_612 = arith.constant 0 : i32
        %swap3A_613 = arith.index_cast %swap3A_612 : i32 to index
        %swap3A_614 = arith.constant 112 : index
        %swap3A_615 = tpu.vector_load %arg7[%swap3A_613, %swap3A_614] {strides = array<i32>} : memref<2x128xi32, #tpu.memory_space<vmem>>, vector<1x16xi32>,
        %swap3A_616 = vector.shape_cast %swap3A_615 : vector<1x16xi32> to vector<16xi32>
        %swap3A_617 = vector.shape_cast %and3A_611 : vector<16xi32> to vector<1x16xi32>
        tpu.vector_store %arg7[%swap3A_613, %swap3A_614], %swap3A_617 {strides = array<i32>} : memref<2x128xi32, #tpu.memory_space<vmem>>, vector<1x16xi32>,
        %shift_right_logical3A_618 = arith.constant 14 : i32
        %shift_right_logical3A_619 = vector.broadcast %shift_right_logical3A_618 : i32 to vector<16xi32>
        %shift_right_logical3A_620 = arith.shrui %get3A_608, %shift_right_logical3A_619 : vector<16xi32>
        %swap3A_621 = arith.constant 0 : i32
        %swap3A_622 = arith.index_cast %swap3A_621 : i32 to index
        %swap3A_623 = arith.constant 112 : index
        %swap3A_624 = tpu.vector_load %arg8[%swap3A_622, %swap3A_623] {strides = array<i32>} : memref<2x128xi32, #tpu.memory_space<vmem>>, vector<1x16xi32>,
        %swap3A_625 = vector.shape_cast %swap3A_624 : vector<1x16xi32> to vector<16xi32>
        %swap3A_626 = vector.shape_cast %shift_right_logical3A_620 : vector<16xi32> to vector<1x16xi32>
        tpu.vector_store %arg8[%swap3A_622, %swap3A_623], %swap3A_626 {strides = array<i32>} : memref<2x128xi32, #tpu.memory_space<vmem>>, vector<1x16xi32>,
        %dma_start3A_627 = arith.constant 0 : i32
        %dma_start3A_628 = arith.constant 0 : i32
        %dma_start3A_629 = tpu.memref_slice %arg7[%dma_start3A_627, %dma_start3A_628] : memref<2x128xi32, #tpu.memory_space<vmem>> -> memref<1x128xi32, #tpu.memory_space<vmem>>
        %dma_start3A_630 = tpu.memref_squeeze %dma_start3A_629 : memref<1x128xi32, #tpu.memory_space<vmem>> -> memref<128xi32, #tpu.memory_space<vmem>>
        %dma_start3A_631 = arith.constant 0 : i32
        %dma_start3A_632 = arith.constant 0 : i32
        %dma_start3A_633 = tpu.memref_slice %arg2[%dma_start3A_631, %dma_start3A_632] : memref<10000x128xf32, #tpu.memory_space<hbm>> -> memref<10000x128xf32, #tpu.memory_space<hbm>>
        tpu.enqueue_indirect_dma source(%dma_start3A_633 : memref<10000x128xf32, #tpu.memory_space<hbm>>) target(%arg9 : memref<128x128xf32, #tpu.memory_space<vmem>>) offsets(%dma_start3A_630 : memref<128xi32, #tpu.memory_space<vmem>>) semaphore(%arg12 : memref<!tpu.dma_semaphore, #tpu.memory_space<semaphore_mem>>)
      } else {
      }
      %add3A_435 = arith.constant 1 : i32
      %add3A_436 = arith.addi %mul3A_392, %add3A_435 : i32
      %dma_wait3A_437 = arith.constant 1 : i32
      %dma_wait3A_438 = arith.constant 0 : i32
      %dma_wait3A_439 = tpu.memref_slice %arg8[%dma_wait3A_437, %dma_wait3A_438] : memref<2x128xi32, #tpu.memory_space<vmem>> -> memref<1x128xi32, #tpu.memory_space<vmem>>
      %dma_wait3A_440 = tpu.memref_squeeze %dma_wait3A_439 : memref<1x128xi32, #tpu.memory_space<vmem>> -> memref<128xi32, #tpu.memory_space<vmem>>
      %dma_wait3A_441 = arith.constant 0 : i32
      %dma_wait3A_442 = arith.constant 0 : i32
      %dma_wait3A_443 = tpu.memref_slice %arg11[%dma_wait3A_441, %dma_wait3A_442] : memref<10240x128xf32, #tpu.memory_space<vmem_shared>> -> memref<10240x128xf32, #tpu.memory_space<vmem_shared>>
      tpu.wait_indirect_dma semaphore(%arg15 : memref<!tpu.dma_semaphore, #tpu.memory_space<semaphore_mem>>) src(%arg10 : memref<128x128xf32, #tpu.memory_space<vmem>>) dst(%dma_wait3A_443 : memref<10240x128xf32, #tpu.memory_space<vmem_shared>>)
      %lt3A_444 = arith.constant 39 : i32
      %lt3A_445 = arith.cmpi slt, %scan3A_390, %lt3A_444 : i32
      %convert_element_type3A_446 = arith.extui %lt3A_445 : i1 to i32
      %cond3A_447 = arith.constant 0 : i32
      %cond3A_448 = arith.cmpi ne, %convert_element_type3A_446, %cond3A_447 : i32
      scf.if %cond3A_448 {
        %add3A_449 = arith.constant 2 : i32
        %add3A_450 = arith.addi %add3A_436, %add3A_449 : i32
        %get3A_451 = arith.index_cast %add3A_450 : i32 to index
        %get3A_452 = arith.constant 0 : index
        %get3A_453 = tpu.vector_load %arg6[%get3A_451, %get3A_452] {strides = array<i32>} : memref<80x128xi32, #tpu.memory_space<vmem>>, vector<1x16xi32>,
        %get3A_454 = vector.shape_cast %get3A_453 : vector<1x16xi32> to vector<16xi32>
        %and3A_455 = arith.constant 16383 : i32
        %and3A_456 = vector.broadcast %and3A_455 : i32 to vector<16xi32>
        %and3A_457 = arith.andi %get3A_454, %and3A_456 : vector<16xi32>
        %swap3A_458 = arith.constant 1 : i32
        %swap3A_459 = arith.index_cast %swap3A_458 : i32 to index
        %swap3A_460 = arith.constant 0 : index
        %swap3A_461 = tpu.vector_load %arg7[%swap3A_459, %swap3A_460] {strides = array<i32>} : memref<2x128xi32, #tpu.memory_space<vmem>>, vector<1x16xi32>,
        %swap3A_462 = vector.shape_cast %swap3A_461 : vector<1x16xi32> to vector<16xi32>
        %swap3A_463 = vector.shape_cast %and3A_457 : vector<16xi32> to vector<1x16xi32>
        tpu.vector_store %arg7[%swap3A_459, %swap3A_460], %swap3A_463 {strides = array<i32>} : memref<2x128xi32, #tpu.memory_space<vmem>>, vector<1x16xi32>,
        %shift_right_logical3A_464 = arith.constant 14 : i32
        %shift_right_logical3A_465 = vector.broadcast %shift_right_logical3A_464 : i32 to vector<16xi32>
        %shift_right_logical3A_466 = arith.shrui %get3A_454, %shift_right_logical3A_465 : vector<16xi32>
        %swap3A_467 = arith.constant 1 : i32
        %swap3A_468 = arith.index_cast %swap3A_467 : i32 to index
        %swap3A_469 = arith.constant 0 : index
        %swap3A_470 = tpu.vector_load %arg8[%swap3A_468, %swap3A_469] {strides = array<i32>} : memref<2x128xi32, #tpu.memory_space<vmem>>, vector<1x16xi32>,
        %swap3A_471 = vector.shape_cast %swap3A_470 : vector<1x16xi32> to vector<16xi32>
        %swap3A_472 = vector.shape_cast %shift_right_logical3A_466 : vector<16xi32> to vector<1x16xi32>
        tpu.vector_store %arg8[%swap3A_468, %swap3A_469], %swap3A_472 {strides = array<i32>} : memref<2x128xi32, #tpu.memory_space<vmem>>, vector<1x16xi32>,
        %get3A_473 = arith.index_cast %add3A_450 : i32 to index
        %get3A_474 = arith.constant 16 : index
        %get3A_475 = tpu.vector_load %arg6[%get3A_473, %get3A_474] {strides = array<i32>} : memref<80x128xi32, #tpu.memory_space<vmem>>, vector<1x16xi32>,
        %get3A_476 = vector.shape_cast %get3A_475 : vector<1x16xi32> to vector<16xi32>
        %and3A_477 = arith.constant 16383 : i32
        %and3A_478 = vector.broadcast %and3A_477 : i32 to vector<16xi32>
        %and3A_479 = arith.andi %get3A_476, %and3A_478 : vector<16xi32>
        %swap3A_480 = arith.constant 1 : i32
        %swap3A_481 = arith.index_cast %swap3A_480 : i32 to index
        %swap3A_482 = arith.constant 16 : index
        %swap3A_483 = tpu.vector_load %arg7[%swap3A_481, %swap3A_482] {strides = array<i32>} : memref<2x128xi32, #tpu.memory_space<vmem>>, vector<1x16xi32>,
        %swap3A_484 = vector.shape_cast %swap3A_483 : vector<1x16xi32> to vector<16xi32>
        %swap3A_485 = vector.shape_cast %and3A_479 : vector<16xi32> to vector<1x16xi32>
        tpu.vector_store %arg7[%swap3A_481, %swap3A_482], %swap3A_485 {strides = array<i32>} : memref<2x128xi32, #tpu.memory_space<vmem>>, vector<1x16xi32>,
        %shift_right_logical3A_486 = arith.constant 14 : i32
        %shift_right_logical3A_487 = vector.broadcast %shift_right_logical3A_486 : i32 to vector<16xi32>
        %shift_right_logical3A_488 = arith.shrui %get3A_476, %shift_right_logical3A_487 : vector<16xi32>
        %swap3A_489 = arith.constant 1 : i32
        %swap3A_490 = arith.index_cast %swap3A_489 : i32 to index
        %swap3A_491 = arith.constant 16 : index
        %swap3A_492 = tpu.vector_load %arg8[%swap3A_490, %swap3A_491] {strides = array<i32>} : memref<2x128xi32, #tpu.memory_space<vmem>>, vector<1x16xi32>,
        %swap3A_493 = vector.shape_cast %swap3A_492 : vector<1x16xi32> to vector<16xi32>
        %swap3A_494 = vector.shape_cast %shift_right_logical3A_488 : vector<16xi32> to vector<1x16xi32>
        tpu.vector_store %arg8[%swap3A_490, %swap3A_491], %swap3A_494 {strides = array<i32>} : memref<2x128xi32, #tpu.memory_space<vmem>>, vector<1x16xi32>,
        %get3A_495 = arith.index_cast %add3A_450 : i32 to index
        %get3A_496 = arith.constant 32 : index
        %get3A_497 = tpu.vector_load %arg6[%get3A_495, %get3A_496] {strides = array<i32>} : memref<80x128xi32, #tpu.memory_space<vmem>>, vector<1x16xi32>,
        %get3A_498 = vector.shape_cast %get3A_497 : vector<1x16xi32> to vector<16xi32>
        %and3A_499 = arith.constant 16383 : i32
        %and3A_500 = vector.broadcast %and3A_499 : i32 to vector<16xi32>
        %and3A_501 = arith.andi %get3A_498, %and3A_500 : vector<16xi32>
        %swap3A_502 = arith.constant 1 : i32
        %swap3A_503 = arith.index_cast %swap3A_502 : i32 to index
        %swap3A_504 = arith.constant 32 : index
        %swap3A_505 = tpu.vector_load %arg7[%swap3A_503, %swap3A_504] {strides = array<i32>} : memref<2x128xi32, #tpu.memory_space<vmem>>, vector<1x16xi32>,
        %swap3A_506 = vector.shape_cast %swap3A_505 : vector<1x16xi32> to vector<16xi32>
        %swap3A_507 = vector.shape_cast %and3A_501 : vector<16xi32> to vector<1x16xi32>
        tpu.vector_store %arg7[%swap3A_503, %swap3A_504], %swap3A_507 {strides = array<i32>} : memref<2x128xi32, #tpu.memory_space<vmem>>, vector<1x16xi32>,
        %shift_right_logical3A_508 = arith.constant 14 : i32
        %shift_right_logical3A_509 = vector.broadcast %shift_right_logical3A_508 : i32 to vector<16xi32>
        %shift_right_logical3A_510 = arith.shrui %get3A_498, %shift_right_logical3A_509 : vector<16xi32>
        %swap3A_511 = arith.constant 1 : i32
        %swap3A_512 = arith.index_cast %swap3A_511 : i32 to index
        %swap3A_513 = arith.constant 32 : index
        %swap3A_514 = tpu.vector_load %arg8[%swap3A_512, %swap3A_513] {strides = array<i32>} : memref<2x128xi32, #tpu.memory_space<vmem>>, vector<1x16xi32>,
        %swap3A_515 = vector.shape_cast %swap3A_514 : vector<1x16xi32> to vector<16xi32>
        %swap3A_516 = vector.shape_cast %shift_right_logical3A_510 : vector<16xi32> to vector<1x16xi32>
        tpu.vector_store %arg8[%swap3A_512, %swap3A_513], %swap3A_516 {strides = array<i32>} : memref<2x128xi32, #tpu.memory_space<vmem>>, vector<1x16xi32>,
        %get3A_517 = arith.index_cast %add3A_450 : i32 to index
        %get3A_518 = arith.constant 48 : index
        %get3A_519 = tpu.vector_load %arg6[%get3A_517, %get3A_518] {strides = array<i32>} : memref<80x128xi32, #tpu.memory_space<vmem>>, vector<1x16xi32>,
        %get3A_520 = vector.shape_cast %get3A_519 : vector<1x16xi32> to vector<16xi32>
        %and3A_521 = arith.constant 16383 : i32
        %and3A_522 = vector.broadcast %and3A_521 : i32 to vector<16xi32>
        %and3A_523 = arith.andi %get3A_520, %and3A_522 : vector<16xi32>
        %swap3A_524 = arith.constant 1 : i32
        %swap3A_525 = arith.index_cast %swap3A_524 : i32 to index
        %swap3A_526 = arith.constant 48 : index
        %swap3A_527 = tpu.vector_load %arg7[%swap3A_525, %swap3A_526] {strides = array<i32>} : memref<2x128xi32, #tpu.memory_space<vmem>>, vector<1x16xi32>,
        %swap3A_528 = vector.shape_cast %swap3A_527 : vector<1x16xi32> to vector<16xi32>
        %swap3A_529 = vector.shape_cast %and3A_523 : vector<16xi32> to vector<1x16xi32>
        tpu.vector_store %arg7[%swap3A_525, %swap3A_526], %swap3A_529 {strides = array<i32>} : memref<2x128xi32, #tpu.memory_space<vmem>>, vector<1x16xi32>,
        %shift_right_logical3A_530 = arith.constant 14 : i32
        %shift_right_logical3A_531 = vector.broadcast %shift_right_logical3A_530 : i32 to vector<16xi32>
        %shift_right_logical3A_532 = arith.shrui %get3A_520, %shift_right_logical3A_531 : vector<16xi32>
        %swap3A_533 = arith.constant 1 : i32
        %swap3A_534 = arith.index_cast %swap3A_533 : i32 to index
        %swap3A_535 = arith.constant 48 : index
        %swap3A_536 = tpu.vector_load %arg8[%swap3A_534, %swap3A_535] {strides = array<i32>} : memref<2x128xi32, #tpu.memory_space<vmem>>, vector<1x16xi32>,
        %swap3A_537 = vector.shape_cast %swap3A_536 : vector<1x16xi32> to vector<16xi32>
        %swap3A_538 = vector.shape_cast %shift_right_logical3A_532 : vector<16xi32> to vector<1x16xi32>
        tpu.vector_store %arg8[%swap3A_534, %swap3A_535], %swap3A_538 {strides = array<i32>} : memref<2x128xi32, #tpu.memory_space<vmem>>, vector<1x16xi32>,
        %get3A_539 = arith.index_cast %add3A_450 : i32 to index
        %get3A_540 = arith.constant 64 : index
        %get3A_541 = tpu.vector_load %arg6[%get3A_539, %get3A_540] {strides = array<i32>} : memref<80x128xi32, #tpu.memory_space<vmem>>, vector<1x16xi32>,
        %get3A_542 = vector.shape_cast %get3A_541 : vector<1x16xi32> to vector<16xi32>
        %and3A_543 = arith.constant 16383 : i32
        %and3A_544 = vector.broadcast %and3A_543 : i32 to vector<16xi32>
        %and3A_545 = arith.andi %get3A_542, %and3A_544 : vector<16xi32>
        %swap3A_546 = arith.constant 1 : i32
        %swap3A_547 = arith.index_cast %swap3A_546 : i32 to index
        %swap3A_548 = arith.constant 64 : index
        %swap3A_549 = tpu.vector_load %arg7[%swap3A_547, %swap3A_548] {strides = array<i32>} : memref<2x128xi32, #tpu.memory_space<vmem>>, vector<1x16xi32>,
        %swap3A_550 = vector.shape_cast %swap3A_549 : vector<1x16xi32> to vector<16xi32>
        %swap3A_551 = vector.shape_cast %and3A_545 : vector<16xi32> to vector<1x16xi32>
        tpu.vector_store %arg7[%swap3A_547, %swap3A_548], %swap3A_551 {strides = array<i32>} : memref<2x128xi32, #tpu.memory_space<vmem>>, vector<1x16xi32>,
        %shift_right_logical3A_552 = arith.constant 14 : i32
        %shift_right_logical3A_553 = vector.broadcast %shift_right_logical3A_552 : i32 to vector<16xi32>
        %shift_right_logical3A_554 = arith.shrui %get3A_542, %shift_right_logical3A_553 : vector<16xi32>
        %swap3A_555 = arith.constant 1 : i32
        %swap3A_556 = arith.index_cast %swap3A_555 : i32 to index
        %swap3A_557 = arith.constant 64 : index
        %swap3A_558 = tpu.vector_load %arg8[%swap3A_556, %swap3A_557] {strides = array<i32>} : memref<2x128xi32, #tpu.memory_space<vmem>>, vector<1x16xi32>,
        %swap3A_559 = vector.shape_cast %swap3A_558 : vector<1x16xi32> to vector<16xi32>
        %swap3A_560 = vector.shape_cast %shift_right_logical3A_554 : vector<16xi32> to vector<1x16xi32>
        tpu.vector_store %arg8[%swap3A_556, %swap3A_557], %swap3A_560 {strides = array<i32>} : memref<2x128xi32, #tpu.memory_space<vmem>>, vector<1x16xi32>,
        %get3A_561 = arith.index_cast %add3A_450 : i32 to index
        %get3A_562 = arith.constant 80 : index
        %get3A_563 = tpu.vector_load %arg6[%get3A_561, %get3A_562] {strides = array<i32>} : memref<80x128xi32, #tpu.memory_space<vmem>>, vector<1x16xi32>,
        %get3A_564 = vector.shape_cast %get3A_563 : vector<1x16xi32> to vector<16xi32>
        %and3A_565 = arith.constant 16383 : i32
        %and3A_566 = vector.broadcast %and3A_565 : i32 to vector<16xi32>
        %and3A_567 = arith.andi %get3A_564, %and3A_566 : vector<16xi32>
        %swap3A_568 = arith.constant 1 : i32
        %swap3A_569 = arith.index_cast %swap3A_568 : i32 to index
        %swap3A_570 = arith.constant 80 : index
        %swap3A_571 = tpu.vector_load %arg7[%swap3A_569, %swap3A_570] {strides = array<i32>} : memref<2x128xi32, #tpu.memory_space<vmem>>, vector<1x16xi32>,
        %swap3A_572 = vector.shape_cast %swap3A_571 : vector<1x16xi32> to vector<16xi32>
        %swap3A_573 = vector.shape_cast %and3A_567 : vector<16xi32> to vector<1x16xi32>
        tpu.vector_store %arg7[%swap3A_569, %swap3A_570], %swap3A_573 {strides = array<i32>} : memref<2x128xi32, #tpu.memory_space<vmem>>, vector<1x16xi32>,
        %shift_right_logical3A_574 = arith.constant 14 : i32
        %shift_right_logical3A_575 = vector.broadcast %shift_right_logical3A_574 : i32 to vector<16xi32>
        %shift_right_logical3A_576 = arith.shrui %get3A_564, %shift_right_logical3A_575 : vector<16xi32>
        %swap3A_577 = arith.constant 1 : i32
        %swap3A_578 = arith.index_cast %swap3A_577 : i32 to index
        %swap3A_579 = arith.constant 80 : index
        %swap3A_580 = tpu.vector_load %arg8[%swap3A_578, %swap3A_579] {strides = array<i32>} : memref<2x128xi32, #tpu.memory_space<vmem>>, vector<1x16xi32>,
        %swap3A_581 = vector.shape_cast %swap3A_580 : vector<1x16xi32> to vector<16xi32>
        %swap3A_582 = vector.shape_cast %shift_right_logical3A_576 : vector<16xi32> to vector<1x16xi32>
        tpu.vector_store %arg8[%swap3A_578, %swap3A_579], %swap3A_582 {strides = array<i32>} : memref<2x128xi32, #tpu.memory_space<vmem>>, vector<1x16xi32>,
        %get3A_583 = arith.index_cast %add3A_450 : i32 to index
        %get3A_584 = arith.constant 96 : index
        %get3A_585 = tpu.vector_load %arg6[%get3A_583, %get3A_584] {strides = array<i32>} : memref<80x128xi32, #tpu.memory_space<vmem>>, vector<1x16xi32>,
        %get3A_586 = vector.shape_cast %get3A_585 : vector<1x16xi32> to vector<16xi32>
        %and3A_587 = arith.constant 16383 : i32
        %and3A_588 = vector.broadcast %and3A_587 : i32 to vector<16xi32>
        %and3A_589 = arith.andi %get3A_586, %and3A_588 : vector<16xi32>
        %swap3A_590 = arith.constant 1 : i32
        %swap3A_591 = arith.index_cast %swap3A_590 : i32 to index
        %swap3A_592 = arith.constant 96 : index
        %swap3A_593 = tpu.vector_load %arg7[%swap3A_591, %swap3A_592] {strides = array<i32>} : memref<2x128xi32, #tpu.memory_space<vmem>>, vector<1x16xi32>,
        %swap3A_594 = vector.shape_cast %swap3A_593 : vector<1x16xi32> to vector<16xi32>
        %swap3A_595 = vector.shape_cast %and3A_589 : vector<16xi32> to vector<1x16xi32>
        tpu.vector_store %arg7[%swap3A_591, %swap3A_592], %swap3A_595 {strides = array<i32>} : memref<2x128xi32, #tpu.memory_space<vmem>>, vector<1x16xi32>,
        %shift_right_logical3A_596 = arith.constant 14 : i32
        %shift_right_logical3A_597 = vector.broadcast %shift_right_logical3A_596 : i32 to vector<16xi32>
        %shift_right_logical3A_598 = arith.shrui %get3A_586, %shift_right_logical3A_597 : vector<16xi32>
        %swap3A_599 = arith.constant 1 : i32
        %swap3A_600 = arith.index_cast %swap3A_599 : i32 to index
        %swap3A_601 = arith.constant 96 : index
        %swap3A_602 = tpu.vector_load %arg8[%swap3A_600, %swap3A_601] {strides = array<i32>} : memref<2x128xi32, #tpu.memory_space<vmem>>, vector<1x16xi32>,
        %swap3A_603 = vector.shape_cast %swap3A_602 : vector<1x16xi32> to vector<16xi32>
        %swap3A_604 = vector.shape_cast %shift_right_logical3A_598 : vector<16xi32> to vector<1x16xi32>
        tpu.vector_store %arg8[%swap3A_600, %swap3A_601], %swap3A_604 {strides = array<i32>} : memref<2x128xi32, #tpu.memory_space<vmem>>, vector<1x16xi32>,
        %get3A_605 = arith.index_cast %add3A_450 : i32 to index
        %get3A_606 = arith.constant 112 : index
        %get3A_607 = tpu.vector_load %arg6[%get3A_605, %get3A_606] {strides = array<i32>} : memref<80x128xi32, #tpu.memory_space<vmem>>, vector<1x16xi32>,
        %get3A_608 = vector.shape_cast %get3A_607 : vector<1x16xi32> to vector<16xi32>
        %and3A_609 = arith.constant 16383 : i32
        %and3A_610 = vector.broadcast %and3A_609 : i32 to vector<16xi32>
        %and3A_611 = arith.andi %get3A_608, %and3A_610 : vector<16xi32>
        %swap3A_612 = arith.constant 1 : i32
        %swap3A_613 = arith.index_cast %swap3A_612 : i32 to index
        %swap3A_614 = arith.constant 112 : index
        %swap3A_615 = tpu.vector_load %arg7[%swap3A_613, %swap3A_614] {strides = array<i32>} : memref<2x128xi32, #tpu.memory_space<vmem>>, vector<1x16xi32>,
        %swap3A_616 = vector.shape_cast %swap3A_615 : vector<1x16xi32> to vector<16xi32>
        %swap3A_617 = vector.shape_cast %and3A_611 : vector<16xi32> to vector<1x16xi32>
        tpu.vector_store %arg7[%swap3A_613, %swap3A_614], %swap3A_617 {strides = array<i32>} : memref<2x128xi32, #tpu.memory_space<vmem>>, vector<1x16xi32>,
        %shift_right_logical3A_618 = arith.constant 14 : i32
        %shift_right_logical3A_619 = vector.broadcast %shift_right_logical3A_618 : i32 to vector<16xi32>
        %shift_right_logical3A_620 = arith.shrui %get3A_608, %shift_right_logical3A_619 : vector<16xi32>
        %swap3A_621 = arith.constant 1 : i32
        %swap3A_622 = arith.index_cast %swap3A_621 : i32 to index
        %swap3A_623 = arith.constant 112 : index
        %swap3A_624 = tpu.vector_load %arg8[%swap3A_622, %swap3A_623] {strides = array<i32>} : memref<2x128xi32, #tpu.memory_space<vmem>>, vector<1x16xi32>,
        %swap3A_625 = vector.shape_cast %swap3A_624 : vector<1x16xi32> to vector<16xi32>
        %swap3A_626 = vector.shape_cast %shift_right_logical3A_620 : vector<16xi32> to vector<1x16xi32>
        tpu.vector_store %arg8[%swap3A_622, %swap3A_623], %swap3A_626 {strides = array<i32>} : memref<2x128xi32, #tpu.memory_space<vmem>>, vector<1x16xi32>,
        %dma_start3A_627 = arith.constant 1 : i32
        %dma_start3A_628 = arith.constant 0 : i32
        %dma_start3A_629 = tpu.memref_slice %arg7[%dma_start3A_627, %dma_start3A_628] : memref<2x128xi32, #tpu.memory_space<vmem>> -> memref<1x128xi32, #tpu.memory_space<vmem>>
        %dma_start3A_630 = tpu.memref_squeeze %dma_start3A_629 : memref<1x128xi32, #tpu.memory_space<vmem>> -> memref<128xi32, #tpu.memory_space<vmem>>
        %dma_start3A_631 = arith.constant 0 : i32
        %dma_start3A_632 = arith.constant 0 : i32
        %dma_start3A_633 = tpu.memref_slice %arg2[%dma_start3A_631, %dma_start3A_632] : memref<10000x128xf32, #tpu.memory_space<hbm>> -> memref<10000x128xf32, #tpu.memory_space<hbm>>
        tpu.enqueue_indirect_dma source(%dma_start3A_633 : memref<10000x128xf32, #tpu.memory_space<hbm>>) target(%arg10 : memref<128x128xf32, #tpu.memory_space<vmem>>) offsets(%dma_start3A_630 : memref<128xi32, #tpu.memory_space<vmem>>) semaphore(%arg13 : memref<!tpu.dma_semaphore, #tpu.memory_space<semaphore_mem>>)
      } else {
      }
    }
    %scan3A_384 = arith.constant 40 : i32
    %barrier3A_385 = arith.constant 0 : index
    tpu.barrier barrier_id(%barrier3A_385)
    %mul3A_386 = arith.constant 640 : i32
    %mul3A_387 = arith.muli %arg1, %mul3A_386 : i32
    %mul3A_388 = arith.constant 640 : i32
    %mul3A_389 = arith.muli %arg1, %mul3A_388 : i32
    "tpu.region"() ({
      %run_scoped3A = tpu.sem_alloc : memref<!tpu.dma_semaphore, #tpu.memory_space<semaphore_mem>>
      %dma_start3A_390 = arith.constant 0 : i32
      %dma_start3A_391 = tpu.memref_slice %arg5[%arg0, %mul3A_389, %dma_start3A_390] : memref<2x10240x128xf32, #tpu.memory_space<hbm>> -> memref<1x640x128xf32, #tpu.memory_space<hbm>>
      %dma_start3A_392 = tpu.memref_squeeze %dma_start3A_391 : memref<1x640x128xf32, #tpu.memory_space<hbm>> -> memref<640x128xf32, #tpu.memory_space<hbm>>
      %dma_start3A_393 = arith.constant 0 : i32
      %dma_start3A_394 = tpu.memref_slice %arg11[%mul3A_387, %dma_start3A_393] : memref<10240x128xf32, #tpu.memory_space<vmem_shared>> -> memref<640x128xf32, #tpu.memory_space<vmem_shared>>
      tpu.enqueue_dma source(%dma_start3A_394 : memref<640x128xf32, #tpu.memory_space<vmem_shared>>) target(%dma_start3A_392 : memref<640x128xf32, #tpu.memory_space<hbm>>) target_semaphore(%run_scoped3A : memref<!tpu.dma_semaphore, #tpu.memory_space<semaphore_mem>>)
      %dma_wait3A = arith.constant 0 : i32
      %dma_wait3A_395 = tpu.memref_slice %arg5[%arg0, %mul3A_389, %dma_wait3A] : memref<2x10240x128xf32, #tpu.memory_space<hbm>> -> memref<1x640x128xf32, #tpu.memory_space<hbm>>
      %dma_wait3A_396 = tpu.memref_squeeze %dma_wait3A_395 : memref<1x640x128xf32, #tpu.memory_space<hbm>> -> memref<640x128xf32, #tpu.memory_space<hbm>>
      %dma_wait3A_397 = arith.constant 0 : i32
      %dma_wait3A_398 = tpu.memref_slice %arg11[%mul3A_387, %dma_wait3A_397] : memref<10240x128xf32, #tpu.memory_space<vmem_shared>> -> memref<640x128xf32, #tpu.memory_space<vmem_shared>>
      tpu.wait_dma2 semaphore(%run_scoped3A : memref<!tpu.dma_semaphore, #tpu.memory_space<semaphore_mem>>) src(%dma_wait3A_398 : memref<640x128xf32, #tpu.memory_space<vmem_shared>>) dst(%dma_wait3A_396 : memref<640x128xf32, #tpu.memory_space<hbm>>)
      tpu.yield
    }) : () -> ()
    return
  }
}

#map = affine_map<(d0, d1) -> (0, 0)>
#map1 = affine_map<(d0, d1) -> (0, 0, 0)>
module attributes {stable_mosaic.version = 14 : i64} {
  func.func @_sc_segment_sum(%arg0: i32, %arg1: i32, %arg2: memref<10000x128xf32, #tpu.memory_space<hbm>>, %arg3: memref<32x80x128xi32, #tpu.memory_space<hbm>>, %arg4: memref<640x128xf32, #tpu.memory_space<hbm>>, %arg5: memref<2x10240x128xf32, #tpu.memory_space<hbm>>, %arg6: memref<80x128xi32, #tpu.memory_space<vmem>>, %arg7: memref<2x128xi32, #tpu.memory_space<vmem>>, %arg8: memref<2x128xi32, #tpu.memory_space<vmem>>, %arg9: memref<128x128xf32, #tpu.memory_space<vmem>>, %arg10: memref<128x128xf32, #tpu.memory_space<vmem>>, %arg11: memref<10240x128xf32, #tpu.memory_space<vmem_shared>>, %arg12: memref<!tpu.dma_semaphore, #tpu.memory_space<semaphore_mem>>, %arg13: memref<!tpu.dma_semaphore, #tpu.memory_space<semaphore_mem>>, %arg14: memref<!tpu.dma_semaphore, #tpu.memory_space<semaphore_mem>>, %arg15: memref<!tpu.dma_semaphore, #tpu.memory_space<semaphore_mem>>) attributes {dimension_semantics = [#tpu.dimension_semantics<core_parallel>, #tpu.dimension_semantics<subcore_parallel>], iteration_bounds = array<i64: 2, 16>, scalar_prefetch = 0 : i64, scratch_operands = 10 : i64, tpu.core_type = #tpu.core_type<sc_vector_subcore>, window_params = [{transform_indices = #map}, {transform_indices = #map1}, {transform_indices = #map}, {transform_indices = #map1}]} {
    %mul3A = arith.constant 2 : i32
    %mul3A_0 = arith.muli %arg1, %mul3A : i32
    %add3A = arith.addi %mul3A_0, %arg0 : i32
    %mul3A_1 = arith.constant 640 : i32
    %mul3A_2 = arith.muli %arg1, %mul3A_1 : i32
    "tpu.region"() ({
      %run_scoped3A = tpu.sem_alloc : memref<!tpu.dma_semaphore, #tpu.memory_space<semaphore_mem>>
      %dma_start3A_390 = arith.constant 0 : i32
      %dma_start3A_391 = tpu.memref_slice %arg11[%mul3A_2, %dma_start3A_390] : memref<10240x128xf32, #tpu.memory_space<vmem_shared>> -> memref<640x128xf32, #tpu.memory_space<vmem_shared>>
      tpu.enqueue_dma source(%arg4 : memref<640x128xf32, #tpu.memory_space<hbm>>) target(%dma_start3A_391 : memref<640x128xf32, #tpu.memory_space<vmem_shared>>) target_semaphore(%run_scoped3A : memref<!tpu.dma_semaphore, #tpu.memory_space<semaphore_mem>>)
      %dma_wait3A = arith.constant 0 : i32
      %dma_wait3A_392 = tpu.memref_slice %arg11[%mul3A_2, %dma_wait3A] : memref<10240x128xf32, #tpu.memory_space<vmem_shared>> -> memref<640x128xf32, #tpu.memory_space<vmem_shared>>
      tpu.wait_dma2 semaphore(%run_scoped3A : memref<!tpu.dma_semaphore, #tpu.memory_space<semaphore_mem>>) src(%arg4 : memref<640x128xf32, #tpu.memory_space<hbm>>) dst(%dma_wait3A_392 : memref<640x128xf32, #tpu.memory_space<vmem_shared>>)
      tpu.yield
    }) : () -> ()
    "tpu.region"() ({
      %run_scoped3A = tpu.sem_alloc : memref<!tpu.dma_semaphore, #tpu.memory_space<semaphore_mem>>
      %dma_start3A_390 = arith.constant 0 : i32
      %dma_start3A_391 = arith.constant 0 : i32
      %dma_start3A_392 = tpu.memref_slice %arg3[%add3A, %dma_start3A_390, %dma_start3A_391] : memref<32x80x128xi32, #tpu.memory_space<hbm>> -> memref<1x80x128xi32, #tpu.memory_space<hbm>>
      %dma_start3A_393 = tpu.memref_squeeze %dma_start3A_392 : memref<1x80x128xi32, #tpu.memory_space<hbm>> -> memref<80x128xi32, #tpu.memory_space<hbm>>
      %dma_start3A_394 = arith.constant 0 : i32
      %dma_start3A_395 = arith.constant 0 : i32
      %dma_start3A_396 = tpu.memref_slice %arg3[%add3A, %dma_start3A_394, %dma_start3A_395] : memref<32x80x128xi32, #tpu.memory_space<hbm>> -> memref<1x80x128xi32, #tpu.memory_space<hbm>>
      %dma_start3A_397 = tpu.memref_squeeze %dma_start3A_396 : memref<1x80x128xi32, #tpu.memory_space<hbm>> -> memref<80x128xi32, #tpu.memory_space<hbm>>
      tpu.enqueue_dma source(%dma_start3A_397 : memref<80x128xi32, #tpu.memory_space<hbm>>) target(%arg6 : memref<80x128xi32, #tpu.memory_space<vmem>>) target_semaphore(%run_scoped3A : memref<!tpu.dma_semaphore, #tpu.memory_space<semaphore_mem>>)
      %dma_wait3A = arith.constant 0 : i32
      %dma_wait3A_398 = arith.constant 0 : i32
      %dma_wait3A_399 = tpu.memref_slice %arg3[%add3A, %dma_wait3A, %dma_wait3A_398] : memref<32x80x128xi32, #tpu.memory_space<hbm>> -> memref<1x80x128xi32, #tpu.memory_space<hbm>>
      %dma_wait3A_400 = tpu.memref_squeeze %dma_wait3A_399 : memref<1x80x128xi32, #tpu.memory_space<hbm>> -> memref<80x128xi32, #tpu.memory_space<hbm>>
      %dma_wait3A_401 = arith.constant 0 : i32
      %dma_wait3A_402 = arith.constant 0 : i32
      %dma_wait3A_403 = tpu.memref_slice %arg3[%add3A, %dma_wait3A_401, %dma_wait3A_402] : memref<32x80x128xi32, #tpu.memory_space<hbm>> -> memref<1x80x128xi32, #tpu.memory_space<hbm>>
      %dma_wait3A_404 = tpu.memref_squeeze %dma_wait3A_403 : memref<1x80x128xi32, #tpu.memory_space<hbm>> -> memref<80x128xi32, #tpu.memory_space<hbm>>
      tpu.wait_dma2 semaphore(%run_scoped3A : memref<!tpu.dma_semaphore, #tpu.memory_space<semaphore_mem>>) src(%dma_wait3A_404 : memref<80x128xi32, #tpu.memory_space<hbm>>) dst(%arg6 : memref<80x128xi32, #tpu.memory_space<vmem>>)
      tpu.yield
    }) : () -> ()
    %barrier3A = arith.constant 0 : index
    tpu.barrier barrier_id(%barrier3A)
    %get3A = arith.constant 0 : i32
    %get3A_3 = arith.index_cast %get3A : i32 to index
    %get3A_4 = arith.constant 0 : index
    %get3A_5 = tpu.vector_load %arg6[%get3A_3, %get3A_4] {strides = array<i32>} : memref<80x128xi32, #tpu.memory_space<vmem>>, vector<1x16xi32>,
    %get3A_6 = vector.shape_cast %get3A_5 : vector<1x16xi32> to vector<16xi32>
    %and3A = arith.constant 16383 : i32
    %and3A_7 = vector.broadcast %and3A : i32 to vector<16xi32>
    %and3A_8 = arith.andi %get3A_6, %and3A_7 : vector<16xi32>
    %swap3A = arith.constant 0 : i32
    %swap3A_9 = arith.index_cast %swap3A : i32 to index
    %swap3A_10 = arith.constant 0 : index
    %swap3A_11 = tpu.vector_load %arg7[%swap3A_9, %swap3A_10] {strides = array<i32>} : memref<2x128xi32, #tpu.memory_space<vmem>>, vector<1x16xi32>,
    %swap3A_12 = vector.shape_cast %swap3A_11 : vector<1x16xi32> to vector<16xi32>
    %swap3A_13 = vector.shape_cast %and3A_8 : vector<16xi32> to vector<1x16xi32>
    tpu.vector_store %arg7[%swap3A_9, %swap3A_10], %swap3A_13 {strides = array<i32>} : memref<2x128xi32, #tpu.memory_space<vmem>>, vector<1x16xi32>,
    %shift_right_logical3A = arith.constant 14 : i32
    %shift_right_logical3A_14 = vector.broadcast %shift_right_logical3A : i32 to vector<16xi32>
    %shift_right_logical3A_15 = arith.shrui %get3A_6, %shift_right_logical3A_14 : vector<16xi32>
    %swap3A_16 = arith.constant 0 : i32
    %swap3A_17 = arith.index_cast %swap3A_16 : i32 to index
    %swap3A_18 = arith.constant 0 : index
    %swap3A_19 = tpu.vector_load %arg8[%swap3A_17, %swap3A_18] {strides = array<i32>} : memref<2x128xi32, #tpu.memory_space<vmem>>, vector<1x16xi32>,
    %swap3A_20 = vector.shape_cast %swap3A_19 : vector<1x16xi32> to vector<16xi32>
    %swap3A_21 = vector.shape_cast %shift_right_logical3A_15 : vector<16xi32> to vector<1x16xi32>
    tpu.vector_store %arg8[%swap3A_17, %swap3A_18], %swap3A_21 {strides = array<i32>} : memref<2x128xi32, #tpu.memory_space<vmem>>, vector<1x16xi32>,
    %get3A_22 = arith.constant 0 : i32
    %get3A_23 = arith.index_cast %get3A_22 : i32 to index
    %get3A_24 = arith.constant 16 : index
    %get3A_25 = tpu.vector_load %arg6[%get3A_23, %get3A_24] {strides = array<i32>} : memref<80x128xi32, #tpu.memory_space<vmem>>, vector<1x16xi32>,
    %get3A_26 = vector.shape_cast %get3A_25 : vector<1x16xi32> to vector<16xi32>
    %and3A_27 = arith.constant 16383 : i32
    %and3A_28 = vector.broadcast %and3A_27 : i32 to vector<16xi32>
    %and3A_29 = arith.andi %get3A_26, %and3A_28 : vector<16xi32>
    %swap3A_30 = arith.constant 0 : i32
    %swap3A_31 = arith.index_cast %swap3A_30 : i32 to index
    %swap3A_32 = arith.constant 16 : index
    %swap3A_33 = tpu.vector_load %arg7[%swap3A_31, %swap3A_32] {strides = array<i32>} : memref<2x128xi32, #tpu.memory_space<vmem>>, vector<1x16xi32>,
    %swap3A_34 = vector.shape_cast %swap3A_33 : vector<1x16xi32> to vector<16xi32>
    %swap3A_35 = vector.shape_cast %and3A_29 : vector<16xi32> to vector<1x16xi32>
    tpu.vector_store %arg7[%swap3A_31, %swap3A_32], %swap3A_35 {strides = array<i32>} : memref<2x128xi32, #tpu.memory_space<vmem>>, vector<1x16xi32>,
    %shift_right_logical3A_36 = arith.constant 14 : i32
    %shift_right_logical3A_37 = vector.broadcast %shift_right_logical3A_36 : i32 to vector<16xi32>
    %shift_right_logical3A_38 = arith.shrui %get3A_26, %shift_right_logical3A_37 : vector<16xi32>
    %swap3A_39 = arith.constant 0 : i32
    %swap3A_40 = arith.index_cast %swap3A_39 : i32 to index
    %swap3A_41 = arith.constant 16 : index
    %swap3A_42 = tpu.vector_load %arg8[%swap3A_40, %swap3A_41] {strides = array<i32>} : memref<2x128xi32, #tpu.memory_space<vmem>>, vector<1x16xi32>,
    %swap3A_43 = vector.shape_cast %swap3A_42 : vector<1x16xi32> to vector<16xi32>
    %swap3A_44 = vector.shape_cast %shift_right_logical3A_38 : vector<16xi32> to vector<1x16xi32>
    tpu.vector_store %arg8[%swap3A_40, %swap3A_41], %swap3A_44 {strides = array<i32>} : memref<2x128xi32, #tpu.memory_space<vmem>>, vector<1x16xi32>,
    %get3A_45 = arith.constant 0 : i32
    %get3A_46 = arith.index_cast %get3A_45 : i32 to index
    %get3A_47 = arith.constant 32 : index
    %get3A_48 = tpu.vector_load %arg6[%get3A_46, %get3A_47] {strides = array<i32>} : memref<80x128xi32, #tpu.memory_space<vmem>>, vector<1x16xi32>,
    %get3A_49 = vector.shape_cast %get3A_48 : vector<1x16xi32> to vector<16xi32>
    %and3A_50 = arith.constant 16383 : i32
    %and3A_51 = vector.broadcast %and3A_50 : i32 to vector<16xi32>
    %and3A_52 = arith.andi %get3A_49, %and3A_51 : vector<16xi32>
    %swap3A_53 = arith.constant 0 : i32
    %swap3A_54 = arith.index_cast %swap3A_53 : i32 to index
    %swap3A_55 = arith.constant 32 : index
    %swap3A_56 = tpu.vector_load %arg7[%swap3A_54, %swap3A_55] {strides = array<i32>} : memref<2x128xi32, #tpu.memory_space<vmem>>, vector<1x16xi32>,
    %swap3A_57 = vector.shape_cast %swap3A_56 : vector<1x16xi32> to vector<16xi32>
    %swap3A_58 = vector.shape_cast %and3A_52 : vector<16xi32> to vector<1x16xi32>
    tpu.vector_store %arg7[%swap3A_54, %swap3A_55], %swap3A_58 {strides = array<i32>} : memref<2x128xi32, #tpu.memory_space<vmem>>, vector<1x16xi32>,
    %shift_right_logical3A_59 = arith.constant 14 : i32
    %shift_right_logical3A_60 = vector.broadcast %shift_right_logical3A_59 : i32 to vector<16xi32>
    %shift_right_logical3A_61 = arith.shrui %get3A_49, %shift_right_logical3A_60 : vector<16xi32>
    %swap3A_62 = arith.constant 0 : i32
    %swap3A_63 = arith.index_cast %swap3A_62 : i32 to index
    %swap3A_64 = arith.constant 32 : index
    %swap3A_65 = tpu.vector_load %arg8[%swap3A_63, %swap3A_64] {strides = array<i32>} : memref<2x128xi32, #tpu.memory_space<vmem>>, vector<1x16xi32>,
    %swap3A_66 = vector.shape_cast %swap3A_65 : vector<1x16xi32> to vector<16xi32>
    %swap3A_67 = vector.shape_cast %shift_right_logical3A_61 : vector<16xi32> to vector<1x16xi32>
    tpu.vector_store %arg8[%swap3A_63, %swap3A_64], %swap3A_67 {strides = array<i32>} : memref<2x128xi32, #tpu.memory_space<vmem>>, vector<1x16xi32>,
    %get3A_68 = arith.constant 0 : i32
    %get3A_69 = arith.index_cast %get3A_68 : i32 to index
    %get3A_70 = arith.constant 48 : index
    %get3A_71 = tpu.vector_load %arg6[%get3A_69, %get3A_70] {strides = array<i32>} : memref<80x128xi32, #tpu.memory_space<vmem>>, vector<1x16xi32>,
    %get3A_72 = vector.shape_cast %get3A_71 : vector<1x16xi32> to vector<16xi32>
    %and3A_73 = arith.constant 16383 : i32
    %and3A_74 = vector.broadcast %and3A_73 : i32 to vector<16xi32>
    %and3A_75 = arith.andi %get3A_72, %and3A_74 : vector<16xi32>
    %swap3A_76 = arith.constant 0 : i32
    %swap3A_77 = arith.index_cast %swap3A_76 : i32 to index
    %swap3A_78 = arith.constant 48 : index
    %swap3A_79 = tpu.vector_load %arg7[%swap3A_77, %swap3A_78] {strides = array<i32>} : memref<2x128xi32, #tpu.memory_space<vmem>>, vector<1x16xi32>,
    %swap3A_80 = vector.shape_cast %swap3A_79 : vector<1x16xi32> to vector<16xi32>
    %swap3A_81 = vector.shape_cast %and3A_75 : vector<16xi32> to vector<1x16xi32>
    tpu.vector_store %arg7[%swap3A_77, %swap3A_78], %swap3A_81 {strides = array<i32>} : memref<2x128xi32, #tpu.memory_space<vmem>>, vector<1x16xi32>,
    %shift_right_logical3A_82 = arith.constant 14 : i32
    %shift_right_logical3A_83 = vector.broadcast %shift_right_logical3A_82 : i32 to vector<16xi32>
    %shift_right_logical3A_84 = arith.shrui %get3A_72, %shift_right_logical3A_83 : vector<16xi32>
    %swap3A_85 = arith.constant 0 : i32
    %swap3A_86 = arith.index_cast %swap3A_85 : i32 to index
    %swap3A_87 = arith.constant 48 : index
    %swap3A_88 = tpu.vector_load %arg8[%swap3A_86, %swap3A_87] {strides = array<i32>} : memref<2x128xi32, #tpu.memory_space<vmem>>, vector<1x16xi32>,
    %swap3A_89 = vector.shape_cast %swap3A_88 : vector<1x16xi32> to vector<16xi32>
    %swap3A_90 = vector.shape_cast %shift_right_logical3A_84 : vector<16xi32> to vector<1x16xi32>
    tpu.vector_store %arg8[%swap3A_86, %swap3A_87], %swap3A_90 {strides = array<i32>} : memref<2x128xi32, #tpu.memory_space<vmem>>, vector<1x16xi32>,
    %get3A_91 = arith.constant 0 : i32
    %get3A_92 = arith.index_cast %get3A_91 : i32 to index
    %get3A_93 = arith.constant 64 : index
    %get3A_94 = tpu.vector_load %arg6[%get3A_92, %get3A_93] {strides = array<i32>} : memref<80x128xi32, #tpu.memory_space<vmem>>, vector<1x16xi32>,
    %get3A_95 = vector.shape_cast %get3A_94 : vector<1x16xi32> to vector<16xi32>
    %and3A_96 = arith.constant 16383 : i32
    %and3A_97 = vector.broadcast %and3A_96 : i32 to vector<16xi32>
    %and3A_98 = arith.andi %get3A_95, %and3A_97 : vector<16xi32>
    %swap3A_99 = arith.constant 0 : i32
    %swap3A_100 = arith.index_cast %swap3A_99 : i32 to index
    %swap3A_101 = arith.constant 64 : index
    %swap3A_102 = tpu.vector_load %arg7[%swap3A_100, %swap3A_101] {strides = array<i32>} : memref<2x128xi32, #tpu.memory_space<vmem>>, vector<1x16xi32>,
    %swap3A_103 = vector.shape_cast %swap3A_102 : vector<1x16xi32> to vector<16xi32>
    %swap3A_104 = vector.shape_cast %and3A_98 : vector<16xi32> to vector<1x16xi32>
    tpu.vector_store %arg7[%swap3A_100, %swap3A_101], %swap3A_104 {strides = array<i32>} : memref<2x128xi32, #tpu.memory_space<vmem>>, vector<1x16xi32>,
    %shift_right_logical3A_105 = arith.constant 14 : i32
    %shift_right_logical3A_106 = vector.broadcast %shift_right_logical3A_105 : i32 to vector<16xi32>
    %shift_right_logical3A_107 = arith.shrui %get3A_95, %shift_right_logical3A_106 : vector<16xi32>
    %swap3A_108 = arith.constant 0 : i32
    %swap3A_109 = arith.index_cast %swap3A_108 : i32 to index
    %swap3A_110 = arith.constant 64 : index
    %swap3A_111 = tpu.vector_load %arg8[%swap3A_109, %swap3A_110] {strides = array<i32>} : memref<2x128xi32, #tpu.memory_space<vmem>>, vector<1x16xi32>,
    %swap3A_112 = vector.shape_cast %swap3A_111 : vector<1x16xi32> to vector<16xi32>
    %swap3A_113 = vector.shape_cast %shift_right_logical3A_107 : vector<16xi32> to vector<1x16xi32>
    tpu.vector_store %arg8[%swap3A_109, %swap3A_110], %swap3A_113 {strides = array<i32>} : memref<2x128xi32, #tpu.memory_space<vmem>>, vector<1x16xi32>,
    %get3A_114 = arith.constant 0 : i32
    %get3A_115 = arith.index_cast %get3A_114 : i32 to index
    %get3A_116 = arith.constant 80 : index
    %get3A_117 = tpu.vector_load %arg6[%get3A_115, %get3A_116] {strides = array<i32>} : memref<80x128xi32, #tpu.memory_space<vmem>>, vector<1x16xi32>,
    %get3A_118 = vector.shape_cast %get3A_117 : vector<1x16xi32> to vector<16xi32>
    %and3A_119 = arith.constant 16383 : i32
    %and3A_120 = vector.broadcast %and3A_119 : i32 to vector<16xi32>
    %and3A_121 = arith.andi %get3A_118, %and3A_120 : vector<16xi32>
    %swap3A_122 = arith.constant 0 : i32
    %swap3A_123 = arith.index_cast %swap3A_122 : i32 to index
    %swap3A_124 = arith.constant 80 : index
    %swap3A_125 = tpu.vector_load %arg7[%swap3A_123, %swap3A_124] {strides = array<i32>} : memref<2x128xi32, #tpu.memory_space<vmem>>, vector<1x16xi32>,
    %swap3A_126 = vector.shape_cast %swap3A_125 : vector<1x16xi32> to vector<16xi32>
    %swap3A_127 = vector.shape_cast %and3A_121 : vector<16xi32> to vector<1x16xi32>
    tpu.vector_store %arg7[%swap3A_123, %swap3A_124], %swap3A_127 {strides = array<i32>} : memref<2x128xi32, #tpu.memory_space<vmem>>, vector<1x16xi32>,
    %shift_right_logical3A_128 = arith.constant 14 : i32
    %shift_right_logical3A_129 = vector.broadcast %shift_right_logical3A_128 : i32 to vector<16xi32>
    %shift_right_logical3A_130 = arith.shrui %get3A_118, %shift_right_logical3A_129 : vector<16xi32>
    %swap3A_131 = arith.constant 0 : i32
    %swap3A_132 = arith.index_cast %swap3A_131 : i32 to index
    %swap3A_133 = arith.constant 80 : index
    %swap3A_134 = tpu.vector_load %arg8[%swap3A_132, %swap3A_133] {strides = array<i32>} : memref<2x128xi32, #tpu.memory_space<vmem>>, vector<1x16xi32>,
    %swap3A_135 = vector.shape_cast %swap3A_134 : vector<1x16xi32> to vector<16xi32>
    %swap3A_136 = vector.shape_cast %shift_right_logical3A_130 : vector<16xi32> to vector<1x16xi32>
    tpu.vector_store %arg8[%swap3A_132, %swap3A_133], %swap3A_136 {strides = array<i32>} : memref<2x128xi32, #tpu.memory_space<vmem>>, vector<1x16xi32>,
    %get3A_137 = arith.constant 0 : i32
    %get3A_138 = arith.index_cast %get3A_137 : i32 to index
    %get3A_139 = arith.constant 96 : index
    %get3A_140 = tpu.vector_load %arg6[%get3A_138, %get3A_139] {strides = array<i32>} : memref<80x128xi32, #tpu.memory_space<vmem>>, vector<1x16xi32>,
    %get3A_141 = vector.shape_cast %get3A_140 : vector<1x16xi32> to vector<16xi32>
    %and3A_142 = arith.constant 16383 : i32
    %and3A_143 = vector.broadcast %and3A_142 : i32 to vector<16xi32>
    %and3A_144 = arith.andi %get3A_141, %and3A_143 : vector<16xi32>
    %swap3A_145 = arith.constant 0 : i32
    %swap3A_146 = arith.index_cast %swap3A_145 : i32 to index
    %swap3A_147 = arith.constant 96 : index
    %swap3A_148 = tpu.vector_load %arg7[%swap3A_146, %swap3A_147] {strides = array<i32>} : memref<2x128xi32, #tpu.memory_space<vmem>>, vector<1x16xi32>,
    %swap3A_149 = vector.shape_cast %swap3A_148 : vector<1x16xi32> to vector<16xi32>
    %swap3A_150 = vector.shape_cast %and3A_144 : vector<16xi32> to vector<1x16xi32>
    tpu.vector_store %arg7[%swap3A_146, %swap3A_147], %swap3A_150 {strides = array<i32>} : memref<2x128xi32, #tpu.memory_space<vmem>>, vector<1x16xi32>,
    %shift_right_logical3A_151 = arith.constant 14 : i32
    %shift_right_logical3A_152 = vector.broadcast %shift_right_logical3A_151 : i32 to vector<16xi32>
    %shift_right_logical3A_153 = arith.shrui %get3A_141, %shift_right_logical3A_152 : vector<16xi32>
    %swap3A_154 = arith.constant 0 : i32
    %swap3A_155 = arith.index_cast %swap3A_154 : i32 to index
    %swap3A_156 = arith.constant 96 : index
    %swap3A_157 = tpu.vector_load %arg8[%swap3A_155, %swap3A_156] {strides = array<i32>} : memref<2x128xi32, #tpu.memory_space<vmem>>, vector<1x16xi32>,
    %swap3A_158 = vector.shape_cast %swap3A_157 : vector<1x16xi32> to vector<16xi32>
    %swap3A_159 = vector.shape_cast %shift_right_logical3A_153 : vector<16xi32> to vector<1x16xi32>
    tpu.vector_store %arg8[%swap3A_155, %swap3A_156], %swap3A_159 {strides = array<i32>} : memref<2x128xi32, #tpu.memory_space<vmem>>, vector<1x16xi32>,
    %get3A_160 = arith.constant 0 : i32
    %get3A_161 = arith.index_cast %get3A_160 : i32 to index
    %get3A_162 = arith.constant 112 : index
    %get3A_163 = tpu.vector_load %arg6[%get3A_161, %get3A_162] {strides = array<i32>} : memref<80x128xi32, #tpu.memory_space<vmem>>, vector<1x16xi32>,
    %get3A_164 = vector.shape_cast %get3A_163 : vector<1x16xi32> to vector<16xi32>
    %and3A_165 = arith.constant 16383 : i32
    %and3A_166 = vector.broadcast %and3A_165 : i32 to vector<16xi32>
    %and3A_167 = arith.andi %get3A_164, %and3A_166 : vector<16xi32>
    %swap3A_168 = arith.constant 0 : i32
    %swap3A_169 = arith.index_cast %swap3A_168 : i32 to index
    %swap3A_170 = arith.constant 112 : index
    %swap3A_171 = tpu.vector_load %arg7[%swap3A_169, %swap3A_170] {strides = array<i32>} : memref<2x128xi32, #tpu.memory_space<vmem>>, vector<1x16xi32>,
    %swap3A_172 = vector.shape_cast %swap3A_171 : vector<1x16xi32> to vector<16xi32>
    %swap3A_173 = vector.shape_cast %and3A_167 : vector<16xi32> to vector<1x16xi32>
    tpu.vector_store %arg7[%swap3A_169, %swap3A_170], %swap3A_173 {strides = array<i32>} : memref<2x128xi32, #tpu.memory_space<vmem>>, vector<1x16xi32>,
    %shift_right_logical3A_174 = arith.constant 14 : i32
    %shift_right_logical3A_175 = vector.broadcast %shift_right_logical3A_174 : i32 to vector<16xi32>
    %shift_right_logical3A_176 = arith.shrui %get3A_164, %shift_right_logical3A_175 : vector<16xi32>
    %swap3A_177 = arith.constant 0 : i32
    %swap3A_178 = arith.index_cast %swap3A_177 : i32 to index
    %swap3A_179 = arith.constant 112 : index
    %swap3A_180 = tpu.vector_load %arg8[%swap3A_178, %swap3A_179] {strides = array<i32>} : memref<2x128xi32, #tpu.memory_space<vmem>>, vector<1x16xi32>,
    %swap3A_181 = vector.shape_cast %swap3A_180 : vector<1x16xi32> to vector<16xi32>
    %swap3A_182 = vector.shape_cast %shift_right_logical3A_176 : vector<16xi32> to vector<1x16xi32>
    tpu.vector_store %arg8[%swap3A_178, %swap3A_179], %swap3A_182 {strides = array<i32>} : memref<2x128xi32, #tpu.memory_space<vmem>>, vector<1x16xi32>,
    %dma_start3A = arith.constant 0 : i32
    %dma_start3A_183 = arith.constant 0 : i32
    %dma_start3A_184 = tpu.memref_slice %arg7[%dma_start3A, %dma_start3A_183] : memref<2x128xi32, #tpu.memory_space<vmem>> -> memref<1x128xi32, #tpu.memory_space<vmem>>
    %dma_start3A_185 = tpu.memref_squeeze %dma_start3A_184 : memref<1x128xi32, #tpu.memory_space<vmem>> -> memref<128xi32, #tpu.memory_space<vmem>>
    %dma_start3A_186 = arith.constant 0 : i32
    %dma_start3A_187 = arith.constant 0 : i32
    %dma_start3A_188 = tpu.memref_slice %arg2[%dma_start3A_186, %dma_start3A_187] : memref<10000x128xf32, #tpu.memory_space<hbm>> -> memref<10000x128xf32, #tpu.memory_space<hbm>>
    tpu.enqueue_indirect_dma source(%dma_start3A_188 : memref<10000x128xf32, #tpu.memory_space<hbm>>) target(%arg9 : memref<128x128xf32, #tpu.memory_space<vmem>>) offsets(%dma_start3A_185 : memref<128xi32, #tpu.memory_space<vmem>>) semaphore(%arg12 : memref<!tpu.dma_semaphore, #tpu.memory_space<semaphore_mem>>)
    %get3A_189 = arith.constant 1 : i32
    %get3A_190 = arith.index_cast %get3A_189 : i32 to index
    %get3A_191 = arith.constant 0 : index
    %get3A_192 = tpu.vector_load %arg6[%get3A_190, %get3A_191] {strides = array<i32>} : memref<80x128xi32, #tpu.memory_space<vmem>>, vector<1x16xi32>,
    %get3A_193 = vector.shape_cast %get3A_192 : vector<1x16xi32> to vector<16xi32>
    %and3A_194 = arith.constant 16383 : i32
    %and3A_195 = vector.broadcast %and3A_194 : i32 to vector<16xi32>
    %and3A_196 = arith.andi %get3A_193, %and3A_195 : vector<16xi32>
    %swap3A_197 = arith.constant 1 : i32
    %swap3A_198 = arith.index_cast %swap3A_197 : i32 to index
    %swap3A_199 = arith.constant 0 : index
    %swap3A_200 = tpu.vector_load %arg7[%swap3A_198, %swap3A_199] {strides = array<i32>} : memref<2x128xi32, #tpu.memory_space<vmem>>, vector<1x16xi32>,
    %swap3A_201 = vector.shape_cast %swap3A_200 : vector<1x16xi32> to vector<16xi32>
    %swap3A_202 = vector.shape_cast %and3A_196 : vector<16xi32> to vector<1x16xi32>
    tpu.vector_store %arg7[%swap3A_198, %swap3A_199], %swap3A_202 {strides = array<i32>} : memref<2x128xi32, #tpu.memory_space<vmem>>, vector<1x16xi32>,
    %shift_right_logical3A_203 = arith.constant 14 : i32
    %shift_right_logical3A_204 = vector.broadcast %shift_right_logical3A_203 : i32 to vector<16xi32>
    %shift_right_logical3A_205 = arith.shrui %get3A_193, %shift_right_logical3A_204 : vector<16xi32>
    %swap3A_206 = arith.constant 1 : i32
    %swap3A_207 = arith.index_cast %swap3A_206 : i32 to index
    %swap3A_208 = arith.constant 0 : index
    %swap3A_209 = tpu.vector_load %arg8[%swap3A_207, %swap3A_208] {strides = array<i32>} : memref<2x128xi32, #tpu.memory_space<vmem>>, vector<1x16xi32>,
    %swap3A_210 = vector.shape_cast %swap3A_209 : vector<1x16xi32> to vector<16xi32>
    %swap3A_211 = vector.shape_cast %shift_right_logical3A_205 : vector<16xi32> to vector<1x16xi32>
    tpu.vector_store %arg8[%swap3A_207, %swap3A_208], %swap3A_211 {strides = array<i32>} : memref<2x128xi32, #tpu.memory_space<vmem>>, vector<1x16xi32>,
    %get3A_212 = arith.constant 1 : i32
    %get3A_213 = arith.index_cast %get3A_212 : i32 to index
    %get3A_214 = arith.constant 16 : index
    %get3A_215 = tpu.vector_load %arg6[%get3A_213, %get3A_214] {strides = array<i32>} : memref<80x128xi32, #tpu.memory_space<vmem>>, vector<1x16xi32>,
    %get3A_216 = vector.shape_cast %get3A_215 : vector<1x16xi32> to vector<16xi32>
    %and3A_217 = arith.constant 16383 : i32
    %and3A_218 = vector.broadcast %and3A_217 : i32 to vector<16xi32>
    %and3A_219 = arith.andi %get3A_216, %and3A_218 : vector<16xi32>
    %swap3A_220 = arith.constant 1 : i32
    %swap3A_221 = arith.index_cast %swap3A_220 : i32 to index
    %swap3A_222 = arith.constant 16 : index
    %swap3A_223 = tpu.vector_load %arg7[%swap3A_221, %swap3A_222] {strides = array<i32>} : memref<2x128xi32, #tpu.memory_space<vmem>>, vector<1x16xi32>,
    %swap3A_224 = vector.shape_cast %swap3A_223 : vector<1x16xi32> to vector<16xi32>
    %swap3A_225 = vector.shape_cast %and3A_219 : vector<16xi32> to vector<1x16xi32>
    tpu.vector_store %arg7[%swap3A_221, %swap3A_222], %swap3A_225 {strides = array<i32>} : memref<2x128xi32, #tpu.memory_space<vmem>>, vector<1x16xi32>,
    %shift_right_logical3A_226 = arith.constant 14 : i32
    %shift_right_logical3A_227 = vector.broadcast %shift_right_logical3A_226 : i32 to vector<16xi32>
    %shift_right_logical3A_228 = arith.shrui %get3A_216, %shift_right_logical3A_227 : vector<16xi32>
    %swap3A_229 = arith.constant 1 : i32
    %swap3A_230 = arith.index_cast %swap3A_229 : i32 to index
    %swap3A_231 = arith.constant 16 : index
    %swap3A_232 = tpu.vector_load %arg8[%swap3A_230, %swap3A_231] {strides = array<i32>} : memref<2x128xi32, #tpu.memory_space<vmem>>, vector<1x16xi32>,
    %swap3A_233 = vector.shape_cast %swap3A_232 : vector<1x16xi32> to vector<16xi32>
    %swap3A_234 = vector.shape_cast %shift_right_logical3A_228 : vector<16xi32> to vector<1x16xi32>
    tpu.vector_store %arg8[%swap3A_230, %swap3A_231], %swap3A_234 {strides = array<i32>} : memref<2x128xi32, #tpu.memory_space<vmem>>, vector<1x16xi32>,
    %get3A_235 = arith.constant 1 : i32
    %get3A_236 = arith.index_cast %get3A_235 : i32 to index
    %get3A_237 = arith.constant 32 : index
    %get3A_238 = tpu.vector_load %arg6[%get3A_236, %get3A_237] {strides = array<i32>} : memref<80x128xi32, #tpu.memory_space<vmem>>, vector<1x16xi32>,
    %get3A_239 = vector.shape_cast %get3A_238 : vector<1x16xi32> to vector<16xi32>
    %and3A_240 = arith.constant 16383 : i32
    %and3A_241 = vector.broadcast %and3A_240 : i32 to vector<16xi32>
    %and3A_242 = arith.andi %get3A_239, %and3A_241 : vector<16xi32>
    %swap3A_243 = arith.constant 1 : i32
    %swap3A_244 = arith.index_cast %swap3A_243 : i32 to index
    %swap3A_245 = arith.constant 32 : index
    %swap3A_246 = tpu.vector_load %arg7[%swap3A_244, %swap3A_245] {strides = array<i32>} : memref<2x128xi32, #tpu.memory_space<vmem>>, vector<1x16xi32>,
    %swap3A_247 = vector.shape_cast %swap3A_246 : vector<1x16xi32> to vector<16xi32>
    %swap3A_248 = vector.shape_cast %and3A_242 : vector<16xi32> to vector<1x16xi32>
    tpu.vector_store %arg7[%swap3A_244, %swap3A_245], %swap3A_248 {strides = array<i32>} : memref<2x128xi32, #tpu.memory_space<vmem>>, vector<1x16xi32>,
    %shift_right_logical3A_249 = arith.constant 14 : i32
    %shift_right_logical3A_250 = vector.broadcast %shift_right_logical3A_249 : i32 to vector<16xi32>
    %shift_right_logical3A_251 = arith.shrui %get3A_239, %shift_right_logical3A_250 : vector<16xi32>
    %swap3A_252 = arith.constant 1 : i32
    %swap3A_253 = arith.index_cast %swap3A_252 : i32 to index
    %swap3A_254 = arith.constant 32 : index
    %swap3A_255 = tpu.vector_load %arg8[%swap3A_253, %swap3A_254] {strides = array<i32>} : memref<2x128xi32, #tpu.memory_space<vmem>>, vector<1x16xi32>,
    %swap3A_256 = vector.shape_cast %swap3A_255 : vector<1x16xi32> to vector<16xi32>
    %swap3A_257 = vector.shape_cast %shift_right_logical3A_251 : vector<16xi32> to vector<1x16xi32>
    tpu.vector_store %arg8[%swap3A_253, %swap3A_254], %swap3A_257 {strides = array<i32>} : memref<2x128xi32, #tpu.memory_space<vmem>>, vector<1x16xi32>,
    %get3A_258 = arith.constant 1 : i32
    %get3A_259 = arith.index_cast %get3A_258 : i32 to index
    %get3A_260 = arith.constant 48 : index
    %get3A_261 = tpu.vector_load %arg6[%get3A_259, %get3A_260] {strides = array<i32>} : memref<80x128xi32, #tpu.memory_space<vmem>>, vector<1x16xi32>,
    %get3A_262 = vector.shape_cast %get3A_261 : vector<1x16xi32> to vector<16xi32>
    %and3A_263 = arith.constant 16383 : i32
    %and3A_264 = vector.broadcast %and3A_263 : i32 to vector<16xi32>
    %and3A_265 = arith.andi %get3A_262, %and3A_264 : vector<16xi32>
    %swap3A_266 = arith.constant 1 : i32
    %swap3A_267 = arith.index_cast %swap3A_266 : i32 to index
    %swap3A_268 = arith.constant 48 : index
    %swap3A_269 = tpu.vector_load %arg7[%swap3A_267, %swap3A_268] {strides = array<i32>} : memref<2x128xi32, #tpu.memory_space<vmem>>, vector<1x16xi32>,
    %swap3A_270 = vector.shape_cast %swap3A_269 : vector<1x16xi32> to vector<16xi32>
    %swap3A_271 = vector.shape_cast %and3A_265 : vector<16xi32> to vector<1x16xi32>
    tpu.vector_store %arg7[%swap3A_267, %swap3A_268], %swap3A_271 {strides = array<i32>} : memref<2x128xi32, #tpu.memory_space<vmem>>, vector<1x16xi32>,
    %shift_right_logical3A_272 = arith.constant 14 : i32
    %shift_right_logical3A_273 = vector.broadcast %shift_right_logical3A_272 : i32 to vector<16xi32>
    %shift_right_logical3A_274 = arith.shrui %get3A_262, %shift_right_logical3A_273 : vector<16xi32>
    %swap3A_275 = arith.constant 1 : i32
    %swap3A_276 = arith.index_cast %swap3A_275 : i32 to index
    %swap3A_277 = arith.constant 48 : index
    %swap3A_278 = tpu.vector_load %arg8[%swap3A_276, %swap3A_277] {strides = array<i32>} : memref<2x128xi32, #tpu.memory_space<vmem>>, vector<1x16xi32>,
    %swap3A_279 = vector.shape_cast %swap3A_278 : vector<1x16xi32> to vector<16xi32>
    %swap3A_280 = vector.shape_cast %shift_right_logical3A_274 : vector<16xi32> to vector<1x16xi32>
    tpu.vector_store %arg8[%swap3A_276, %swap3A_277], %swap3A_280 {strides = array<i32>} : memref<2x128xi32, #tpu.memory_space<vmem>>, vector<1x16xi32>,
    %get3A_281 = arith.constant 1 : i32
    %get3A_282 = arith.index_cast %get3A_281 : i32 to index
    %get3A_283 = arith.constant 64 : index
    %get3A_284 = tpu.vector_load %arg6[%get3A_282, %get3A_283] {strides = array<i32>} : memref<80x128xi32, #tpu.memory_space<vmem>>, vector<1x16xi32>,
    %get3A_285 = vector.shape_cast %get3A_284 : vector<1x16xi32> to vector<16xi32>
    %and3A_286 = arith.constant 16383 : i32
    %and3A_287 = vector.broadcast %and3A_286 : i32 to vector<16xi32>
    %and3A_288 = arith.andi %get3A_285, %and3A_287 : vector<16xi32>
    %swap3A_289 = arith.constant 1 : i32
    %swap3A_290 = arith.index_cast %swap3A_289 : i32 to index
    %swap3A_291 = arith.constant 64 : index
    %swap3A_292 = tpu.vector_load %arg7[%swap3A_290, %swap3A_291] {strides = array<i32>} : memref<2x128xi32, #tpu.memory_space<vmem>>, vector<1x16xi32>,
    %swap3A_293 = vector.shape_cast %swap3A_292 : vector<1x16xi32> to vector<16xi32>
    %swap3A_294 = vector.shape_cast %and3A_288 : vector<16xi32> to vector<1x16xi32>
    tpu.vector_store %arg7[%swap3A_290, %swap3A_291], %swap3A_294 {strides = array<i32>} : memref<2x128xi32, #tpu.memory_space<vmem>>, vector<1x16xi32>,
    %shift_right_logical3A_295 = arith.constant 14 : i32
    %shift_right_logical3A_296 = vector.broadcast %shift_right_logical3A_295 : i32 to vector<16xi32>
    %shift_right_logical3A_297 = arith.shrui %get3A_285, %shift_right_logical3A_296 : vector<16xi32>
    %swap3A_298 = arith.constant 1 : i32
    %swap3A_299 = arith.index_cast %swap3A_298 : i32 to index
    %swap3A_300 = arith.constant 64 : index
    %swap3A_301 = tpu.vector_load %arg8[%swap3A_299, %swap3A_300] {strides = array<i32>} : memref<2x128xi32, #tpu.memory_space<vmem>>, vector<1x16xi32>,
    %swap3A_302 = vector.shape_cast %swap3A_301 : vector<1x16xi32> to vector<16xi32>
    %swap3A_303 = vector.shape_cast %shift_right_logical3A_297 : vector<16xi32> to vector<1x16xi32>
    tpu.vector_store %arg8[%swap3A_299, %swap3A_300], %swap3A_303 {strides = array<i32>} : memref<2x128xi32, #tpu.memory_space<vmem>>, vector<1x16xi32>,
    %get3A_304 = arith.constant 1 : i32
    %get3A_305 = arith.index_cast %get3A_304 : i32 to index
    %get3A_306 = arith.constant 80 : index
    %get3A_307 = tpu.vector_load %arg6[%get3A_305, %get3A_306] {strides = array<i32>} : memref<80x128xi32, #tpu.memory_space<vmem>>, vector<1x16xi32>,
    %get3A_308 = vector.shape_cast %get3A_307 : vector<1x16xi32> to vector<16xi32>
    %and3A_309 = arith.constant 16383 : i32
    %and3A_310 = vector.broadcast %and3A_309 : i32 to vector<16xi32>
    %and3A_311 = arith.andi %get3A_308, %and3A_310 : vector<16xi32>
    %swap3A_312 = arith.constant 1 : i32
    %swap3A_313 = arith.index_cast %swap3A_312 : i32 to index
    %swap3A_314 = arith.constant 80 : index
    %swap3A_315 = tpu.vector_load %arg7[%swap3A_313, %swap3A_314] {strides = array<i32>} : memref<2x128xi32, #tpu.memory_space<vmem>>, vector<1x16xi32>,
    %swap3A_316 = vector.shape_cast %swap3A_315 : vector<1x16xi32> to vector<16xi32>
    %swap3A_317 = vector.shape_cast %and3A_311 : vector<16xi32> to vector<1x16xi32>
    tpu.vector_store %arg7[%swap3A_313, %swap3A_314], %swap3A_317 {strides = array<i32>} : memref<2x128xi32, #tpu.memory_space<vmem>>, vector<1x16xi32>,
    %shift_right_logical3A_318 = arith.constant 14 : i32
    %shift_right_logical3A_319 = vector.broadcast %shift_right_logical3A_318 : i32 to vector<16xi32>
    %shift_right_logical3A_320 = arith.shrui %get3A_308, %shift_right_logical3A_319 : vector<16xi32>
    %swap3A_321 = arith.constant 1 : i32
    %swap3A_322 = arith.index_cast %swap3A_321 : i32 to index
    %swap3A_323 = arith.constant 80 : index
    %swap3A_324 = tpu.vector_load %arg8[%swap3A_322, %swap3A_323] {strides = array<i32>} : memref<2x128xi32, #tpu.memory_space<vmem>>, vector<1x16xi32>,
    %swap3A_325 = vector.shape_cast %swap3A_324 : vector<1x16xi32> to vector<16xi32>
    %swap3A_326 = vector.shape_cast %shift_right_logical3A_320 : vector<16xi32> to vector<1x16xi32>
    tpu.vector_store %arg8[%swap3A_322, %swap3A_323], %swap3A_326 {strides = array<i32>} : memref<2x128xi32, #tpu.memory_space<vmem>>, vector<1x16xi32>,
    %get3A_327 = arith.constant 1 : i32
    %get3A_328 = arith.index_cast %get3A_327 : i32 to index
    %get3A_329 = arith.constant 96 : index
    %get3A_330 = tpu.vector_load %arg6[%get3A_328, %get3A_329] {strides = array<i32>} : memref<80x128xi32, #tpu.memory_space<vmem>>, vector<1x16xi32>,
    %get3A_331 = vector.shape_cast %get3A_330 : vector<1x16xi32> to vector<16xi32>
    %and3A_332 = arith.constant 16383 : i32
    %and3A_333 = vector.broadcast %and3A_332 : i32 to vector<16xi32>
    %and3A_334 = arith.andi %get3A_331, %and3A_333 : vector<16xi32>
    %swap3A_335 = arith.constant 1 : i32
    %swap3A_336 = arith.index_cast %swap3A_335 : i32 to index
    %swap3A_337 = arith.constant 96 : index
    %swap3A_338 = tpu.vector_load %arg7[%swap3A_336, %swap3A_337] {strides = array<i32>} : memref<2x128xi32, #tpu.memory_space<vmem>>, vector<1x16xi32>,
    %swap3A_339 = vector.shape_cast %swap3A_338 : vector<1x16xi32> to vector<16xi32>
    %swap3A_340 = vector.shape_cast %and3A_334 : vector<16xi32> to vector<1x16xi32>
    tpu.vector_store %arg7[%swap3A_336, %swap3A_337], %swap3A_340 {strides = array<i32>} : memref<2x128xi32, #tpu.memory_space<vmem>>, vector<1x16xi32>,
    %shift_right_logical3A_341 = arith.constant 14 : i32
    %shift_right_logical3A_342 = vector.broadcast %shift_right_logical3A_341 : i32 to vector<16xi32>
    %shift_right_logical3A_343 = arith.shrui %get3A_331, %shift_right_logical3A_342 : vector<16xi32>
    %swap3A_344 = arith.constant 1 : i32
    %swap3A_345 = arith.index_cast %swap3A_344 : i32 to index
    %swap3A_346 = arith.constant 96 : index
    %swap3A_347 = tpu.vector_load %arg8[%swap3A_345, %swap3A_346] {strides = array<i32>} : memref<2x128xi32, #tpu.memory_space<vmem>>, vector<1x16xi32>,
    %swap3A_348 = vector.shape_cast %swap3A_347 : vector<1x16xi32> to vector<16xi32>
    %swap3A_349 = vector.shape_cast %shift_right_logical3A_343 : vector<16xi32> to vector<1x16xi32>
    tpu.vector_store %arg8[%swap3A_345, %swap3A_346], %swap3A_349 {strides = array<i32>} : memref<2x128xi32, #tpu.memory_space<vmem>>, vector<1x16xi32>,
    %get3A_350 = arith.constant 1 : i32
    %get3A_351 = arith.index_cast %get3A_350 : i32 to index
    %get3A_352 = arith.constant 112 : index
    %get3A_353 = tpu.vector_load %arg6[%get3A_351, %get3A_352] {strides = array<i32>} : memref<80x128xi32, #tpu.memory_space<vmem>>, vector<1x16xi32>,
    %get3A_354 = vector.shape_cast %get3A_353 : vector<1x16xi32> to vector<16xi32>
    %and3A_355 = arith.constant 16383 : i32
    %and3A_356 = vector.broadcast %and3A_355 : i32 to vector<16xi32>
    %and3A_357 = arith.andi %get3A_354, %and3A_356 : vector<16xi32>
    %swap3A_358 = arith.constant 1 : i32
    %swap3A_359 = arith.index_cast %swap3A_358 : i32 to index
    %swap3A_360 = arith.constant 112 : index
    %swap3A_361 = tpu.vector_load %arg7[%swap3A_359, %swap3A_360] {strides = array<i32>} : memref<2x128xi32, #tpu.memory_space<vmem>>, vector<1x16xi32>,
    %swap3A_362 = vector.shape_cast %swap3A_361 : vector<1x16xi32> to vector<16xi32>
    %swap3A_363 = vector.shape_cast %and3A_357 : vector<16xi32> to vector<1x16xi32>
    tpu.vector_store %arg7[%swap3A_359, %swap3A_360], %swap3A_363 {strides = array<i32>} : memref<2x128xi32, #tpu.memory_space<vmem>>, vector<1x16xi32>,
    %shift_right_logical3A_364 = arith.constant 14 : i32
    %shift_right_logical3A_365 = vector.broadcast %shift_right_logical3A_364 : i32 to vector<16xi32>
    %shift_right_logical3A_366 = arith.shrui %get3A_354, %shift_right_logical3A_365 : vector<16xi32>
    %swap3A_367 = arith.constant 1 : i32
    %swap3A_368 = arith.index_cast %swap3A_367 : i32 to index
    %swap3A_369 = arith.constant 112 : index
    %swap3A_370 = tpu.vector_load %arg8[%swap3A_368, %swap3A_369] {strides = array<i32>} : memref<2x128xi32, #tpu.memory_space<vmem>>, vector<1x16xi32>,
    %swap3A_371 = vector.shape_cast %swap3A_370 : vector<1x16xi32> to vector<16xi32>
    %swap3A_372 = vector.shape_cast %shift_right_logical3A_366 : vector<16xi32> to vector<1x16xi32>
    tpu.vector_store %arg8[%swap3A_368, %swap3A_369], %swap3A_372 {strides = array<i32>} : memref<2x128xi32, #tpu.memory_space<vmem>>, vector<1x16xi32>,
    %dma_start3A_373 = arith.constant 1 : i32
    %dma_start3A_374 = arith.constant 0 : i32
    %dma_start3A_375 = tpu.memref_slice %arg7[%dma_start3A_373, %dma_start3A_374] : memref<2x128xi32, #tpu.memory_space<vmem>> -> memref<1x128xi32, #tpu.memory_space<vmem>>
    %dma_start3A_376 = tpu.memref_squeeze %dma_start3A_375 : memref<1x128xi32, #tpu.memory_space<vmem>> -> memref<128xi32, #tpu.memory_space<vmem>>
    %dma_start3A_377 = arith.constant 0 : i32
    %dma_start3A_378 = arith.constant 0 : i32
    %dma_start3A_379 = tpu.memref_slice %arg2[%dma_start3A_377, %dma_start3A_378] : memref<10000x128xf32, #tpu.memory_space<hbm>> -> memref<10000x128xf32, #tpu.memory_space<hbm>>
    tpu.enqueue_indirect_dma source(%dma_start3A_379 : memref<10000x128xf32, #tpu.memory_space<hbm>>) target(%arg10 : memref<128x128xf32, #tpu.memory_space<vmem>>) offsets(%dma_start3A_376 : memref<128xi32, #tpu.memory_space<vmem>>) semaphore(%arg13 : memref<!tpu.dma_semaphore, #tpu.memory_space<semaphore_mem>>)
    %scan3A = arith.constant 0 : i32
    %scan3A_380 = arith.constant 0 : i32
    %scan3A_381 = arith.constant 40 : i32
    %scan3A_382 = arith.addi %scan3A_380, %scan3A_381 : i32
    %scan3A_383 = arith.constant 1 : i32
    scf.for %scan3A_390 = %scan3A_380 to %scan3A_382 step %scan3A_383  : i32 {
      %mul3A_391 = arith.constant 2 : i32
      %mul3A_392 = arith.muli %scan3A_390, %mul3A_391 : i32
      %add3A_393 = arith.constant 0 : i32
      %add3A_394 = arith.addi %mul3A_392, %add3A_393 : i32
      %dma_wait3A = arith.constant 0 : i32
      %dma_wait3A_395 = arith.constant 0 : i32
      %dma_wait3A_396 = tpu.memref_slice %arg7[%dma_wait3A, %dma_wait3A_395] : memref<2x128xi32, #tpu.memory_space<vmem>> -> memref<1x128xi32, #tpu.memory_space<vmem>>
      %dma_wait3A_397 = tpu.memref_squeeze %dma_wait3A_396 : memref<1x128xi32, #tpu.memory_space<vmem>> -> memref<128xi32, #tpu.memory_space<vmem>>
      %dma_wait3A_398 = arith.constant 0 : i32
      %dma_wait3A_399 = arith.constant 0 : i32
      %dma_wait3A_400 = tpu.memref_slice %arg2[%dma_wait3A_398, %dma_wait3A_399] : memref<10000x128xf32, #tpu.memory_space<hbm>> -> memref<10000x128xf32, #tpu.memory_space<hbm>>
      tpu.wait_indirect_dma semaphore(%arg12 : memref<!tpu.dma_semaphore, #tpu.memory_space<semaphore_mem>>) src(%dma_wait3A_400 : memref<10000x128xf32, #tpu.memory_space<hbm>>) dst(%arg9 : memref<128x128xf32, #tpu.memory_space<vmem>>)
      %dma_start3A_401 = arith.constant 0 : i32
      %dma_start3A_402 = arith.constant 0 : i32
      %dma_start3A_403 = tpu.memref_slice %arg8[%dma_start3A_401, %dma_start3A_402] : memref<2x128xi32, #tpu.memory_space<vmem>> -> memref<1x128xi32, #tpu.memory_space<vmem>>
      %dma_start3A_404 = tpu.memref_squeeze %dma_start3A_403 : memref<1x128xi32, #tpu.memory_space<vmem>> -> memref<128xi32, #tpu.memory_space<vmem>>
      %dma_start3A_405 = arith.constant 0 : i32
      %dma_start3A_406 = arith.constant 0 : i32
      %dma_start3A_407 = tpu.memref_slice %arg11[%dma_start3A_405, %dma_start3A_406] : memref<10240x128xf32, #tpu.memory_space<vmem_shared>> -> memref<10240x128xf32, #tpu.memory_space<vmem_shared>>
      tpu.enqueue_indirect_dma source(%arg9 : memref<128x128xf32, #tpu.memory_space<vmem>>) target(%dma_start3A_407 : memref<10240x128xf32, #tpu.memory_space<vmem_shared>>) offsets(%dma_start3A_404 : memref<128xi32, #tpu.memory_space<vmem>>) semaphore(%arg14 : memref<!tpu.dma_semaphore, #tpu.memory_space<semaphore_mem>>) {add = true}
      %add3A_408 = arith.constant 1 : i32
      %add3A_409 = arith.addi %mul3A_392, %add3A_408 : i32
      %dma_wait3A_410 = arith.constant 1 : i32
      %dma_wait3A_411 = arith.constant 0 : i32
      %dma_wait3A_412 = tpu.memref_slice %arg7[%dma_wait3A_410, %dma_wait3A_411] : memref<2x128xi32, #tpu.memory_space<vmem>> -> memref<1x128xi32, #tpu.memory_space<vmem>>
      %dma_wait3A_413 = tpu.memref_squeeze %dma_wait3A_412 : memref<1x128xi32, #tpu.memory_space<vmem>> -> memref<128xi32, #tpu.memory_space<vmem>>
      %dma_wait3A_414 = arith.constant 0 : i32
      %dma_wait3A_415 = arith.constant 0 : i32
      %dma_wait3A_416 = tpu.memref_slice %arg2[%dma_wait3A_414, %dma_wait3A_415] : memref<10000x128xf32, #tpu.memory_space<hbm>> -> memref<10000x128xf32, #tpu.memory_space<hbm>>
      tpu.wait_indirect_dma semaphore(%arg13 : memref<!tpu.dma_semaphore, #tpu.memory_space<semaphore_mem>>) src(%dma_wait3A_416 : memref<10000x128xf32, #tpu.memory_space<hbm>>) dst(%arg10 : memref<128x128xf32, #tpu.memory_space<vmem>>)
      %dma_start3A_417 = arith.constant 1 : i32
      %dma_start3A_418 = arith.constant 0 : i32
      %dma_start3A_419 = tpu.memref_slice %arg8[%dma_start3A_417, %dma_start3A_418] : memref<2x128xi32, #tpu.memory_space<vmem>> -> memref<1x128xi32, #tpu.memory_space<vmem>>
      %dma_start3A_420 = tpu.memref_squeeze %dma_start3A_419 : memref<1x128xi32, #tpu.memory_space<vmem>> -> memref<128xi32, #tpu.memory_space<vmem>>
      %dma_start3A_421 = arith.constant 0 : i32
      %dma_start3A_422 = arith.constant 0 : i32
      %dma_start3A_423 = tpu.memref_slice %arg11[%dma_start3A_421, %dma_start3A_422] : memref<10240x128xf32, #tpu.memory_space<vmem_shared>> -> memref<10240x128xf32, #tpu.memory_space<vmem_shared>>
      tpu.enqueue_indirect_dma source(%arg10 : memref<128x128xf32, #tpu.memory_space<vmem>>) target(%dma_start3A_423 : memref<10240x128xf32, #tpu.memory_space<vmem_shared>>) offsets(%dma_start3A_420 : memref<128xi32, #tpu.memory_space<vmem>>) semaphore(%arg15 : memref<!tpu.dma_semaphore, #tpu.memory_space<semaphore_mem>>) {add = true}
      %add3A_424 = arith.constant 0 : i32
      %add3A_425 = arith.addi %mul3A_392, %add3A_424 : i32
      %dma_wait3A_426 = arith.constant 0 : i32
      %dma_wait3A_427 = arith.constant 0 : i32
      %dma_wait3A_428 = tpu.memref_slice %arg8[%dma_wait3A_426, %dma_wait3A_427] : memref<2x128xi32, #tpu.memory_space<vmem>> -> memref<1x128xi32, #tpu.memory_space<vmem>>
      %dma_wait3A_429 = tpu.memref_squeeze %dma_wait3A_428 : memref<1x128xi32, #tpu.memory_space<vmem>> -> memref<128xi32, #tpu.memory_space<vmem>>
      %dma_wait3A_430 = arith.constant 0 : i32
      %dma_wait3A_431 = arith.constant 0 : i32
      %dma_wait3A_432 = tpu.memref_slice %arg11[%dma_wait3A_430, %dma_wait3A_431] : memref<10240x128xf32, #tpu.memory_space<vmem_shared>> -> memref<10240x128xf32, #tpu.memory_space<vmem_shared>>
      tpu.wait_indirect_dma semaphore(%arg14 : memref<!tpu.dma_semaphore, #tpu.memory_space<semaphore_mem>>) src(%arg9 : memref<128x128xf32, #tpu.memory_space<vmem>>) dst(%dma_wait3A_432 : memref<10240x128xf32, #tpu.memory_space<vmem_shared>>)
      %lt3A = arith.constant 39 : i32
      %lt3A_433 = arith.cmpi slt, %scan3A_390, %lt3A : i32
      %convert_element_type3A = arith.extui %lt3A_433 : i1 to i32
      %cond3A = arith.constant 0 : i32
      %cond3A_434 = arith.cmpi ne, %convert_element_type3A, %cond3A : i32
      scf.if %cond3A_434 {
        %add3A_449 = arith.constant 2 : i32
        %add3A_450 = arith.addi %add3A_425, %add3A_449 : i32
        %get3A_451 = arith.index_cast %add3A_450 : i32 to index
        %get3A_452 = arith.constant 0 : index
        %get3A_453 = tpu.vector_load %arg6[%get3A_451, %get3A_452] {strides = array<i32>} : memref<80x128xi32, #tpu.memory_space<vmem>>, vector<1x16xi32>,
        %get3A_454 = vector.shape_cast %get3A_453 : vector<1x16xi32> to vector<16xi32>
        %and3A_455 = arith.constant 16383 : i32
        %and3A_456 = vector.broadcast %and3A_455 : i32 to vector<16xi32>
        %and3A_457 = arith.andi %get3A_454, %and3A_456 : vector<16xi32>
        %swap3A_458 = arith.constant 0 : i32
        %swap3A_459 = arith.index_cast %swap3A_458 : i32 to index
        %swap3A_460 = arith.constant 0 : index
        %swap3A_461 = tpu.vector_load %arg7[%swap3A_459, %swap3A_460] {strides = array<i32>} : memref<2x128xi32, #tpu.memory_space<vmem>>, vector<1x16xi32>,
        %swap3A_462 = vector.shape_cast %swap3A_461 : vector<1x16xi32> to vector<16xi32>
        %swap3A_463 = vector.shape_cast %and3A_457 : vector<16xi32> to vector<1x16xi32>
        tpu.vector_store %arg7[%swap3A_459, %swap3A_460], %swap3A_463 {strides = array<i32>} : memref<2x128xi32, #tpu.memory_space<vmem>>, vector<1x16xi32>,
        %shift_right_logical3A_464 = arith.constant 14 : i32
        %shift_right_logical3A_465 = vector.broadcast %shift_right_logical3A_464 : i32 to vector<16xi32>
        %shift_right_logical3A_466 = arith.shrui %get3A_454, %shift_right_logical3A_465 : vector<16xi32>
        %swap3A_467 = arith.constant 0 : i32
        %swap3A_468 = arith.index_cast %swap3A_467 : i32 to index
        %swap3A_469 = arith.constant 0 : index
        %swap3A_470 = tpu.vector_load %arg8[%swap3A_468, %swap3A_469] {strides = array<i32>} : memref<2x128xi32, #tpu.memory_space<vmem>>, vector<1x16xi32>,
        %swap3A_471 = vector.shape_cast %swap3A_470 : vector<1x16xi32> to vector<16xi32>
        %swap3A_472 = vector.shape_cast %shift_right_logical3A_466 : vector<16xi32> to vector<1x16xi32>
        tpu.vector_store %arg8[%swap3A_468, %swap3A_469], %swap3A_472 {strides = array<i32>} : memref<2x128xi32, #tpu.memory_space<vmem>>, vector<1x16xi32>,
        %get3A_473 = arith.index_cast %add3A_450 : i32 to index
        %get3A_474 = arith.constant 16 : index
        %get3A_475 = tpu.vector_load %arg6[%get3A_473, %get3A_474] {strides = array<i32>} : memref<80x128xi32, #tpu.memory_space<vmem>>, vector<1x16xi32>,
        %get3A_476 = vector.shape_cast %get3A_475 : vector<1x16xi32> to vector<16xi32>
        %and3A_477 = arith.constant 16383 : i32
        %and3A_478 = vector.broadcast %and3A_477 : i32 to vector<16xi32>
        %and3A_479 = arith.andi %get3A_476, %and3A_478 : vector<16xi32>
        %swap3A_480 = arith.constant 0 : i32
        %swap3A_481 = arith.index_cast %swap3A_480 : i32 to index
        %swap3A_482 = arith.constant 16 : index
        %swap3A_483 = tpu.vector_load %arg7[%swap3A_481, %swap3A_482] {strides = array<i32>} : memref<2x128xi32, #tpu.memory_space<vmem>>, vector<1x16xi32>,
        %swap3A_484 = vector.shape_cast %swap3A_483 : vector<1x16xi32> to vector<16xi32>
        %swap3A_485 = vector.shape_cast %and3A_479 : vector<16xi32> to vector<1x16xi32>
        tpu.vector_store %arg7[%swap3A_481, %swap3A_482], %swap3A_485 {strides = array<i32>} : memref<2x128xi32, #tpu.memory_space<vmem>>, vector<1x16xi32>,
        %shift_right_logical3A_486 = arith.constant 14 : i32
        %shift_right_logical3A_487 = vector.broadcast %shift_right_logical3A_486 : i32 to vector<16xi32>
        %shift_right_logical3A_488 = arith.shrui %get3A_476, %shift_right_logical3A_487 : vector<16xi32>
        %swap3A_489 = arith.constant 0 : i32
        %swap3A_490 = arith.index_cast %swap3A_489 : i32 to index
        %swap3A_491 = arith.constant 16 : index
        %swap3A_492 = tpu.vector_load %arg8[%swap3A_490, %swap3A_491] {strides = array<i32>} : memref<2x128xi32, #tpu.memory_space<vmem>>, vector<1x16xi32>,
        %swap3A_493 = vector.shape_cast %swap3A_492 : vector<1x16xi32> to vector<16xi32>
        %swap3A_494 = vector.shape_cast %shift_right_logical3A_488 : vector<16xi32> to vector<1x16xi32>
        tpu.vector_store %arg8[%swap3A_490, %swap3A_491], %swap3A_494 {strides = array<i32>} : memref<2x128xi32, #tpu.memory_space<vmem>>, vector<1x16xi32>,
        %get3A_495 = arith.index_cast %add3A_450 : i32 to index
        %get3A_496 = arith.constant 32 : index
        %get3A_497 = tpu.vector_load %arg6[%get3A_495, %get3A_496] {strides = array<i32>} : memref<80x128xi32, #tpu.memory_space<vmem>>, vector<1x16xi32>,
        %get3A_498 = vector.shape_cast %get3A_497 : vector<1x16xi32> to vector<16xi32>
        %and3A_499 = arith.constant 16383 : i32
        %and3A_500 = vector.broadcast %and3A_499 : i32 to vector<16xi32>
        %and3A_501 = arith.andi %get3A_498, %and3A_500 : vector<16xi32>
        %swap3A_502 = arith.constant 0 : i32
        %swap3A_503 = arith.index_cast %swap3A_502 : i32 to index
        %swap3A_504 = arith.constant 32 : index
        %swap3A_505 = tpu.vector_load %arg7[%swap3A_503, %swap3A_504] {strides = array<i32>} : memref<2x128xi32, #tpu.memory_space<vmem>>, vector<1x16xi32>,
        %swap3A_506 = vector.shape_cast %swap3A_505 : vector<1x16xi32> to vector<16xi32>
        %swap3A_507 = vector.shape_cast %and3A_501 : vector<16xi32> to vector<1x16xi32>
        tpu.vector_store %arg7[%swap3A_503, %swap3A_504], %swap3A_507 {strides = array<i32>} : memref<2x128xi32, #tpu.memory_space<vmem>>, vector<1x16xi32>,
        %shift_right_logical3A_508 = arith.constant 14 : i32
        %shift_right_logical3A_509 = vector.broadcast %shift_right_logical3A_508 : i32 to vector<16xi32>
        %shift_right_logical3A_510 = arith.shrui %get3A_498, %shift_right_logical3A_509 : vector<16xi32>
        %swap3A_511 = arith.constant 0 : i32
        %swap3A_512 = arith.index_cast %swap3A_511 : i32 to index
        %swap3A_513 = arith.constant 32 : index
        %swap3A_514 = tpu.vector_load %arg8[%swap3A_512, %swap3A_513] {strides = array<i32>} : memref<2x128xi32, #tpu.memory_space<vmem>>, vector<1x16xi32>,
        %swap3A_515 = vector.shape_cast %swap3A_514 : vector<1x16xi32> to vector<16xi32>
        %swap3A_516 = vector.shape_cast %shift_right_logical3A_510 : vector<16xi32> to vector<1x16xi32>
        tpu.vector_store %arg8[%swap3A_512, %swap3A_513], %swap3A_516 {strides = array<i32>} : memref<2x128xi32, #tpu.memory_space<vmem>>, vector<1x16xi32>,
        %get3A_517 = arith.index_cast %add3A_450 : i32 to index
        %get3A_518 = arith.constant 48 : index
        %get3A_519 = tpu.vector_load %arg6[%get3A_517, %get3A_518] {strides = array<i32>} : memref<80x128xi32, #tpu.memory_space<vmem>>, vector<1x16xi32>,
        %get3A_520 = vector.shape_cast %get3A_519 : vector<1x16xi32> to vector<16xi32>
        %and3A_521 = arith.constant 16383 : i32
        %and3A_522 = vector.broadcast %and3A_521 : i32 to vector<16xi32>
        %and3A_523 = arith.andi %get3A_520, %and3A_522 : vector<16xi32>
        %swap3A_524 = arith.constant 0 : i32
        %swap3A_525 = arith.index_cast %swap3A_524 : i32 to index
        %swap3A_526 = arith.constant 48 : index
        %swap3A_527 = tpu.vector_load %arg7[%swap3A_525, %swap3A_526] {strides = array<i32>} : memref<2x128xi32, #tpu.memory_space<vmem>>, vector<1x16xi32>,
        %swap3A_528 = vector.shape_cast %swap3A_527 : vector<1x16xi32> to vector<16xi32>
        %swap3A_529 = vector.shape_cast %and3A_523 : vector<16xi32> to vector<1x16xi32>
        tpu.vector_store %arg7[%swap3A_525, %swap3A_526], %swap3A_529 {strides = array<i32>} : memref<2x128xi32, #tpu.memory_space<vmem>>, vector<1x16xi32>,
        %shift_right_logical3A_530 = arith.constant 14 : i32
        %shift_right_logical3A_531 = vector.broadcast %shift_right_logical3A_530 : i32 to vector<16xi32>
        %shift_right_logical3A_532 = arith.shrui %get3A_520, %shift_right_logical3A_531 : vector<16xi32>
        %swap3A_533 = arith.constant 0 : i32
        %swap3A_534 = arith.index_cast %swap3A_533 : i32 to index
        %swap3A_535 = arith.constant 48 : index
        %swap3A_536 = tpu.vector_load %arg8[%swap3A_534, %swap3A_535] {strides = array<i32>} : memref<2x128xi32, #tpu.memory_space<vmem>>, vector<1x16xi32>,
        %swap3A_537 = vector.shape_cast %swap3A_536 : vector<1x16xi32> to vector<16xi32>
        %swap3A_538 = vector.shape_cast %shift_right_logical3A_532 : vector<16xi32> to vector<1x16xi32>
        tpu.vector_store %arg8[%swap3A_534, %swap3A_535], %swap3A_538 {strides = array<i32>} : memref<2x128xi32, #tpu.memory_space<vmem>>, vector<1x16xi32>,
        %get3A_539 = arith.index_cast %add3A_450 : i32 to index
        %get3A_540 = arith.constant 64 : index
        %get3A_541 = tpu.vector_load %arg6[%get3A_539, %get3A_540] {strides = array<i32>} : memref<80x128xi32, #tpu.memory_space<vmem>>, vector<1x16xi32>,
        %get3A_542 = vector.shape_cast %get3A_541 : vector<1x16xi32> to vector<16xi32>
        %and3A_543 = arith.constant 16383 : i32
        %and3A_544 = vector.broadcast %and3A_543 : i32 to vector<16xi32>
        %and3A_545 = arith.andi %get3A_542, %and3A_544 : vector<16xi32>
        %swap3A_546 = arith.constant 0 : i32
        %swap3A_547 = arith.index_cast %swap3A_546 : i32 to index
        %swap3A_548 = arith.constant 64 : index
        %swap3A_549 = tpu.vector_load %arg7[%swap3A_547, %swap3A_548] {strides = array<i32>} : memref<2x128xi32, #tpu.memory_space<vmem>>, vector<1x16xi32>,
        %swap3A_550 = vector.shape_cast %swap3A_549 : vector<1x16xi32> to vector<16xi32>
        %swap3A_551 = vector.shape_cast %and3A_545 : vector<16xi32> to vector<1x16xi32>
        tpu.vector_store %arg7[%swap3A_547, %swap3A_548], %swap3A_551 {strides = array<i32>} : memref<2x128xi32, #tpu.memory_space<vmem>>, vector<1x16xi32>,
        %shift_right_logical3A_552 = arith.constant 14 : i32
        %shift_right_logical3A_553 = vector.broadcast %shift_right_logical3A_552 : i32 to vector<16xi32>
        %shift_right_logical3A_554 = arith.shrui %get3A_542, %shift_right_logical3A_553 : vector<16xi32>
        %swap3A_555 = arith.constant 0 : i32
        %swap3A_556 = arith.index_cast %swap3A_555 : i32 to index
        %swap3A_557 = arith.constant 64 : index
        %swap3A_558 = tpu.vector_load %arg8[%swap3A_556, %swap3A_557] {strides = array<i32>} : memref<2x128xi32, #tpu.memory_space<vmem>>, vector<1x16xi32>,
        %swap3A_559 = vector.shape_cast %swap3A_558 : vector<1x16xi32> to vector<16xi32>
        %swap3A_560 = vector.shape_cast %shift_right_logical3A_554 : vector<16xi32> to vector<1x16xi32>
        tpu.vector_store %arg8[%swap3A_556, %swap3A_557], %swap3A_560 {strides = array<i32>} : memref<2x128xi32, #tpu.memory_space<vmem>>, vector<1x16xi32>,
        %get3A_561 = arith.index_cast %add3A_450 : i32 to index
        %get3A_562 = arith.constant 80 : index
        %get3A_563 = tpu.vector_load %arg6[%get3A_561, %get3A_562] {strides = array<i32>} : memref<80x128xi32, #tpu.memory_space<vmem>>, vector<1x16xi32>,
        %get3A_564 = vector.shape_cast %get3A_563 : vector<1x16xi32> to vector<16xi32>
        %and3A_565 = arith.constant 16383 : i32
        %and3A_566 = vector.broadcast %and3A_565 : i32 to vector<16xi32>
        %and3A_567 = arith.andi %get3A_564, %and3A_566 : vector<16xi32>
        %swap3A_568 = arith.constant 0 : i32
        %swap3A_569 = arith.index_cast %swap3A_568 : i32 to index
        %swap3A_570 = arith.constant 80 : index
        %swap3A_571 = tpu.vector_load %arg7[%swap3A_569, %swap3A_570] {strides = array<i32>} : memref<2x128xi32, #tpu.memory_space<vmem>>, vector<1x16xi32>,
        %swap3A_572 = vector.shape_cast %swap3A_571 : vector<1x16xi32> to vector<16xi32>
        %swap3A_573 = vector.shape_cast %and3A_567 : vector<16xi32> to vector<1x16xi32>
        tpu.vector_store %arg7[%swap3A_569, %swap3A_570], %swap3A_573 {strides = array<i32>} : memref<2x128xi32, #tpu.memory_space<vmem>>, vector<1x16xi32>,
        %shift_right_logical3A_574 = arith.constant 14 : i32
        %shift_right_logical3A_575 = vector.broadcast %shift_right_logical3A_574 : i32 to vector<16xi32>
        %shift_right_logical3A_576 = arith.shrui %get3A_564, %shift_right_logical3A_575 : vector<16xi32>
        %swap3A_577 = arith.constant 0 : i32
        %swap3A_578 = arith.index_cast %swap3A_577 : i32 to index
        %swap3A_579 = arith.constant 80 : index
        %swap3A_580 = tpu.vector_load %arg8[%swap3A_578, %swap3A_579] {strides = array<i32>} : memref<2x128xi32, #tpu.memory_space<vmem>>, vector<1x16xi32>,
        %swap3A_581 = vector.shape_cast %swap3A_580 : vector<1x16xi32> to vector<16xi32>
        %swap3A_582 = vector.shape_cast %shift_right_logical3A_576 : vector<16xi32> to vector<1x16xi32>
        tpu.vector_store %arg8[%swap3A_578, %swap3A_579], %swap3A_582 {strides = array<i32>} : memref<2x128xi32, #tpu.memory_space<vmem>>, vector<1x16xi32>,
        %get3A_583 = arith.index_cast %add3A_450 : i32 to index
        %get3A_584 = arith.constant 96 : index
        %get3A_585 = tpu.vector_load %arg6[%get3A_583, %get3A_584] {strides = array<i32>} : memref<80x128xi32, #tpu.memory_space<vmem>>, vector<1x16xi32>,
        %get3A_586 = vector.shape_cast %get3A_585 : vector<1x16xi32> to vector<16xi32>
        %and3A_587 = arith.constant 16383 : i32
        %and3A_588 = vector.broadcast %and3A_587 : i32 to vector<16xi32>
        %and3A_589 = arith.andi %get3A_586, %and3A_588 : vector<16xi32>
        %swap3A_590 = arith.constant 0 : i32
        %swap3A_591 = arith.index_cast %swap3A_590 : i32 to index
        %swap3A_592 = arith.constant 96 : index
        %swap3A_593 = tpu.vector_load %arg7[%swap3A_591, %swap3A_592] {strides = array<i32>} : memref<2x128xi32, #tpu.memory_space<vmem>>, vector<1x16xi32>,
        %swap3A_594 = vector.shape_cast %swap3A_593 : vector<1x16xi32> to vector<16xi32>
        %swap3A_595 = vector.shape_cast %and3A_589 : vector<16xi32> to vector<1x16xi32>
        tpu.vector_store %arg7[%swap3A_591, %swap3A_592], %swap3A_595 {strides = array<i32>} : memref<2x128xi32, #tpu.memory_space<vmem>>, vector<1x16xi32>,
        %shift_right_logical3A_596 = arith.constant 14 : i32
        %shift_right_logical3A_597 = vector.broadcast %shift_right_logical3A_596 : i32 to vector<16xi32>
        %shift_right_logical3A_598 = arith.shrui %get3A_586, %shift_right_logical3A_597 : vector<16xi32>
        %swap3A_599 = arith.constant 0 : i32
        %swap3A_600 = arith.index_cast %swap3A_599 : i32 to index
        %swap3A_601 = arith.constant 96 : index
        %swap3A_602 = tpu.vector_load %arg8[%swap3A_600, %swap3A_601] {strides = array<i32>} : memref<2x128xi32, #tpu.memory_space<vmem>>, vector<1x16xi32>,
        %swap3A_603 = vector.shape_cast %swap3A_602 : vector<1x16xi32> to vector<16xi32>
        %swap3A_604 = vector.shape_cast %shift_right_logical3A_598 : vector<16xi32> to vector<1x16xi32>
        tpu.vector_store %arg8[%swap3A_600, %swap3A_601], %swap3A_604 {strides = array<i32>} : memref<2x128xi32, #tpu.memory_space<vmem>>, vector<1x16xi32>,
        %get3A_605 = arith.index_cast %add3A_450 : i32 to index
        %get3A_606 = arith.constant 112 : index
        %get3A_607 = tpu.vector_load %arg6[%get3A_605, %get3A_606] {strides = array<i32>} : memref<80x128xi32, #tpu.memory_space<vmem>>, vector<1x16xi32>,
        %get3A_608 = vector.shape_cast %get3A_607 : vector<1x16xi32> to vector<16xi32>
        %and3A_609 = arith.constant 16383 : i32
        %and3A_610 = vector.broadcast %and3A_609 : i32 to vector<16xi32>
        %and3A_611 = arith.andi %get3A_608, %and3A_610 : vector<16xi32>
        %swap3A_612 = arith.constant 0 : i32
        %swap3A_613 = arith.index_cast %swap3A_612 : i32 to index
        %swap3A_614 = arith.constant 112 : index
        %swap3A_615 = tpu.vector_load %arg7[%swap3A_613, %swap3A_614] {strides = array<i32>} : memref<2x128xi32, #tpu.memory_space<vmem>>, vector<1x16xi32>,
        %swap3A_616 = vector.shape_cast %swap3A_615 : vector<1x16xi32> to vector<16xi32>
        %swap3A_617 = vector.shape_cast %and3A_611 : vector<16xi32> to vector<1x16xi32>
        tpu.vector_store %arg7[%swap3A_613, %swap3A_614], %swap3A_617 {strides = array<i32>} : memref<2x128xi32, #tpu.memory_space<vmem>>, vector<1x16xi32>,
        %shift_right_logical3A_618 = arith.constant 14 : i32
        %shift_right_logical3A_619 = vector.broadcast %shift_right_logical3A_618 : i32 to vector<16xi32>
        %shift_right_logical3A_620 = arith.shrui %get3A_608, %shift_right_logical3A_619 : vector<16xi32>
        %swap3A_621 = arith.constant 0 : i32
        %swap3A_622 = arith.index_cast %swap3A_621 : i32 to index
        %swap3A_623 = arith.constant 112 : index
        %swap3A_624 = tpu.vector_load %arg8[%swap3A_622, %swap3A_623] {strides = array<i32>} : memref<2x128xi32, #tpu.memory_space<vmem>>, vector<1x16xi32>,
        %swap3A_625 = vector.shape_cast %swap3A_624 : vector<1x16xi32> to vector<16xi32>
        %swap3A_626 = vector.shape_cast %shift_right_logical3A_620 : vector<16xi32> to vector<1x16xi32>
        tpu.vector_store %arg8[%swap3A_622, %swap3A_623], %swap3A_626 {strides = array<i32>} : memref<2x128xi32, #tpu.memory_space<vmem>>, vector<1x16xi32>,
        %dma_start3A_627 = arith.constant 0 : i32
        %dma_start3A_628 = arith.constant 0 : i32
        %dma_start3A_629 = tpu.memref_slice %arg7[%dma_start3A_627, %dma_start3A_628] : memref<2x128xi32, #tpu.memory_space<vmem>> -> memref<1x128xi32, #tpu.memory_space<vmem>>
        %dma_start3A_630 = tpu.memref_squeeze %dma_start3A_629 : memref<1x128xi32, #tpu.memory_space<vmem>> -> memref<128xi32, #tpu.memory_space<vmem>>
        %dma_start3A_631 = arith.constant 0 : i32
        %dma_start3A_632 = arith.constant 0 : i32
        %dma_start3A_633 = tpu.memref_slice %arg2[%dma_start3A_631, %dma_start3A_632] : memref<10000x128xf32, #tpu.memory_space<hbm>> -> memref<10000x128xf32, #tpu.memory_space<hbm>>
        tpu.enqueue_indirect_dma source(%dma_start3A_633 : memref<10000x128xf32, #tpu.memory_space<hbm>>) target(%arg9 : memref<128x128xf32, #tpu.memory_space<vmem>>) offsets(%dma_start3A_630 : memref<128xi32, #tpu.memory_space<vmem>>) semaphore(%arg12 : memref<!tpu.dma_semaphore, #tpu.memory_space<semaphore_mem>>)
      } else {
      }
      %add3A_435 = arith.constant 1 : i32
      %add3A_436 = arith.addi %mul3A_392, %add3A_435 : i32
      %dma_wait3A_437 = arith.constant 1 : i32
      %dma_wait3A_438 = arith.constant 0 : i32
      %dma_wait3A_439 = tpu.memref_slice %arg8[%dma_wait3A_437, %dma_wait3A_438] : memref<2x128xi32, #tpu.memory_space<vmem>> -> memref<1x128xi32, #tpu.memory_space<vmem>>
      %dma_wait3A_440 = tpu.memref_squeeze %dma_wait3A_439 : memref<1x128xi32, #tpu.memory_space<vmem>> -> memref<128xi32, #tpu.memory_space<vmem>>
      %dma_wait3A_441 = arith.constant 0 : i32
      %dma_wait3A_442 = arith.constant 0 : i32
      %dma_wait3A_443 = tpu.memref_slice %arg11[%dma_wait3A_441, %dma_wait3A_442] : memref<10240x128xf32, #tpu.memory_space<vmem_shared>> -> memref<10240x128xf32, #tpu.memory_space<vmem_shared>>
      tpu.wait_indirect_dma semaphore(%arg15 : memref<!tpu.dma_semaphore, #tpu.memory_space<semaphore_mem>>) src(%arg10 : memref<128x128xf32, #tpu.memory_space<vmem>>) dst(%dma_wait3A_443 : memref<10240x128xf32, #tpu.memory_space<vmem_shared>>)
      %lt3A_444 = arith.constant 39 : i32
      %lt3A_445 = arith.cmpi slt, %scan3A_390, %lt3A_444 : i32
      %convert_element_type3A_446 = arith.extui %lt3A_445 : i1 to i32
      %cond3A_447 = arith.constant 0 : i32
      %cond3A_448 = arith.cmpi ne, %convert_element_type3A_446, %cond3A_447 : i32
      scf.if %cond3A_448 {
        %add3A_449 = arith.constant 2 : i32
        %add3A_450 = arith.addi %add3A_436, %add3A_449 : i32
        %get3A_451 = arith.index_cast %add3A_450 : i32 to index
        %get3A_452 = arith.constant 0 : index
        %get3A_453 = tpu.vector_load %arg6[%get3A_451, %get3A_452] {strides = array<i32>} : memref<80x128xi32, #tpu.memory_space<vmem>>, vector<1x16xi32>,
        %get3A_454 = vector.shape_cast %get3A_453 : vector<1x16xi32> to vector<16xi32>
        %and3A_455 = arith.constant 16383 : i32
        %and3A_456 = vector.broadcast %and3A_455 : i32 to vector<16xi32>
        %and3A_457 = arith.andi %get3A_454, %and3A_456 : vector<16xi32>
        %swap3A_458 = arith.constant 1 : i32
        %swap3A_459 = arith.index_cast %swap3A_458 : i32 to index
        %swap3A_460 = arith.constant 0 : index
        %swap3A_461 = tpu.vector_load %arg7[%swap3A_459, %swap3A_460] {strides = array<i32>} : memref<2x128xi32, #tpu.memory_space<vmem>>, vector<1x16xi32>,
        %swap3A_462 = vector.shape_cast %swap3A_461 : vector<1x16xi32> to vector<16xi32>
        %swap3A_463 = vector.shape_cast %and3A_457 : vector<16xi32> to vector<1x16xi32>
        tpu.vector_store %arg7[%swap3A_459, %swap3A_460], %swap3A_463 {strides = array<i32>} : memref<2x128xi32, #tpu.memory_space<vmem>>, vector<1x16xi32>,
        %shift_right_logical3A_464 = arith.constant 14 : i32
        %shift_right_logical3A_465 = vector.broadcast %shift_right_logical3A_464 : i32 to vector<16xi32>
        %shift_right_logical3A_466 = arith.shrui %get3A_454, %shift_right_logical3A_465 : vector<16xi32>
        %swap3A_467 = arith.constant 1 : i32
        %swap3A_468 = arith.index_cast %swap3A_467 : i32 to index
        %swap3A_469 = arith.constant 0 : index
        %swap3A_470 = tpu.vector_load %arg8[%swap3A_468, %swap3A_469] {strides = array<i32>} : memref<2x128xi32, #tpu.memory_space<vmem>>, vector<1x16xi32>,
        %swap3A_471 = vector.shape_cast %swap3A_470 : vector<1x16xi32> to vector<16xi32>
        %swap3A_472 = vector.shape_cast %shift_right_logical3A_466 : vector<16xi32> to vector<1x16xi32>
        tpu.vector_store %arg8[%swap3A_468, %swap3A_469], %swap3A_472 {strides = array<i32>} : memref<2x128xi32, #tpu.memory_space<vmem>>, vector<1x16xi32>,
        %get3A_473 = arith.index_cast %add3A_450 : i32 to index
        %get3A_474 = arith.constant 16 : index
        %get3A_475 = tpu.vector_load %arg6[%get3A_473, %get3A_474] {strides = array<i32>} : memref<80x128xi32, #tpu.memory_space<vmem>>, vector<1x16xi32>,
        %get3A_476 = vector.shape_cast %get3A_475 : vector<1x16xi32> to vector<16xi32>
        %and3A_477 = arith.constant 16383 : i32
        %and3A_478 = vector.broadcast %and3A_477 : i32 to vector<16xi32>
        %and3A_479 = arith.andi %get3A_476, %and3A_478 : vector<16xi32>
        %swap3A_480 = arith.constant 1 : i32
        %swap3A_481 = arith.index_cast %swap3A_480 : i32 to index
        %swap3A_482 = arith.constant 16 : index
        %swap3A_483 = tpu.vector_load %arg7[%swap3A_481, %swap3A_482] {strides = array<i32>} : memref<2x128xi32, #tpu.memory_space<vmem>>, vector<1x16xi32>,
        %swap3A_484 = vector.shape_cast %swap3A_483 : vector<1x16xi32> to vector<16xi32>
        %swap3A_485 = vector.shape_cast %and3A_479 : vector<16xi32> to vector<1x16xi32>
        tpu.vector_store %arg7[%swap3A_481, %swap3A_482], %swap3A_485 {strides = array<i32>} : memref<2x128xi32, #tpu.memory_space<vmem>>, vector<1x16xi32>,
        %shift_right_logical3A_486 = arith.constant 14 : i32
        %shift_right_logical3A_487 = vector.broadcast %shift_right_logical3A_486 : i32 to vector<16xi32>
        %shift_right_logical3A_488 = arith.shrui %get3A_476, %shift_right_logical3A_487 : vector<16xi32>
        %swap3A_489 = arith.constant 1 : i32
        %swap3A_490 = arith.index_cast %swap3A_489 : i32 to index
        %swap3A_491 = arith.constant 16 : index
        %swap3A_492 = tpu.vector_load %arg8[%swap3A_490, %swap3A_491] {strides = array<i32>} : memref<2x128xi32, #tpu.memory_space<vmem>>, vector<1x16xi32>,
        %swap3A_493 = vector.shape_cast %swap3A_492 : vector<1x16xi32> to vector<16xi32>
        %swap3A_494 = vector.shape_cast %shift_right_logical3A_488 : vector<16xi32> to vector<1x16xi32>
        tpu.vector_store %arg8[%swap3A_490, %swap3A_491], %swap3A_494 {strides = array<i32>} : memref<2x128xi32, #tpu.memory_space<vmem>>, vector<1x16xi32>,
        %get3A_495 = arith.index_cast %add3A_450 : i32 to index
        %get3A_496 = arith.constant 32 : index
        %get3A_497 = tpu.vector_load %arg6[%get3A_495, %get3A_496] {strides = array<i32>} : memref<80x128xi32, #tpu.memory_space<vmem>>, vector<1x16xi32>,
        %get3A_498 = vector.shape_cast %get3A_497 : vector<1x16xi32> to vector<16xi32>
        %and3A_499 = arith.constant 16383 : i32
        %and3A_500 = vector.broadcast %and3A_499 : i32 to vector<16xi32>
        %and3A_501 = arith.andi %get3A_498, %and3A_500 : vector<16xi32>
        %swap3A_502 = arith.constant 1 : i32
        %swap3A_503 = arith.index_cast %swap3A_502 : i32 to index
        %swap3A_504 = arith.constant 32 : index
        %swap3A_505 = tpu.vector_load %arg7[%swap3A_503, %swap3A_504] {strides = array<i32>} : memref<2x128xi32, #tpu.memory_space<vmem>>, vector<1x16xi32>,
        %swap3A_506 = vector.shape_cast %swap3A_505 : vector<1x16xi32> to vector<16xi32>
        %swap3A_507 = vector.shape_cast %and3A_501 : vector<16xi32> to vector<1x16xi32>
        tpu.vector_store %arg7[%swap3A_503, %swap3A_504], %swap3A_507 {strides = array<i32>} : memref<2x128xi32, #tpu.memory_space<vmem>>, vector<1x16xi32>,
        %shift_right_logical3A_508 = arith.constant 14 : i32
        %shift_right_logical3A_509 = vector.broadcast %shift_right_logical3A_508 : i32 to vector<16xi32>
        %shift_right_logical3A_510 = arith.shrui %get3A_498, %shift_right_logical3A_509 : vector<16xi32>
        %swap3A_511 = arith.constant 1 : i32
        %swap3A_512 = arith.index_cast %swap3A_511 : i32 to index
        %swap3A_513 = arith.constant 32 : index
        %swap3A_514 = tpu.vector_load %arg8[%swap3A_512, %swap3A_513] {strides = array<i32>} : memref<2x128xi32, #tpu.memory_space<vmem>>, vector<1x16xi32>,
        %swap3A_515 = vector.shape_cast %swap3A_514 : vector<1x16xi32> to vector<16xi32>
        %swap3A_516 = vector.shape_cast %shift_right_logical3A_510 : vector<16xi32> to vector<1x16xi32>
        tpu.vector_store %arg8[%swap3A_512, %swap3A_513], %swap3A_516 {strides = array<i32>} : memref<2x128xi32, #tpu.memory_space<vmem>>, vector<1x16xi32>,
        %get3A_517 = arith.index_cast %add3A_450 : i32 to index
        %get3A_518 = arith.constant 48 : index
        %get3A_519 = tpu.vector_load %arg6[%get3A_517, %get3A_518] {strides = array<i32>} : memref<80x128xi32, #tpu.memory_space<vmem>>, vector<1x16xi32>,
        %get3A_520 = vector.shape_cast %get3A_519 : vector<1x16xi32> to vector<16xi32>
        %and3A_521 = arith.constant 16383 : i32
        %and3A_522 = vector.broadcast %and3A_521 : i32 to vector<16xi32>
        %and3A_523 = arith.andi %get3A_520, %and3A_522 : vector<16xi32>
        %swap3A_524 = arith.constant 1 : i32
        %swap3A_525 = arith.index_cast %swap3A_524 : i32 to index
        %swap3A_526 = arith.constant 48 : index
        %swap3A_527 = tpu.vector_load %arg7[%swap3A_525, %swap3A_526] {strides = array<i32>} : memref<2x128xi32, #tpu.memory_space<vmem>>, vector<1x16xi32>,
        %swap3A_528 = vector.shape_cast %swap3A_527 : vector<1x16xi32> to vector<16xi32>
        %swap3A_529 = vector.shape_cast %and3A_523 : vector<16xi32> to vector<1x16xi32>
        tpu.vector_store %arg7[%swap3A_525, %swap3A_526], %swap3A_529 {strides = array<i32>} : memref<2x128xi32, #tpu.memory_space<vmem>>, vector<1x16xi32>,
        %shift_right_logical3A_530 = arith.constant 14 : i32
        %shift_right_logical3A_531 = vector.broadcast %shift_right_logical3A_530 : i32 to vector<16xi32>
        %shift_right_logical3A_532 = arith.shrui %get3A_520, %shift_right_logical3A_531 : vector<16xi32>
        %swap3A_533 = arith.constant 1 : i32
        %swap3A_534 = arith.index_cast %swap3A_533 : i32 to index
        %swap3A_535 = arith.constant 48 : index
        %swap3A_536 = tpu.vector_load %arg8[%swap3A_534, %swap3A_535] {strides = array<i32>} : memref<2x128xi32, #tpu.memory_space<vmem>>, vector<1x16xi32>,
        %swap3A_537 = vector.shape_cast %swap3A_536 : vector<1x16xi32> to vector<16xi32>
        %swap3A_538 = vector.shape_cast %shift_right_logical3A_532 : vector<16xi32> to vector<1x16xi32>
        tpu.vector_store %arg8[%swap3A_534, %swap3A_535], %swap3A_538 {strides = array<i32>} : memref<2x128xi32, #tpu.memory_space<vmem>>, vector<1x16xi32>,
        %get3A_539 = arith.index_cast %add3A_450 : i32 to index
        %get3A_540 = arith.constant 64 : index
        %get3A_541 = tpu.vector_load %arg6[%get3A_539, %get3A_540] {strides = array<i32>} : memref<80x128xi32, #tpu.memory_space<vmem>>, vector<1x16xi32>,
        %get3A_542 = vector.shape_cast %get3A_541 : vector<1x16xi32> to vector<16xi32>
        %and3A_543 = arith.constant 16383 : i32
        %and3A_544 = vector.broadcast %and3A_543 : i32 to vector<16xi32>
        %and3A_545 = arith.andi %get3A_542, %and3A_544 : vector<16xi32>
        %swap3A_546 = arith.constant 1 : i32
        %swap3A_547 = arith.index_cast %swap3A_546 : i32 to index
        %swap3A_548 = arith.constant 64 : index
        %swap3A_549 = tpu.vector_load %arg7[%swap3A_547, %swap3A_548] {strides = array<i32>} : memref<2x128xi32, #tpu.memory_space<vmem>>, vector<1x16xi32>,
        %swap3A_550 = vector.shape_cast %swap3A_549 : vector<1x16xi32> to vector<16xi32>
        %swap3A_551 = vector.shape_cast %and3A_545 : vector<16xi32> to vector<1x16xi32>
        tpu.vector_store %arg7[%swap3A_547, %swap3A_548], %swap3A_551 {strides = array<i32>} : memref<2x128xi32, #tpu.memory_space<vmem>>, vector<1x16xi32>,
        %shift_right_logical3A_552 = arith.constant 14 : i32
        %shift_right_logical3A_553 = vector.broadcast %shift_right_logical3A_552 : i32 to vector<16xi32>
        %shift_right_logical3A_554 = arith.shrui %get3A_542, %shift_right_logical3A_553 : vector<16xi32>
        %swap3A_555 = arith.constant 1 : i32
        %swap3A_556 = arith.index_cast %swap3A_555 : i32 to index
        %swap3A_557 = arith.constant 64 : index
        %swap3A_558 = tpu.vector_load %arg8[%swap3A_556, %swap3A_557] {strides = array<i32>} : memref<2x128xi32, #tpu.memory_space<vmem>>, vector<1x16xi32>,
        %swap3A_559 = vector.shape_cast %swap3A_558 : vector<1x16xi32> to vector<16xi32>
        %swap3A_560 = vector.shape_cast %shift_right_logical3A_554 : vector<16xi32> to vector<1x16xi32>
        tpu.vector_store %arg8[%swap3A_556, %swap3A_557], %swap3A_560 {strides = array<i32>} : memref<2x128xi32, #tpu.memory_space<vmem>>, vector<1x16xi32>,
        %get3A_561 = arith.index_cast %add3A_450 : i32 to index
        %get3A_562 = arith.constant 80 : index
        %get3A_563 = tpu.vector_load %arg6[%get3A_561, %get3A_562] {strides = array<i32>} : memref<80x128xi32, #tpu.memory_space<vmem>>, vector<1x16xi32>,
        %get3A_564 = vector.shape_cast %get3A_563 : vector<1x16xi32> to vector<16xi32>
        %and3A_565 = arith.constant 16383 : i32
        %and3A_566 = vector.broadcast %and3A_565 : i32 to vector<16xi32>
        %and3A_567 = arith.andi %get3A_564, %and3A_566 : vector<16xi32>
        %swap3A_568 = arith.constant 1 : i32
        %swap3A_569 = arith.index_cast %swap3A_568 : i32 to index
        %swap3A_570 = arith.constant 80 : index
        %swap3A_571 = tpu.vector_load %arg7[%swap3A_569, %swap3A_570] {strides = array<i32>} : memref<2x128xi32, #tpu.memory_space<vmem>>, vector<1x16xi32>,
        %swap3A_572 = vector.shape_cast %swap3A_571 : vector<1x16xi32> to vector<16xi32>
        %swap3A_573 = vector.shape_cast %and3A_567 : vector<16xi32> to vector<1x16xi32>
        tpu.vector_store %arg7[%swap3A_569, %swap3A_570], %swap3A_573 {strides = array<i32>} : memref<2x128xi32, #tpu.memory_space<vmem>>, vector<1x16xi32>,
        %shift_right_logical3A_574 = arith.constant 14 : i32
        %shift_right_logical3A_575 = vector.broadcast %shift_right_logical3A_574 : i32 to vector<16xi32>
        %shift_right_logical3A_576 = arith.shrui %get3A_564, %shift_right_logical3A_575 : vector<16xi32>
        %swap3A_577 = arith.constant 1 : i32
        %swap3A_578 = arith.index_cast %swap3A_577 : i32 to index
        %swap3A_579 = arith.constant 80 : index
        %swap3A_580 = tpu.vector_load %arg8[%swap3A_578, %swap3A_579] {strides = array<i32>} : memref<2x128xi32, #tpu.memory_space<vmem>>, vector<1x16xi32>,
        %swap3A_581 = vector.shape_cast %swap3A_580 : vector<1x16xi32> to vector<16xi32>
        %swap3A_582 = vector.shape_cast %shift_right_logical3A_576 : vector<16xi32> to vector<1x16xi32>
        tpu.vector_store %arg8[%swap3A_578, %swap3A_579], %swap3A_582 {strides = array<i32>} : memref<2x128xi32, #tpu.memory_space<vmem>>, vector<1x16xi32>,
        %get3A_583 = arith.index_cast %add3A_450 : i32 to index
        %get3A_584 = arith.constant 96 : index
        %get3A_585 = tpu.vector_load %arg6[%get3A_583, %get3A_584] {strides = array<i32>} : memref<80x128xi32, #tpu.memory_space<vmem>>, vector<1x16xi32>,
        %get3A_586 = vector.shape_cast %get3A_585 : vector<1x16xi32> to vector<16xi32>
        %and3A_587 = arith.constant 16383 : i32
        %and3A_588 = vector.broadcast %and3A_587 : i32 to vector<16xi32>
        %and3A_589 = arith.andi %get3A_586, %and3A_588 : vector<16xi32>
        %swap3A_590 = arith.constant 1 : i32
        %swap3A_591 = arith.index_cast %swap3A_590 : i32 to index
        %swap3A_592 = arith.constant 96 : index
        %swap3A_593 = tpu.vector_load %arg7[%swap3A_591, %swap3A_592] {strides = array<i32>} : memref<2x128xi32, #tpu.memory_space<vmem>>, vector<1x16xi32>,
        %swap3A_594 = vector.shape_cast %swap3A_593 : vector<1x16xi32> to vector<16xi32>
        %swap3A_595 = vector.shape_cast %and3A_589 : vector<16xi32> to vector<1x16xi32>
        tpu.vector_store %arg7[%swap3A_591, %swap3A_592], %swap3A_595 {strides = array<i32>} : memref<2x128xi32, #tpu.memory_space<vmem>>, vector<1x16xi32>,
        %shift_right_logical3A_596 = arith.constant 14 : i32
        %shift_right_logical3A_597 = vector.broadcast %shift_right_logical3A_596 : i32 to vector<16xi32>
        %shift_right_logical3A_598 = arith.shrui %get3A_586, %shift_right_logical3A_597 : vector<16xi32>
        %swap3A_599 = arith.constant 1 : i32
        %swap3A_600 = arith.index_cast %swap3A_599 : i32 to index
        %swap3A_601 = arith.constant 96 : index
        %swap3A_602 = tpu.vector_load %arg8[%swap3A_600, %swap3A_601] {strides = array<i32>} : memref<2x128xi32, #tpu.memory_space<vmem>>, vector<1x16xi32>,
        %swap3A_603 = vector.shape_cast %swap3A_602 : vector<1x16xi32> to vector<16xi32>
        %swap3A_604 = vector.shape_cast %shift_right_logical3A_598 : vector<16xi32> to vector<1x16xi32>
        tpu.vector_store %arg8[%swap3A_600, %swap3A_601], %swap3A_604 {strides = array<i32>} : memref<2x128xi32, #tpu.memory_space<vmem>>, vector<1x16xi32>,
        %get3A_605 = arith.index_cast %add3A_450 : i32 to index
        %get3A_606 = arith.constant 112 : index
        %get3A_607 = tpu.vector_load %arg6[%get3A_605, %get3A_606] {strides = array<i32>} : memref<80x128xi32, #tpu.memory_space<vmem>>, vector<1x16xi32>,
        %get3A_608 = vector.shape_cast %get3A_607 : vector<1x16xi32> to vector<16xi32>
        %and3A_609 = arith.constant 16383 : i32
        %and3A_610 = vector.broadcast %and3A_609 : i32 to vector<16xi32>
        %and3A_611 = arith.andi %get3A_608, %and3A_610 : vector<16xi32>
        %swap3A_612 = arith.constant 1 : i32
        %swap3A_613 = arith.index_cast %swap3A_612 : i32 to index
        %swap3A_614 = arith.constant 112 : index
        %swap3A_615 = tpu.vector_load %arg7[%swap3A_613, %swap3A_614] {strides = array<i32>} : memref<2x128xi32, #tpu.memory_space<vmem>>, vector<1x16xi32>,
        %swap3A_616 = vector.shape_cast %swap3A_615 : vector<1x16xi32> to vector<16xi32>
        %swap3A_617 = vector.shape_cast %and3A_611 : vector<16xi32> to vector<1x16xi32>
        tpu.vector_store %arg7[%swap3A_613, %swap3A_614], %swap3A_617 {strides = array<i32>} : memref<2x128xi32, #tpu.memory_space<vmem>>, vector<1x16xi32>,
        %shift_right_logical3A_618 = arith.constant 14 : i32
        %shift_right_logical3A_619 = vector.broadcast %shift_right_logical3A_618 : i32 to vector<16xi32>
        %shift_right_logical3A_620 = arith.shrui %get3A_608, %shift_right_logical3A_619 : vector<16xi32>
        %swap3A_621 = arith.constant 1 : i32
        %swap3A_622 = arith.index_cast %swap3A_621 : i32 to index
        %swap3A_623 = arith.constant 112 : index
        %swap3A_624 = tpu.vector_load %arg8[%swap3A_622, %swap3A_623] {strides = array<i32>} : memref<2x128xi32, #tpu.memory_space<vmem>>, vector<1x16xi32>,
        %swap3A_625 = vector.shape_cast %swap3A_624 : vector<1x16xi32> to vector<16xi32>
        %swap3A_626 = vector.shape_cast %shift_right_logical3A_620 : vector<16xi32> to vector<1x16xi32>
        tpu.vector_store %arg8[%swap3A_622, %swap3A_623], %swap3A_626 {strides = array<i32>} : memref<2x128xi32, #tpu.memory_space<vmem>>, vector<1x16xi32>,
        %dma_start3A_627 = arith.constant 1 : i32
        %dma_start3A_628 = arith.constant 0 : i32
        %dma_start3A_629 = tpu.memref_slice %arg7[%dma_start3A_627, %dma_start3A_628] : memref<2x128xi32, #tpu.memory_space<vmem>> -> memref<1x128xi32, #tpu.memory_space<vmem>>
        %dma_start3A_630 = tpu.memref_squeeze %dma_start3A_629 : memref<1x128xi32, #tpu.memory_space<vmem>> -> memref<128xi32, #tpu.memory_space<vmem>>
        %dma_start3A_631 = arith.constant 0 : i32
        %dma_start3A_632 = arith.constant 0 : i32
        %dma_start3A_633 = tpu.memref_slice %arg2[%dma_start3A_631, %dma_start3A_632] : memref<10000x128xf32, #tpu.memory_space<hbm>> -> memref<10000x128xf32, #tpu.memory_space<hbm>>
        tpu.enqueue_indirect_dma source(%dma_start3A_633 : memref<10000x128xf32, #tpu.memory_space<hbm>>) target(%arg10 : memref<128x128xf32, #tpu.memory_space<vmem>>) offsets(%dma_start3A_630 : memref<128xi32, #tpu.memory_space<vmem>>) semaphore(%arg13 : memref<!tpu.dma_semaphore, #tpu.memory_space<semaphore_mem>>)
      } else {
      }
    }
    %scan3A_384 = arith.constant 40 : i32
    %barrier3A_385 = arith.constant 0 : index
    tpu.barrier barrier_id(%barrier3A_385)
    %mul3A_386 = arith.constant 640 : i32
    %mul3A_387 = arith.muli %arg1, %mul3A_386 : i32
    %mul3A_388 = arith.constant 640 : i32
    %mul3A_389 = arith.muli %arg1, %mul3A_388 : i32
    "tpu.region"() ({
      %run_scoped3A = tpu.sem_alloc : memref<!tpu.dma_semaphore, #tpu.memory_space<semaphore_mem>>
      %dma_start3A_390 = arith.constant 0 : i32
      %dma_start3A_391 = tpu.memref_slice %arg5[%arg0, %mul3A_389, %dma_start3A_390] : memref<2x10240x128xf32, #tpu.memory_space<hbm>> -> memref<1x640x128xf32, #tpu.memory_space<hbm>>
      %dma_start3A_392 = tpu.memref_squeeze %dma_start3A_391 : memref<1x640x128xf32, #tpu.memory_space<hbm>> -> memref<640x128xf32, #tpu.memory_space<hbm>>
      %dma_start3A_393 = arith.constant 0 : i32
      %dma_start3A_394 = tpu.memref_slice %arg11[%mul3A_387, %dma_start3A_393] : memref<10240x128xf32, #tpu.memory_space<vmem_shared>> -> memref<640x128xf32, #tpu.memory_space<vmem_shared>>
      tpu.enqueue_dma source(%dma_start3A_394 : memref<640x128xf32, #tpu.memory_space<vmem_shared>>) target(%dma_start3A_392 : memref<640x128xf32, #tpu.memory_space<hbm>>) target_semaphore(%run_scoped3A : memref<!tpu.dma_semaphore, #tpu.memory_space<semaphore_mem>>)
      %dma_wait3A = arith.constant 0 : i32
      %dma_wait3A_395 = tpu.memref_slice %arg5[%arg0, %mul3A_389, %dma_wait3A] : memref<2x10240x128xf32, #tpu.memory_space<hbm>> -> memref<1x640x128xf32, #tpu.memory_space<hbm>>
      %dma_wait3A_396 = tpu.memref_squeeze %dma_wait3A_395 : memref<1x640x128xf32, #tpu.memory_space<hbm>> -> memref<640x128xf32, #tpu.memory_space<hbm>>
      %dma_wait3A_397 = arith.constant 0 : i32
      %dma_wait3A_398 = tpu.memref_slice %arg11[%mul3A_387, %dma_wait3A_397] : memref<10240x128xf32, #tpu.memory_space<vmem_shared>> -> memref<640x128xf32, #tpu.memory_space<vmem_shared>>
      tpu.wait_dma2 semaphore(%run_scoped3A : memref<!tpu.dma_semaphore, #tpu.memory_space<semaphore_mem>>) src(%dma_wait3A_398 : memref<640x128xf32, #tpu.memory_space<vmem_shared>>) dst(%dma_wait3A_396 : memref<640x128xf32, #tpu.memory_space<hbm>>)
      tpu.yield
    }) : () -> ()
    return
  }
}

module attributes {stable_mosaic.version = 14 : i64} {
  func.func @_tc2_body(%arg0: i32, %arg1: memref<2000x128xf32, #tpu.memory_space<vmem>>, %arg2: memref<2000x128xf32, #tpu.memory_space<vmem>>, %arg3: memref<2000x128xf32, #tpu.memory_space<vmem>>, %arg4: memref<1x1x2000xi32, #tpu.memory_space<vmem>>, %arg5: memref<128x128xf32, #tpu.memory_space<vmem>>, %arg6: memref<1x128xf32, #tpu.memory_space<vmem>>, %arg7: memref<128x128xf32, #tpu.memory_space<vmem>>, %arg8: memref<1x128xf32, #tpu.memory_space<vmem>>, %arg9: memref<1x128xf32, #tpu.memory_space<vmem>>, %arg10: memref<1x128xf32, #tpu.memory_space<vmem>>, %arg11: memref<64x128xf32, #tpu.memory_space<vmem>>, %arg12: memref<64x128xf32, #tpu.memory_space<vmem>>, %arg13: memref<1x128xf32, #tpu.memory_space<vmem>>, %arg14: memref<1x128xf32, #tpu.memory_space<vmem>>, %arg15: memref<1x128xf32, #tpu.memory_space<vmem>>, %arg16: memref<1x128xf32, #tpu.memory_space<vmem>>, %arg17: memref<64x128xf32, #tpu.memory_space<vmem>>, %arg18: memref<64x128xf32, #tpu.memory_space<vmem>>, %arg19: memref<64x128xf32, #tpu.memory_space<vmem>>) attributes {dimension_semantics = [#tpu.dimension_semantics<arbitrary>], iteration_bounds = array<i64: 5>, scalar_prefetch = 0 : i64, scratch_operands = 2 : i64, tpu.core_type = #tpu.core_type<tc>, window_params = [{transform_indices = @transform_0, window_bounds = array<i64: 2000, 128>}, {transform_indices = @transform_1, window_bounds = array<i64: 2000, 128>}, {transform_indices = @transform_2, window_bounds = array<i64: 2000, 128>}, {transform_indices = @transform_3, window_bounds = array<i64: 1, 1, 2000>}, {pipeline_mode = #tpu.pipeline_mode<synchronous>, transform_indices = @transform_4, window_bounds = array<i64: 128, 128>}, {pipeline_mode = #tpu.pipeline_mode<synchronous>, transform_indices = @transform_5, window_bounds = array<i64: 1, 128>}, {pipeline_mode = #tpu.pipeline_mode<synchronous>, transform_indices = @transform_6, window_bounds = array<i64: 128, 128>}, {pipeline_mode = #tpu.pipeline_mode<synchronous>, transform_indices = @transform_7, window_bounds = array<i64: 1, 128>}, {pipeline_mode = #tpu.pipeline_mode<synchronous>, transform_indices = @transform_8, window_bounds = array<i64: 1, 128>}, {pipeline_mode = #tpu.pipeline_mode<synchronous>, transform_indices = @transform_9, window_bounds = array<i64: 1, 128>}, {pipeline_mode = #tpu.pipeline_mode<synchronous>, transform_indices = @transform_10, window_bounds = array<i64: 64, 128>}, {pipeline_mode = #tpu.pipeline_mode<synchronous>, transform_indices = @transform_11, window_bounds = array<i64: 64, 128>}, {pipeline_mode = #tpu.pipeline_mode<synchronous>, transform_indices = @transform_12, window_bounds = array<i64: 1, 128>}, {pipeline_mode = #tpu.pipeline_mode<synchronous>, transform_indices = @transform_13, window_bounds = array<i64: 1, 128>}, {pipeline_mode = #tpu.pipeline_mode<synchronous>, transform_indices = @transform_14, window_bounds = array<i64: 1, 128>}, {pipeline_mode = #tpu.pipeline_mode<synchronous>, transform_indices = @transform_15, window_bounds = array<i64: 1, 128>}, {pipeline_mode = #tpu.pipeline_mode<synchronous>, transform_indices = @transform_16, window_bounds = array<i64: 64, 128>}]} {
    %get3A = arith.constant 0 : index
    %get3A_0 = arith.constant 0 : index
    %get3A_1 = vector.load %arg1[%get3A, %get3A_0] : memref<2000x128xf32, #tpu.memory_space<vmem>>, vector<2000x128xf32>
    %get3A_2 = arith.constant 0 : index
    %get3A_3 = arith.constant 0 : index
    %get3A_4 = vector.load %arg2[%get3A_2, %get3A_3] : memref<2000x128xf32, #tpu.memory_space<vmem>>, vector<2000x128xf32>
    %add3A = arith.addf %get3A_1, %get3A_4 : vector<2000x128xf32>
    %get3A_5 = arith.constant 0 : index
    %get3A_6 = arith.constant 0 : index
    %get3A_7 = vector.load %arg3[%get3A_5, %get3A_6] : memref<2000x128xf32, #tpu.memory_space<vmem>>, vector<2000x128xf32>
    %add3A_8 = arith.addf %add3A, %get3A_7 : vector<2000x128xf32>
    %get3A_9 = arith.constant 0 : index
    %get3A_10 = arith.constant 0 : index
    %get3A_11 = vector.load %arg5[%get3A_9, %get3A_10] : memref<128x128xf32, #tpu.memory_space<vmem>>, vector<128x128xf32>
    %dot_general3A = arith.constant dense<0.000000e+00> : vector<2000x128xf32>
    %dot_general3A_12 = tpu.matmul %add3A_8, %get3A_11, %dot_general3A {dimension_numbers = #tpu.dot_dimension_numbers<[1], [0], [0], [1], [0, 0, 1, 1], [], []>, transpose_lhs_hint = false} : vector<2000x128xf32>, vector<128x128xf32>, vector<2000x128xf32> -> vector<2000x128xf32>
    %get3A_13 = arith.constant 0 : index
    %get3A_14 = arith.constant 0 : index
    %get3A_15 = vector.load %arg6[%get3A_13, %get3A_14] : memref<1x128xf32, #tpu.memory_space<vmem>>, vector<1x128xf32>
    %add3A_16 = vector.broadcast %get3A_15 : vector<1x128xf32> to vector<2000x128xf32>
    %add3A_17 = arith.addf %dot_general3A_12, %add3A_16 : vector<2000x128xf32>
    %max3A = arith.constant 0.000000e+00 : f32
    %max3A_18 = vector.broadcast %max3A : f32 to vector<2000x128xf32>
    %max3A_19 = arith.maximumf %add3A_17, %max3A_18 : vector<2000x128xf32>
    %get3A_20 = arith.constant 0 : index
    %get3A_21 = arith.constant 0 : index
    %get3A_22 = vector.load %arg7[%get3A_20, %get3A_21] : memref<128x128xf32, #tpu.memory_space<vmem>>, vector<128x128xf32>
    %dot_general3A_23 = arith.constant dense<0.000000e+00> : vector<2000x128xf32>
    %dot_general3A_24 = tpu.matmul %max3A_19, %get3A_22, %dot_general3A_23 {dimension_numbers = #tpu.dot_dimension_numbers<[1], [0], [0], [1], [0, 0, 1, 1], [], []>, transpose_lhs_hint = false} : vector<2000x128xf32>, vector<128x128xf32>, vector<2000x128xf32> -> vector<2000x128xf32>
    %get3A_25 = arith.constant 0 : index
    %get3A_26 = arith.constant 0 : index
    %get3A_27 = vector.load %arg8[%get3A_25, %get3A_26] : memref<1x128xf32, #tpu.memory_space<vmem>>, vector<1x128xf32>
    %add3A_28 = vector.broadcast %get3A_27 : vector<1x128xf32> to vector<2000x128xf32>
    %add3A_29 = arith.addf %dot_general3A_24, %add3A_28 : vector<2000x128xf32>
    %max3A_30 = arith.constant 0.000000e+00 : f32
    %max3A_31 = vector.broadcast %max3A_30 : f32 to vector<2000x128xf32>
    %max3A_32 = arith.maximumf %add3A_29, %max3A_31 : vector<2000x128xf32>
    %get3A_33 = arith.constant 0 : index
    %get3A_34 = arith.constant 0 : index
    %get3A_35 = vector.load %arg9[%get3A_33, %get3A_34] : memref<1x128xf32, #tpu.memory_space<vmem>>, vector<1x128xf32>
    %mul3A = vector.broadcast %get3A_35 : vector<1x128xf32> to vector<2000x128xf32>
    %mul3A_36 = arith.mulf %max3A_32, %mul3A : vector<2000x128xf32>
    %get3A_37 = arith.constant 0 : index
    %get3A_38 = arith.constant 0 : index
    %get3A_39 = vector.load %arg10[%get3A_37, %get3A_38] : memref<1x128xf32, #tpu.memory_space<vmem>>, vector<1x128xf32>
    %add3A_40 = vector.broadcast %get3A_39 : vector<1x128xf32> to vector<2000x128xf32>
    %add3A_41 = arith.addf %mul3A_36, %add3A_40 : vector<2000x128xf32>
    %get3A_42 = arith.constant 0 : index
    %get3A_43 = arith.constant 0 : index
    %get3A_44 = arith.constant 0 : index
    %get3A_45 = vector.load %arg4[%get3A_42, %get3A_43, %get3A_44] : memref<1x1x2000xi32, #tpu.memory_space<vmem>>, vector<1x1x2000xi32>
    %get3A_46 = vector.shape_cast %get3A_45 : vector<1x1x2000xi32> to vector<2000xi32>
    %iota3A = tpu.iota {dimensions = array<i32: 0>} : vector<64x2000xi32>
    %broadcast_in_dim3A = vector.shape_cast %get3A_46 : vector<2000xi32> to vector<1x2000xi32>
    %eq3A = vector.broadcast %broadcast_in_dim3A : vector<1x2000xi32> to vector<64x2000xi32>
    %eq3A_47 = arith.cmpi eq, %eq3A, %iota3A : vector<64x2000xi32>
    %jit3A = arith.constant 1.000000e+00 : f32
    %jit3A_48 = arith.constant 0.000000e+00 : f32
    %broadcast_in_dim3A_49 = vector.broadcast %jit3A : f32 to vector<64x2000xf32>
    %broadcast_in_dim3A_50 = vector.broadcast %jit3A_48 : f32 to vector<64x2000xf32>
    %select_n3A = arith.select %eq3A_47, %broadcast_in_dim3A_49, %broadcast_in_dim3A_50 : vector<64x2000xi1>, vector<64x2000xf32>
    %eq3A_51 = arith.constant 0 : i32
    %eq3A_52 = arith.cmpi eq, %arg0, %eq3A_51 : i32
    %convert_element_type3A = arith.extui %eq3A_52 : i1 to i32
    %cond3A = arith.constant 0 : i32
    %cond3A_53 = arith.cmpi ne, %convert_element_type3A, %cond3A : i32
    scf.if %cond3A_53 {
      %broadcast_in_dim3A_78 = arith.constant 0.000000e+00 : f32
      %broadcast_in_dim3A_79 = vector.broadcast %broadcast_in_dim3A_78 : f32 to vector<64x128xf32>
      %swap3A_80 = arith.constant 0 : index
      %swap3A_81 = arith.constant 0 : index
      %swap3A_82 = vector.load %arg18[%swap3A_80, %swap3A_81] : memref<64x128xf32, #tpu.memory_space<vmem>>, vector<64x128xf32>
      tpu.vector_store %arg18[%swap3A_80, %swap3A_81], %broadcast_in_dim3A_79 {strides = array<i32>} : memref<64x128xf32, #tpu.memory_space<vmem>>, vector<64x128xf32>,
      %broadcast_in_dim3A_83 = arith.constant 0.000000e+00 : f32
      %broadcast_in_dim3A_84 = vector.broadcast %broadcast_in_dim3A_83 : f32 to vector<64x128xf32>
      %swap3A_85 = arith.constant 0 : index
      %swap3A_86 = arith.constant 0 : index
      %swap3A_87 = vector.load %arg19[%swap3A_85, %swap3A_86] : memref<64x128xf32, #tpu.memory_space<vmem>>, vector<64x128xf32>
      tpu.vector_store %arg19[%swap3A_85, %swap3A_86], %broadcast_in_dim3A_84 {strides = array<i32>} : memref<64x128xf32, #tpu.memory_space<vmem>>, vector<64x128xf32>,
    } else {
    }
    %get3A_54 = arith.constant 0 : index
    %get3A_55 = arith.constant 0 : index
    %get3A_56 = vector.load %arg18[%get3A_54, %get3A_55] : memref<64x128xf32, #tpu.memory_space<vmem>>, vector<64x128xf32>
    %dot_general3A_57 = arith.constant dense<0.000000e+00> : vector<64x128xf32>
    %dot_general3A_58 = tpu.matmul %select_n3A, %add3A_41, %dot_general3A_57 {dimension_numbers = #tpu.dot_dimension_numbers<[1], [0], [0], [1], [0, 0, 1, 1], [], []>, transpose_lhs_hint = false} : vector<64x2000xf32>, vector<2000x128xf32>, vector<64x128xf32> -> vector<64x128xf32>
    %add3A_59 = arith.addf %get3A_56, %dot_general3A_58 : vector<64x128xf32>
    %swap3A = arith.constant 0 : index
    %swap3A_60 = arith.constant 0 : index
    %swap3A_61 = vector.load %arg18[%swap3A, %swap3A_60] : memref<64x128xf32, #tpu.memory_space<vmem>>, vector<64x128xf32>
    tpu.vector_store %arg18[%swap3A, %swap3A_60], %add3A_59 {strides = array<i32>} : memref<64x128xf32, #tpu.memory_space<vmem>>, vector<64x128xf32>,
    %get3A_62 = arith.constant 0 : index
    %get3A_63 = arith.constant 0 : index
    %get3A_64 = vector.load %arg19[%get3A_62, %get3A_63] : memref<64x128xf32, #tpu.memory_space<vmem>>, vector<64x128xf32>
    %reduce_sum3A = arith.constant dense<0.000000e+00> : vector<64xf32>
    %reduce_sum3A_65 = vector.multi_reduction <add>, %select_n3A, %reduce_sum3A [1] : vector<64x2000xf32> to vector<64xf32>
    %broadcast_in_dim3A_66 = vector.shape_cast %reduce_sum3A_65 : vector<64xf32> to vector<64x1xf32>
    %broadcast_in_dim3A_67 = vector.shape_cast %broadcast_in_dim3A_66 : vector<64x1xf32> to vector<64x1xf32>
    %broadcast_in_dim3A_68 = vector.broadcast %broadcast_in_dim3A_67 : vector<64x1xf32> to vector<64x128xf32>
    %add3A_69 = arith.addf %get3A_64, %broadcast_in_dim3A_68 : vector<64x128xf32>
    %swap3A_70 = arith.constant 0 : index
    %swap3A_71 = arith.constant 0 : index
    %swap3A_72 = vector.load %arg19[%swap3A_70, %swap3A_71] : memref<64x128xf32, #tpu.memory_space<vmem>>, vector<64x128xf32>
    tpu.vector_store %arg19[%swap3A_70, %swap3A_71], %add3A_69 {strides = array<i32>} : memref<64x128xf32, #tpu.memory_space<vmem>>, vector<64x128xf32>,
    %eq3A_73 = arith.constant 4 : i32
    %eq3A_74 = arith.cmpi eq, %arg0, %eq3A_73 : i32
    %convert_element_type3A_75 = arith.extui %eq3A_74 : i1 to i32
    %cond3A_76 = arith.constant 0 : i32
    %cond3A_77 = arith.cmpi ne, %convert_element_type3A_75, %cond3A_76 : i32
    scf.if %cond3A_77 {
      %get3A_78 = arith.constant 0 : index
      %get3A_79 = arith.constant 0 : index
      %get3A_80 = vector.load %arg19[%get3A_78, %get3A_79] : memref<64x128xf32, #tpu.memory_space<vmem>>, vector<64x128xf32>
      %max3A_81 = arith.constant 1.000000e+00 : f32
      %max3A_82 = vector.broadcast %max3A_81 : f32 to vector<64x128xf32>
      %max3A_83 = arith.maximumf %get3A_80, %max3A_82 : vector<64x128xf32>
      %get3A_84 = arith.constant 0 : index
      %get3A_85 = arith.constant 0 : index
      %get3A_86 = vector.load %arg11[%get3A_84, %get3A_85] : memref<64x128xf32, #tpu.memory_space<vmem>>, vector<64x128xf32>
      %div3A = arith.divf %get3A_86, %max3A_83 : vector<64x128xf32>
      %get3A_87 = arith.constant 0 : index
      %get3A_88 = arith.constant 0 : index
      %get3A_89 = vector.load %arg13[%get3A_87, %get3A_88] : memref<1x128xf32, #tpu.memory_space<vmem>>, vector<1x128xf32>
      %mul3A_90 = vector.broadcast %get3A_89 : vector<1x128xf32> to vector<64x128xf32>
      %mul3A_91 = arith.mulf %div3A, %mul3A_90 : vector<64x128xf32>
      %get3A_92 = arith.constant 0 : index
      %get3A_93 = arith.constant 0 : index
      %get3A_94 = vector.load %arg12[%get3A_92, %get3A_93] : memref<64x128xf32, #tpu.memory_space<vmem>>, vector<64x128xf32>
      %div3A_95 = arith.divf %get3A_94, %max3A_83 : vector<64x128xf32>
      %get3A_96 = arith.constant 0 : index
      %get3A_97 = arith.constant 0 : index
      %get3A_98 = vector.load %arg14[%get3A_96, %get3A_97] : memref<1x128xf32, #tpu.memory_space<vmem>>, vector<1x128xf32>
      %mul3A_99 = vector.broadcast %get3A_98 : vector<1x128xf32> to vector<64x128xf32>
      %mul3A_100 = arith.mulf %div3A_95, %mul3A_99 : vector<64x128xf32>
      %add3A_101 = arith.addf %mul3A_91, %mul3A_100 : vector<64x128xf32>
      %get3A_102 = arith.constant 0 : index
      %get3A_103 = arith.constant 0 : index
      %get3A_104 = vector.load %arg18[%get3A_102, %get3A_103] : memref<64x128xf32, #tpu.memory_space<vmem>>, vector<64x128xf32>
      %div3A_105 = arith.divf %get3A_104, %max3A_83 : vector<64x128xf32>
      %get3A_106 = arith.constant 0 : index
      %get3A_107 = arith.constant 0 : index
      %get3A_108 = vector.load %arg15[%get3A_106, %get3A_107] : memref<1x128xf32, #tpu.memory_space<vmem>>, vector<1x128xf32>
      %mul3A_109 = vector.broadcast %get3A_108 : vector<1x128xf32> to vector<64x128xf32>
      %mul3A_110 = arith.mulf %div3A_105, %mul3A_109 : vector<64x128xf32>
      %add3A_111 = arith.addf %add3A_101, %mul3A_110 : vector<64x128xf32>
      %reduce_sum3A_112 = arith.constant dense<0.000000e+00> : vector<64xf32>
      %reduce_sum3A_113 = vector.multi_reduction <add>, %add3A_111, %reduce_sum3A_112 [1] : vector<64x128xf32> to vector<64xf32>
      %broadcast_in_dim3A_114 = vector.shape_cast %reduce_sum3A_113 : vector<64xf32> to vector<64x1xf32>
      %get3A_115 = arith.constant 0 : index
      %get3A_116 = arith.constant 0 : index
      %get3A_117 = vector.load %arg16[%get3A_115, %get3A_116] : memref<1x128xf32, #tpu.memory_space<vmem>>, vector<1x1xf32>
      %get3A_118 = vector.extract %get3A_117[0, 0] : f32 from vector<1x1xf32>
      %add3A_119 = vector.broadcast %get3A_118 : f32 to vector<64x1xf32>
      %add3A_120 = arith.addf %broadcast_in_dim3A_114, %add3A_119 : vector<64x1xf32>
      %broadcast_in_dim3A_121 = vector.shape_cast %add3A_120 : vector<64x1xf32> to vector<64x1xf32>
      %broadcast_in_dim3A_122 = vector.broadcast %broadcast_in_dim3A_121 : vector<64x1xf32> to vector<64x128xf32>
      %swap3A_123 = arith.constant 0 : index
      %swap3A_124 = arith.constant 0 : index
      %swap3A_125 = vector.load %arg17[%swap3A_123, %swap3A_124] : memref<64x128xf32, #tpu.memory_space<vmem>>, vector<64x128xf32>
      tpu.vector_store %arg17[%swap3A_123, %swap3A_124], %broadcast_in_dim3A_122 {strides = array<i32>} : memref<64x128xf32, #tpu.memory_space<vmem>>, vector<64x128xf32>,
    } else {
    }
    return
  }
  func.func @transform_0(%arg0: i32) -> (i32, i32) {
    %c0_i32 = arith.constant 0 : i32
    %c0_i32_0 = arith.constant 0 : i32
    return %arg0, %c0_i32 : i32, i32
  }
  func.func @transform_1(%arg0: i32) -> (i32, i32) {
    %c0_i32 = arith.constant 0 : i32
    %c0_i32_0 = arith.constant 0 : i32
    return %arg0, %c0_i32 : i32, i32
  }
  func.func @transform_2(%arg0: i32) -> (i32, i32) {
    %c0_i32 = arith.constant 0 : i32
    %c0_i32_0 = arith.constant 0 : i32
    return %arg0, %c0_i32 : i32, i32
  }
  func.func @transform_3(%arg0: i32) -> (i32, i32, i32) {
    %c0_i32 = arith.constant 0 : i32
    %c0_i32_0 = arith.constant 0 : i32
    %c0_i32_1 = arith.constant 0 : i32
    return %arg0, %c0_i32, %c0_i32_0 : i32, i32, i32
  }
  func.func @transform_4(%arg0: i32) -> (i32, i32) {
    %c0_i32 = arith.constant 0 : i32
    %c0_i32_0 = arith.constant 0 : i32
    %c0_i32_1 = arith.constant 0 : i32
    return %c0_i32, %c0_i32_0 : i32, i32
  }
  func.func @transform_5(%arg0: i32) -> (i32, i32) {
    %c0_i32 = arith.constant 0 : i32
    %c0_i32_0 = arith.constant 0 : i32
    %c0_i32_1 = arith.constant 0 : i32
    return %c0_i32, %c0_i32_0 : i32, i32
  }
  func.func @transform_6(%arg0: i32) -> (i32, i32) {
    %c0_i32 = arith.constant 0 : i32
    %c0_i32_0 = arith.constant 0 : i32
    %c0_i32_1 = arith.constant 0 : i32
    return %c0_i32, %c0_i32_0 : i32, i32
  }
  func.func @transform_7(%arg0: i32) -> (i32, i32) {
    %c0_i32 = arith.constant 0 : i32
    %c0_i32_0 = arith.constant 0 : i32
    %c0_i32_1 = arith.constant 0 : i32
    return %c0_i32, %c0_i32_0 : i32, i32
  }
  func.func @transform_8(%arg0: i32) -> (i32, i32) {
    %c0_i32 = arith.constant 0 : i32
    %c0_i32_0 = arith.constant 0 : i32
    %c0_i32_1 = arith.constant 0 : i32
    return %c0_i32, %c0_i32_0 : i32, i32
  }
  func.func @transform_9(%arg0: i32) -> (i32, i32) {
    %c0_i32 = arith.constant 0 : i32
    %c0_i32_0 = arith.constant 0 : i32
    %c0_i32_1 = arith.constant 0 : i32
    return %c0_i32, %c0_i32_0 : i32, i32
  }
  func.func @transform_10(%arg0: i32) -> (i32, i32) {
    %c0_i32 = arith.constant 0 : i32
    %c0_i32_0 = arith.constant 0 : i32
    %c0_i32_1 = arith.constant 0 : i32
    return %c0_i32, %c0_i32_0 : i32, i32
  }
  func.func @transform_11(%arg0: i32) -> (i32, i32) {
    %c0_i32 = arith.constant 0 : i32
    %c0_i32_0 = arith.constant 0 : i32
    %c0_i32_1 = arith.constant 0 : i32
    return %c0_i32, %c0_i32_0 : i32, i32
  }
  func.func @transform_12(%arg0: i32) -> (i32, i32) {
    %c0_i32 = arith.constant 0 : i32
    %c0_i32_0 = arith.constant 0 : i32
    %c0_i32_1 = arith.constant 0 : i32
    return %c0_i32, %c0_i32_0 : i32, i32
  }
  func.func @transform_13(%arg0: i32) -> (i32, i32) {
    %c0_i32 = arith.constant 0 : i32
    %c0_i32_0 = arith.constant 0 : i32
    %c0_i32_1 = arith.constant 0 : i32
    return %c0_i32, %c0_i32_0 : i32, i32
  }
  func.func @transform_14(%arg0: i32) -> (i32, i32) {
    %c0_i32 = arith.constant 0 : i32
    %c0_i32_0 = arith.constant 0 : i32
    %c0_i32_1 = arith.constant 0 : i32
    return %c0_i32, %c0_i32_0 : i32, i32
  }
  func.func @transform_15(%arg0: i32) -> (i32, i32) {
    %c0_i32 = arith.constant 0 : i32
    %c0_i32_0 = arith.constant 0 : i32
    %c0_i32_1 = arith.constant 0 : i32
    return %c0_i32, %c0_i32_0 : i32, i32
  }
  func.func @transform_16(%arg0: i32) -> (i32, i32) {
    %c0_i32 = arith.constant 0 : i32
    %c0_i32_0 = arith.constant 0 : i32
    %c0_i32_1 = arith.constant 0 : i32
    return %c0_i32, %c0_i32_0 : i32, i32
  }
}

module attributes {stable_mosaic.version = 14 : i64} {
  func.func @_tc1_body(%arg0: i32, %arg1: memref<2000x128xf32, #tpu.memory_space<vmem>>, %arg2: memref<2000x128xf32, #tpu.memory_space<vmem>>, %arg3: memref<2000x128xf32, #tpu.memory_space<vmem>>, %arg4: memref<1x1x2000xi32, #tpu.memory_space<vmem>>, %arg5: memref<128x128xf32, #tpu.memory_space<vmem>>, %arg6: memref<1x128xf32, #tpu.memory_space<vmem>>, %arg7: memref<128x128xf32, #tpu.memory_space<vmem>>, %arg8: memref<1x128xf32, #tpu.memory_space<vmem>>, %arg9: memref<1x128xf32, #tpu.memory_space<vmem>>, %arg10: memref<1x128xf32, #tpu.memory_space<vmem>>, %arg11: memref<2000x128xf32, #tpu.memory_space<vmem>>, %arg12: memref<64x128xf32, #tpu.memory_space<vmem>>, %arg13: memref<64x128xf32, #tpu.memory_space<vmem>>) attributes {dimension_semantics = [#tpu.dimension_semantics<arbitrary>], iteration_bounds = array<i64: 5>, scalar_prefetch = 0 : i64, scratch_operands = 0 : i64, tpu.core_type = #tpu.core_type<tc>, window_params = [{transform_indices = @transform_0, window_bounds = array<i64: 2000, 128>}, {transform_indices = @transform_1, window_bounds = array<i64: 2000, 128>}, {transform_indices = @transform_2, window_bounds = array<i64: 2000, 128>}, {transform_indices = @transform_3, window_bounds = array<i64: 1, 1, 2000>}, {pipeline_mode = #tpu.pipeline_mode<synchronous>, transform_indices = @transform_4, window_bounds = array<i64: 128, 128>}, {pipeline_mode = #tpu.pipeline_mode<synchronous>, transform_indices = @transform_5, window_bounds = array<i64: 1, 128>}, {pipeline_mode = #tpu.pipeline_mode<synchronous>, transform_indices = @transform_6, window_bounds = array<i64: 128, 128>}, {pipeline_mode = #tpu.pipeline_mode<synchronous>, transform_indices = @transform_7, window_bounds = array<i64: 1, 128>}, {pipeline_mode = #tpu.pipeline_mode<synchronous>, transform_indices = @transform_8, window_bounds = array<i64: 1, 128>}, {pipeline_mode = #tpu.pipeline_mode<synchronous>, transform_indices = @transform_9, window_bounds = array<i64: 1, 128>}, {transform_indices = @transform_10, window_bounds = array<i64: 2000, 128>}, {pipeline_mode = #tpu.pipeline_mode<synchronous>, transform_indices = @transform_11, window_bounds = array<i64: 64, 128>}, {pipeline_mode = #tpu.pipeline_mode<synchronous>, transform_indices = @transform_12, window_bounds = array<i64: 64, 128>}]} {
    %get3A = arith.constant 0 : index
    %get3A_0 = arith.constant 0 : index
    %get3A_1 = vector.load %arg1[%get3A, %get3A_0] : memref<2000x128xf32, #tpu.memory_space<vmem>>, vector<2000x128xf32>
    %get3A_2 = arith.constant 0 : index
    %get3A_3 = arith.constant 0 : index
    %get3A_4 = vector.load %arg2[%get3A_2, %get3A_3] : memref<2000x128xf32, #tpu.memory_space<vmem>>, vector<2000x128xf32>
    %add3A = arith.addf %get3A_1, %get3A_4 : vector<2000x128xf32>
    %get3A_5 = arith.constant 0 : index
    %get3A_6 = arith.constant 0 : index
    %get3A_7 = vector.load %arg3[%get3A_5, %get3A_6] : memref<2000x128xf32, #tpu.memory_space<vmem>>, vector<2000x128xf32>
    %add3A_8 = arith.addf %add3A, %get3A_7 : vector<2000x128xf32>
    %get3A_9 = arith.constant 0 : index
    %get3A_10 = arith.constant 0 : index
    %get3A_11 = vector.load %arg5[%get3A_9, %get3A_10] : memref<128x128xf32, #tpu.memory_space<vmem>>, vector<128x128xf32>
    %dot_general3A = arith.constant dense<0.000000e+00> : vector<2000x128xf32>
    %dot_general3A_12 = tpu.matmul %add3A_8, %get3A_11, %dot_general3A {dimension_numbers = #tpu.dot_dimension_numbers<[1], [0], [0], [1], [0, 0, 1, 1], [], []>, transpose_lhs_hint = false} : vector<2000x128xf32>, vector<128x128xf32>, vector<2000x128xf32> -> vector<2000x128xf32>
    %get3A_13 = arith.constant 0 : index
    %get3A_14 = arith.constant 0 : index
    %get3A_15 = vector.load %arg6[%get3A_13, %get3A_14] : memref<1x128xf32, #tpu.memory_space<vmem>>, vector<1x128xf32>
    %add3A_16 = vector.broadcast %get3A_15 : vector<1x128xf32> to vector<2000x128xf32>
    %add3A_17 = arith.addf %dot_general3A_12, %add3A_16 : vector<2000x128xf32>
    %max3A = arith.constant 0.000000e+00 : f32
    %max3A_18 = vector.broadcast %max3A : f32 to vector<2000x128xf32>
    %max3A_19 = arith.maximumf %add3A_17, %max3A_18 : vector<2000x128xf32>
    %get3A_20 = arith.constant 0 : index
    %get3A_21 = arith.constant 0 : index
    %get3A_22 = vector.load %arg7[%get3A_20, %get3A_21] : memref<128x128xf32, #tpu.memory_space<vmem>>, vector<128x128xf32>
    %dot_general3A_23 = arith.constant dense<0.000000e+00> : vector<2000x128xf32>
    %dot_general3A_24 = tpu.matmul %max3A_19, %get3A_22, %dot_general3A_23 {dimension_numbers = #tpu.dot_dimension_numbers<[1], [0], [0], [1], [0, 0, 1, 1], [], []>, transpose_lhs_hint = false} : vector<2000x128xf32>, vector<128x128xf32>, vector<2000x128xf32> -> vector<2000x128xf32>
    %get3A_25 = arith.constant 0 : index
    %get3A_26 = arith.constant 0 : index
    %get3A_27 = vector.load %arg8[%get3A_25, %get3A_26] : memref<1x128xf32, #tpu.memory_space<vmem>>, vector<1x128xf32>
    %add3A_28 = vector.broadcast %get3A_27 : vector<1x128xf32> to vector<2000x128xf32>
    %add3A_29 = arith.addf %dot_general3A_24, %add3A_28 : vector<2000x128xf32>
    %max3A_30 = arith.constant 0.000000e+00 : f32
    %max3A_31 = vector.broadcast %max3A_30 : f32 to vector<2000x128xf32>
    %max3A_32 = arith.maximumf %add3A_29, %max3A_31 : vector<2000x128xf32>
    %get3A_33 = arith.constant 0 : index
    %get3A_34 = arith.constant 0 : index
    %get3A_35 = vector.load %arg9[%get3A_33, %get3A_34] : memref<1x128xf32, #tpu.memory_space<vmem>>, vector<1x128xf32>
    %mul3A = vector.broadcast %get3A_35 : vector<1x128xf32> to vector<2000x128xf32>
    %mul3A_36 = arith.mulf %max3A_32, %mul3A : vector<2000x128xf32>
    %get3A_37 = arith.constant 0 : index
    %get3A_38 = arith.constant 0 : index
    %get3A_39 = vector.load %arg10[%get3A_37, %get3A_38] : memref<1x128xf32, #tpu.memory_space<vmem>>, vector<1x128xf32>
    %add3A_40 = vector.broadcast %get3A_39 : vector<1x128xf32> to vector<2000x128xf32>
    %add3A_41 = arith.addf %mul3A_36, %add3A_40 : vector<2000x128xf32>
    %swap3A = arith.constant 0 : index
    %swap3A_42 = arith.constant 0 : index
    %swap3A_43 = vector.load %arg11[%swap3A, %swap3A_42] : memref<2000x128xf32, #tpu.memory_space<vmem>>, vector<2000x128xf32>
    tpu.vector_store %arg11[%swap3A, %swap3A_42], %add3A_41 {strides = array<i32>} : memref<2000x128xf32, #tpu.memory_space<vmem>>, vector<2000x128xf32>,
    %get3A_44 = arith.constant 0 : index
    %get3A_45 = arith.constant 0 : index
    %get3A_46 = arith.constant 0 : index
    %get3A_47 = vector.load %arg4[%get3A_44, %get3A_45, %get3A_46] : memref<1x1x2000xi32, #tpu.memory_space<vmem>>, vector<1x1x2000xi32>
    %get3A_48 = vector.shape_cast %get3A_47 : vector<1x1x2000xi32> to vector<2000xi32>
    %iota3A = tpu.iota {dimensions = array<i32: 0>} : vector<64x2000xi32>
    %broadcast_in_dim3A = vector.shape_cast %get3A_48 : vector<2000xi32> to vector<1x2000xi32>
    %eq3A = vector.broadcast %broadcast_in_dim3A : vector<1x2000xi32> to vector<64x2000xi32>
    %eq3A_49 = arith.cmpi eq, %eq3A, %iota3A : vector<64x2000xi32>
    %jit3A = arith.constant 1.000000e+00 : f32
    %jit3A_50 = arith.constant 0.000000e+00 : f32
    %broadcast_in_dim3A_51 = vector.broadcast %jit3A : f32 to vector<64x2000xf32>
    %broadcast_in_dim3A_52 = vector.broadcast %jit3A_50 : f32 to vector<64x2000xf32>
    %select_n3A = arith.select %eq3A_49, %broadcast_in_dim3A_51, %broadcast_in_dim3A_52 : vector<64x2000xi1>, vector<64x2000xf32>
    %eq3A_53 = arith.constant 0 : i32
    %eq3A_54 = arith.cmpi eq, %arg0, %eq3A_53 : i32
    %convert_element_type3A = arith.extui %eq3A_54 : i1 to i32
    %cond3A = arith.constant 0 : i32
    %cond3A_55 = arith.cmpi ne, %convert_element_type3A, %cond3A : i32
    scf.if %cond3A_55 {
      %broadcast_in_dim3A_74 = arith.constant 0.000000e+00 : f32
      %broadcast_in_dim3A_75 = vector.broadcast %broadcast_in_dim3A_74 : f32 to vector<64x128xf32>
      %swap3A_76 = arith.constant 0 : index
      %swap3A_77 = arith.constant 0 : index
      %swap3A_78 = vector.load %arg12[%swap3A_76, %swap3A_77] : memref<64x128xf32, #tpu.memory_space<vmem>>, vector<64x128xf32>
      tpu.vector_store %arg12[%swap3A_76, %swap3A_77], %broadcast_in_dim3A_75 {strides = array<i32>} : memref<64x128xf32, #tpu.memory_space<vmem>>, vector<64x128xf32>,
      %broadcast_in_dim3A_79 = arith.constant 0.000000e+00 : f32
      %broadcast_in_dim3A_80 = vector.broadcast %broadcast_in_dim3A_79 : f32 to vector<64x128xf32>
      %swap3A_81 = arith.constant 0 : index
      %swap3A_82 = arith.constant 0 : index
      %swap3A_83 = vector.load %arg13[%swap3A_81, %swap3A_82] : memref<64x128xf32, #tpu.memory_space<vmem>>, vector<64x128xf32>
      tpu.vector_store %arg13[%swap3A_81, %swap3A_82], %broadcast_in_dim3A_80 {strides = array<i32>} : memref<64x128xf32, #tpu.memory_space<vmem>>, vector<64x128xf32>,
    } else {
    }
    %get3A_56 = arith.constant 0 : index
    %get3A_57 = arith.constant 0 : index
    %get3A_58 = vector.load %arg12[%get3A_56, %get3A_57] : memref<64x128xf32, #tpu.memory_space<vmem>>, vector<64x128xf32>
    %dot_general3A_59 = arith.constant dense<0.000000e+00> : vector<64x128xf32>
    %dot_general3A_60 = tpu.matmul %select_n3A, %get3A_1, %dot_general3A_59 {dimension_numbers = #tpu.dot_dimension_numbers<[1], [0], [0], [1], [0, 0, 1, 1], [], []>, transpose_lhs_hint = false} : vector<64x2000xf32>, vector<2000x128xf32>, vector<64x128xf32> -> vector<64x128xf32>
    %add3A_61 = arith.addf %get3A_58, %dot_general3A_60 : vector<64x128xf32>
    %swap3A_62 = arith.constant 0 : index
    %swap3A_63 = arith.constant 0 : index
    %swap3A_64 = vector.load %arg12[%swap3A_62, %swap3A_63] : memref<64x128xf32, #tpu.memory_space<vmem>>, vector<64x128xf32>
    tpu.vector_store %arg12[%swap3A_62, %swap3A_63], %add3A_61 {strides = array<i32>} : memref<64x128xf32, #tpu.memory_space<vmem>>, vector<64x128xf32>,
    %get3A_65 = arith.constant 0 : index
    %get3A_66 = arith.constant 0 : index
    %get3A_67 = vector.load %arg13[%get3A_65, %get3A_66] : memref<64x128xf32, #tpu.memory_space<vmem>>, vector<64x128xf32>
    %dot_general3A_68 = arith.constant dense<0.000000e+00> : vector<64x128xf32>
    %dot_general3A_69 = tpu.matmul %select_n3A, %add3A_41, %dot_general3A_68 {dimension_numbers = #tpu.dot_dimension_numbers<[1], [0], [0], [1], [0, 0, 1, 1], [], []>, transpose_lhs_hint = false} : vector<64x2000xf32>, vector<2000x128xf32>, vector<64x128xf32> -> vector<64x128xf32>
    %add3A_70 = arith.addf %get3A_67, %dot_general3A_69 : vector<64x128xf32>
    %swap3A_71 = arith.constant 0 : index
    %swap3A_72 = arith.constant 0 : index
    %swap3A_73 = vector.load %arg13[%swap3A_71, %swap3A_72] : memref<64x128xf32, #tpu.memory_space<vmem>>, vector<64x128xf32>
    tpu.vector_store %arg13[%swap3A_71, %swap3A_72], %add3A_70 {strides = array<i32>} : memref<64x128xf32, #tpu.memory_space<vmem>>, vector<64x128xf32>,
    return
  }
  func.func @transform_0(%arg0: i32) -> (i32, i32) {
    %c0_i32 = arith.constant 0 : i32
    %c0_i32_0 = arith.constant 0 : i32
    return %arg0, %c0_i32 : i32, i32
  }
  func.func @transform_1(%arg0: i32) -> (i32, i32) {
    %c0_i32 = arith.constant 0 : i32
    %c0_i32_0 = arith.constant 0 : i32
    return %arg0, %c0_i32 : i32, i32
  }
  func.func @transform_2(%arg0: i32) -> (i32, i32) {
    %c0_i32 = arith.constant 0 : i32
    %c0_i32_0 = arith.constant 0 : i32
    return %arg0, %c0_i32 : i32, i32
  }
  func.func @transform_3(%arg0: i32) -> (i32, i32, i32) {
    %c0_i32 = arith.constant 0 : i32
    %c0_i32_0 = arith.constant 0 : i32
    %c0_i32_1 = arith.constant 0 : i32
    return %arg0, %c0_i32, %c0_i32_0 : i32, i32, i32
  }
  func.func @transform_4(%arg0: i32) -> (i32, i32) {
    %c0_i32 = arith.constant 0 : i32
    %c0_i32_0 = arith.constant 0 : i32
    %c0_i32_1 = arith.constant 0 : i32
    return %c0_i32, %c0_i32_0 : i32, i32
  }
  func.func @transform_5(%arg0: i32) -> (i32, i32) {
    %c0_i32 = arith.constant 0 : i32
    %c0_i32_0 = arith.constant 0 : i32
    %c0_i32_1 = arith.constant 0 : i32
    return %c0_i32, %c0_i32_0 : i32, i32
  }
  func.func @transform_6(%arg0: i32) -> (i32, i32) {
    %c0_i32 = arith.constant 0 : i32
    %c0_i32_0 = arith.constant 0 : i32
    %c0_i32_1 = arith.constant 0 : i32
    return %c0_i32, %c0_i32_0 : i32, i32
  }
  func.func @transform_7(%arg0: i32) -> (i32, i32) {
    %c0_i32 = arith.constant 0 : i32
    %c0_i32_0 = arith.constant 0 : i32
    %c0_i32_1 = arith.constant 0 : i32
    return %c0_i32, %c0_i32_0 : i32, i32
  }
  func.func @transform_8(%arg0: i32) -> (i32, i32) {
    %c0_i32 = arith.constant 0 : i32
    %c0_i32_0 = arith.constant 0 : i32
    %c0_i32_1 = arith.constant 0 : i32
    return %c0_i32, %c0_i32_0 : i32, i32
  }
  func.func @transform_9(%arg0: i32) -> (i32, i32) {
    %c0_i32 = arith.constant 0 : i32
    %c0_i32_0 = arith.constant 0 : i32
    %c0_i32_1 = arith.constant 0 : i32
    return %c0_i32, %c0_i32_0 : i32, i32
  }
  func.func @transform_10(%arg0: i32) -> (i32, i32) {
    %c0_i32 = arith.constant 0 : i32
    %c0_i32_0 = arith.constant 0 : i32
    return %arg0, %c0_i32 : i32, i32
  }
  func.func @transform_11(%arg0: i32) -> (i32, i32) {
    %c0_i32 = arith.constant 0 : i32
    %c0_i32_0 = arith.constant 0 : i32
    %c0_i32_1 = arith.constant 0 : i32
    return %c0_i32, %c0_i32_0 : i32, i32
  }
  func.func @transform_12(%arg0: i32) -> (i32, i32) {
    %c0_i32 = arith.constant 0 : i32
    %c0_i32_0 = arith.constant 0 : i32
    %c0_i32_1 = arith.constant 0 : i32
    return %c0_i32, %c0_i32_0 : i32, i32
  }
}

</mosaic_0001>

<sc_bundles>
// kernel: kernel.6.cloned.1.call-start
scs
__scs_entry_jumppad:
0x0: {  	(pc) =	sbr.rel $0x88, $3  }
0x1: {  	(tag) =	ssettag $0x0;
	lr =	simm.s32 $0x1  }
0x2: {  	[smem:$0x3F8A] =	sst lr;
	_ =	strace $0xD0000000  }
0x3: {  	_ = 	snop  }
0x4: {  	_ = 	snop  }
0x5: {  	_ = 	snop  }
0x6: {  	_ = 	snop  }
0x7: {  	_ = 	snop  }
__scs_overlays_trampoline_lowered:
0x8: {  	[smem:$0x3F99] =	sst s0  }
0x9: {  	[smem:$0x3F9A] =	sst s1  }
0xa: {  	[smem:$0x3F9B] =	sst s2  }
0xb: {  	[smem:$0x3F9C] =	sst s3  }
0xc: {  	[smem:$0x3F9D] =	sst s4  }
0xd: {  	[smem:$0x3F9E] =	sst s5  }
0xe: {  	[smem:$0x3F9F] =	sst s6  }
0xf: {  	[smem:$0x3FA0] =	sst s7  }
0x10: {  	[smem:$0x3FA1] =	sst s8  }
0x11: {  	[smem:$0x3FA2] =	sst s9;
	s0 =	simm.s32 @!p0 $0x0  }
0x12: {  	s1 =	sld [smem:$0x3F88];
	s0 =	simm.s32 @p0 $0x1  }
0x13: {  	[smem:$0x3FA3] =	sst s0;
	s0 =	simm.s32 @!p1 $0x0  }
0x14: {  	s2 =	sld [smem:$0x3F87];
	s0 =	simm.s32 @p1 $0x1  }
0x15: {  	[smem:$0x3FA4] =	sst s0;
	s0 =	simm.s32 @!p2 $0x0  }
0x16: {  	s3 =	sld [smem:$0x3FDB];
	s0 =	simm.s32 @p2 $0x1  }
0x17: {  	s4 =	simm.s32 $0x1BF5;
	[smem:$0x3FA6] =	sst s0  }
0x18: {  	s0 =	sld [smem:$0x3F89];
	_ =	swait.ge [sflag:s4], $0x0  }
0x19: {  	s7 =	sld [smem:$0x3F8A]  }
0x1a: {  	s8 =	sadd.s32 $0xFFFFE003, lr  }
0x1b: {  	s9 =	sadd.s32 $0xFFFFFEF7, lr;
	s5 =	simm.s32 $0xFFFFFFFF;
	p2 =	slt.u32 s8, $0xFFFFF086  }
0x1c: {  	p1 =	slt.u32 s9, $0xF7A;
	s5 =	simm.s32 @!p2 $0x0  }
0x1d: {  	s5 =	simm.s32 @p1 $0x1;
	p0 =	seq.s32 s7, s2  }
0x1e: {  	s7 =	smul.u32 @!p0 $0xF7A, s2;
	p2 =	seq.s32 @!p0 s5, $0x0  }
0x1f: {  	s9 =	smul.u32 $0xF7A, s1;
	s8 =	simm.s32 @!p0 $0x1BF5;
	p2 =	por !p2, p0  }
0x20: {  	[sflag:s8] =	ssyncset.s32 @!p0 $0xFFFFF086;
	s6 =	sadd.s32 @!p0 s3, s7;
	s7 =	simm.s32 @!p0 $0x108  }
0x21: {  	s3 =	sadd.s32 s3, s9;
	s6 =	sadd.s32 @!p0 $0x88, s6;
	s7 =	simm.s32 @p2 $0x1082  }
0x22: {  	[simem:s7], [sflag:s8] =	dma.local @!p0 [hbm:s6], $0xF7A  }
0x23: {  	s9 =	sor.u32 $0xD0000000, s2;
	s6 =	simm.s32 $0x108;
	_ =	swait.ge @!p0 [sflag:s8], $0x0  }
0x24: {  	s3 =	sadd.s32 $0x88, s3;
	s6 =	simm.s32 @!p1 $0x1082;
	[sflag:s4] =	ssyncset.s32 $0xFFFFF086  }
0x25: {  	[simem:s6], [sflag:s4] =	dma.local [hbm:s3], $0xF7A  }
0x26: {  	[smem:$0x3F8A] =	sst s1;
	(tag) =	ssettag s2;
	_ =	strace s9  }
0x27: {  	s1 =	sld [smem:$0x3F9A]  }
0x28: {  	s2 =	sld [smem:$0x3F9B]  }
0x29: {  	s4 =	sld [smem:$0x3F9D]  }
0x2a: {  	p0 =	seq.s32 s5, $0x0;
	s5 =	sld [smem:$0x3F9E]  }
0x2b: {  	s6 =	sld [smem:$0x3F9F]  }
0x2c: {  	s7 =	sld [smem:$0x3FA0]  }
0x2d: {  	s3 =	simm.s32 $0x108;
	s8 =	sld [smem:$0x3FA1]  }
0x2e: {  	s3 =	simm.s32 @!p0 $0x1082;
	s9 =	sld [smem:$0x3FA2]  }
0x2f: {  	lr =	sadd.s32 s0, s3;
	s0 =	sld [smem:$0x3F99]  }
0x30: {  	s3 =	sld [smem:$0x3F9C]  }
0x31: {  	[smem:$0x3FA5] =	sst s10  }
0x32: {  	s10 =	sld [smem:$0x3FA3];
	_ =	sdelay $0x3  }
0x33: {  	p0 =	seq.s32 s10, $0x1;
	s10 =	sld [smem:$0x3FA5];
	_ =	sdelay $0x3  }
0x34: {  	[smem:$0x3FA5] =	sst s10  }
0x35: {  	s10 =	sld [smem:$0x3FA4];
	_ =	sdelay $0x3  }
0x36: {  	p1 =	seq.s32 s10, $0x1;
	s10 =	sld [smem:$0x3FA5];
	_ =	sdelay $0x3  }
0x37: {  	[smem:$0x3FA5] =	sst s10  }
0x38: {  	s10 =	sld [smem:$0x3FA6]  }
0x39: {  	_ = 	snop;
	(pc) =	sbr.ind lr, $3  }
0x3a: {  	_ = 	snop  }
0x3b: {  	_ = 	snop  }
0x3c: {  	p2 =	seq.s32 s10, $0x1;
	s10 =	sld [smem:$0x3FA5]  }
0x3d: {  	_ =	shalt  }
0x3e: {  	_ =	shalt  }
0x3f: {  	_ =	shalt  }
0x40: {  	_ =	shalt  }
0x41: {  	_ =	shalt  }
0x42: {  	_ =	shalt  }
0x43: {  	_ =	shalt  }
0x44: {  	_ =	shalt  }
0x45: {  	_ =	shalt  }
0x46: {  	_ =	shalt  }
0x47: {  	_ =	shalt  }
0x48: {  	_ =	shalt  }
0x49: {  	_ =	shalt  }
0x4a: {  	_ =	shalt  }
0x4b: {  	_ =	shalt  }
0x4c: {  	_ =	shalt  }
0x4d: {  	_ =	shalt  }
0x4e: {  	_ =	shalt  }
0x4f: {  	_ =	shalt  }
0x50: {  	_ =	shalt  }
0x51: {  	_ =	shalt  }
0x52: {  	_ =	shalt  }
0x53: {  	_ =	shalt  }
0x54: {  	_ =	shalt  }
0x55: {  	_ =	shalt  }
0x56: {  	_ =	shalt  }
0x57: {  	_ =	shalt  }
0x58: {  	_ =	shalt  }
0x59: {  	_ =	shalt  }
0x5a: {  	_ =	shalt  }
0x5b: {  	_ =	shalt  }
0x5c: {  	_ =	shalt  }
0x5d: {  	_ =	shalt  }
0x5e: {  	_ =	shalt  }
0x5f: {  	_ =	shalt  }
0x60: {  	_ =	shalt  }
0x61: {  	_ =	shalt  }
0x62: {  	_ =	shalt  }
0x63: {  	_ =	shalt  }
0x64: {  	_ =	shalt  }
0x65: {  	_ =	shalt  }
0x66: {  	_ =	shalt  }
0x67: {  	_ =	shalt  }
0x68: {  	_ =	shalt  }
0x69: {  	_ =	shalt  }
0x6a: {  	_ =	shalt  }
0x6b: {  	_ =	shalt  }
0x6c: {  	_ =	shalt  }
0x6d: {  	_ =	shalt  }
0x6e: {  	_ =	shalt  }
0x6f: {  	_ =	shalt  }
0x70: {  	_ =	shalt  }
0x71: {  	_ =	shalt  }
0x72: {  	_ =	shalt  }
0x73: {  	_ =	shalt  }
0x74: {  	_ =	shalt  }
0x75: {  	_ =	shalt  }
0x76: {  	_ =	shalt  }
0x77: {  	_ =	shalt  }
0x78: {  	_ =	shalt  }
0x79: {  	_ =	shalt  }
0x7a: {  	_ =	shalt  }
0x7b: {  	_ =	shalt  }
0x7c: {  	_ =	shalt  }
0x7d: {  	_ =	shalt  }
0x7e: {  	_ =	shalt  }
0x7f: {  	_ =	shalt  }
0x80: {  	_ =	shalt  }
0x81: {  	_ =	shalt  }
0x82: {  	_ =	shalt  }
0x83: {  	_ =	shalt  }
0x84: {  	_ =	shalt  }
0x85: {  	_ =	shalt  }
0x86: {  	_ =	shalt  }
0x87: {  	_ =	shalt  }
.Lfunc_end0:
.L_simem_size_0:
called_computation_lowered:
.L_overlay_start_0:
0x88: {  	s2 =	sld [smem:$0x3FD9]  }
0x89: {  	s3 =	sld [smem:$0x3FFE];
	_ =	sdelay $0x1  }
0x8a: {  	s1 =	srdreg.scid  }
0x8b: {  	s0 =	sand.u32 $0x1, s1  }
0x8c: {  	s17 =	sshll.u32 s0, $0xA;
	s2 =	sadd.s32 s3, s2  }
0x8d: {  	s2 =	sadd.s32 s2, s17  }
0x8e: {  	[smem:$0x3FB1] =	sst s2  }
0x8f: {  	_ = 	snop  }
0x90: {  	s2 =	sld [smem:$0x3FC9];
	(tm) =	ssettm $0x1  }
0x91: {  	s18 =	sld [smem:$0x3FFB];
	_ =	sdelay $0x3  }
0x92: {  	_ =	strace s18  }
0x93: {  	s3 =	sld [smem:$0x3FFC];
	_ =	sdelay $0x3  }
0x94: {  	_ =	strace s3  }
0x95: {  	s3 =	sld [smem:$0x3FFD];
	_ =	sdelay $0x3  }
0x96: {  	_ =	strace s3  }
0x97: {  	_ =	strace $0x8FFFFFFF  }
0x98: {  	s19 =	sld [smem:$0x3FDB];
	_ =	sdelay $0x1  }
0x99: {  	s4 =	simm.s32 $_scs_section_size  }
0x9a: {  	s5 =	simm.s32 $_size__tile_overlayer_lowered;
	s6 =	simm.s32 $_tile_overlayer_lowered  }
0x9b: {  	s22 =	simm.s32 $0x1BFF;
	s21 =	sshll.u32 s6, $0x1;
	s3 =	sadd.s32 s4, s19  }
0x9c: {  	s7 =	simm.s32 $0x0;
	s20 =	sshll.u32 s5, $0x1;
	s5 =	sadd.s32 s21, s3  }
0x9d: {  	[timem:s7], [sflag:s22] =	dma.local [hbm:s5], s20  }
0x9e: {  	_ =	swait.ge [sflag:s22], s20  }
0x9f: {  	s4 =	ssub.s32 $0x0, s20;
	[sflag:s22] =	ssyncset.done $0x0  }
0xa0: {  	[sflag:s22] =	ssyncadd.s32 s4;
	_ =	sdelay $0x1  }
0xa1: {  	s23 =	simm.s32 $0x1B8B  }
0xa2: {  	_ =	swait.ge [sflag:s23], $0x1  }
0xa3: {  	[sflag:s23] =	ssyncset.done $0x0  }
0xa4: {  	s25 =	simm.s32 $0x1B8E;
	s24 =	sld [smem:$0x3FFE];
	[sflag:s23] =	ssyncadd.s32 $0xFFFFFFFF  }
0xa5: {  	s26 =	simm.s32 $execute0_lowered;
	[smem:$0x3FD2] =	sst s25  }
0xa6: {  	s5 =	sshll.u32 s26, $0x1;
	_ =	strace $0x80000046;
	[dreg:$0x1] =	wrdreg $0xFFFFFFFF  }
0xa7: {  	s28 =	simm.s32 $_size_execute0_lowered;
	s3 =	sadd.s32 s3, s5;
	[dreg:$0x0] =	wrdreg $0x0  }
0xa8: {  	s5 =	sshll.u32 s28, $0x1;
	[dreg:$0x2] =	wrdreg s3  }
0xa9: {  	[dreg:$0x3] =	wrdreg s5  }
0xaa: {  	[dreg:$0x4] =	wrdreg $0xC0  }
0xab: {  	_ =	task [dreg:s7], $0x5FFFF  }
0xac: {  	[dreg:$0x1] =	wrdreg $0xFFFFFFFF  }
0xad: {  	[dreg:$0x0] =	wrdreg $0x60  }
0xae: {  	[dreg:$0x2] =	wrdreg s2  }
0xaf: {  	[dreg:$0x3] =	wrdreg s24  }
0xb0: {  	[dreg:$0x4] =	wrdreg $0xAA000  }
0xb1: {  	[dreg:$0x5] =	wrdreg $0x9  }
0xb2: {  	_ =	task.clear_ibuf [dreg:s7], $0x6FFFF;
	_ =	strace $0x90000046  }
0xb3: {  	s29 =	simm.s32 $0x9;
	_ =	strace $0x80000048  }
0xb4: {  	_ =	swait.ge [sflag:s29], $0x1  }
0xb5: {  	[sflag:s29] =	ssyncadd.s32 $0xFFFFFFFF  }
0xb6: {  	_ =	strace $0x90000048  }
0xb7: {  	_ =	sfence  }
0xb8: {  	s30 =	sld [smem:$0x0];
	_ =	sdelay $0x2  }
0xb9: {  	s31 =	sshll.u32 s1, $0xD;
	s1 =	sshrl.u32 s1, $0x2  }
0xba: {  	s3 =	sand.u32 $0x4000, s31;
	s1 =	sadd.s32 s1, s30  }
0xbb: {  	s0 =	sor.u32 s3, s0;
	s1 =	sshll.u32 s1, $0x11  }
0xbc: {  	s0 =	sor.u32 s1, s0  }
0xbd: {  	s0 =	sadd.s32 $0x8F2B, s0  }
0xbe: {  	[sflag:s0] =	ssyncadd.remote.s32 $0x1  }
0xbf: {  	_ =	sfence.sel $0xFFFF  }
0xc0: {  	[dreg:$0x0] =	wrdreg $0xFFFFFFFF;
	(pc) =	sbr.abs _section_cstart, $3  }
0xc1: {  	[dreg:$0x1] =	wrdreg $0xFFFFFFFF  }
0xc2: {  	_ =	task.clear_ibuf [dreg:s7], $0x2FFFF;
	_ =	strace $0x9FFFFFFF  }
0xc3: {  	(tm) =	ssettm $0x7FFFFFFF  }
tec
execute0_lowered:
.L_overlay_start_1:
0x0: {  	(tag) =	ssettag $0x1  }
0x1: {  	s1 =	rddreg [dreg:$0x0]  }
0x2: {  	s2 =	srdreg.scid;
	s7 =	rddreg [dreg:$0x1]  }
0x3: {  	s0 =	stileid.u32;
	s3 =	rddreg [dreg:$0x2];
	s4 =	simm.s32 $0x0  }
0x4: {  	s13 =	simm.s32 $0x2800;
	s14 =	simm.s32 $0x2A00;
	s15 =	simm.s32 $0x2880  }
0x5: {  	s16 =	simm.s32 $0x6A00;
	s17 =	simm.s32 $0x1;
	s18 =	simm.s32 $0x2900  }
0x6: {  	s19 =	simm.s32 $0x2;
	s20 =	simm.s32 $0x2980;
	s21 =	simm.s32 $0x3  }
0x7: {  	s22 =	simm.s32 $0x4;
	s23 =	simm.s32 $0x0;
	s9 =	smul.u32 $0x14000, s0  }
0x8: {  	s6 =	sand.u32 $0x1, s2;
	s28 =	sshll.u32 s0, $0x1;
	s29 =	smul.u32 $0x50000, s0  }
0x9: {  	[smem:$0x7FF] =	sst s4;
	s2 =	sor.u32 s6, s28;
	s8 =	smul.u32 $0x140000, s6  }
0xa: {  	s31 =	sshll.u32 s0, $0x6;
	s6 =	ssub.s32 $0x2, s6;
	s5 =	smul.u32 $0x500, s2  }
0xb: {  	s2 =	rddreg [dreg:$0x3];
	_ =	strace $0x80000047;
	s30 =	sshrl.u32 s6, $0x1  }
0xc: {  	s8 =	sadd.s32 s9, s8;
	s9 =	sshrl.u32 s29, $0x2;
	s11 =	ssub.s32 s6, s30  }
0xd: {  	s6 =	sor.u32 $0x1C05, s31;
	s10 =	sadd.s32 s5, s7;
	s5 =	sadd.s32 $0xD600, s7  }
0xe: {  	s8 =	sshrl.u32 s8, $0x3;
	s12 =	sadd.s32 s9, s3;
	s9 =	smax.u32 s11, $0x1  }
0xf: {  	s11 =	simm.s32 $0x5;
	s8 =	sadd.s32 s8, s7;
	s7 =	sadd.s32 $0x3600, s10  }
0x10: {  	s10 =	sshrl.u32 s12, $0x3;
	s12 =	simm.s32 $0x80;
	s8 =	sadd.s32 $0xFE00, s8  }
.LBB2_1:
0x11: {  	[spmem:s10], [sflag:s6] =	dma.local [hbm:s5], $0x2800  }
0x12: {  	_ =	swait.ge [sflag:s11], $0x2800  }
0x13: {  	[sflag:s11] =	ssyncset.done $0x0  }
0x14: {  	[sflag:s11] =	ssyncadd.s32 $0xFFFFD800  }
0x15: {  	[tilespmem:s4], [sflag:$0x5] =	stream.linear.gather [hbm4b:s7+s4], $0x2800, $0x38;
	[tilespmem:$0x1EA00] =	vst v63  }
0x16: {  	_ =	swait.ge [sflag:s11], $0x2800  }
0x17: {  	[sflag:s11] =	ssyncset.done $0x0  }
0x18: {  	[sflag:s11] =	ssyncadd.s32 $0xFFFFD800  }
0x19: {  	[bflag:$0x0] =	sbarrier.arrive $0xFFFF  }
0x1a: {  	v0 =	vld [tilespmem:$0x0];
	_ =	sdelay $0x1  }
0x1b: {  	v1 =	vld [tilespmem:$0x10];
	_ =	sdelay $0x1  }
0x1c: {  	v2 =	vld [tilespmem:$0x20]  }
0x1d: {  	v3 =	vand.u32 $0x3FFF, v0  }
0x1e: {  	v0 =	vshrl.u32 v0, $0xE;
	[tilespmem:$0x2800] =	vst v3;
	v3 =	vld [tilespmem:$0x30]  }
0x1f: {  	[tilespmem:$0x2900] =	vst v0;
	v0 =	vand.u32 $0x3FFF, v1  }
0x20: {  	[tilespmem:$0x2810] =	vst v0;
	v0 =	vshrl.u32 v1, $0xE;
	v1 =	vld [tilespmem:$0x40]  }
0x21: {  	[tilespmem:$0x2910] =	vst v0;
	v0 =	vand.u32 $0x3FFF, v2  }
0x22: {  	[tilespmem:$0x2820] =	vst v0;
	v0 =	vshrl.u32 v2, $0xE;
	v2 =	vld [tilespmem:$0x50]  }
0x23: {  	[tilespmem:$0x2920] =	vst v0;
	v0 =	vand.u32 $0x3FFF, v3  }
0x24: {  	[tilespmem:$0x2830] =	vst v0;
	v0 =	vshrl.u32 v3, $0xE;
	v3 =	vld [tilespmem:$0x60]  }
0x25: {  	[tilespmem:$0x2930] =	vst v0;
	v0 =	vand.u32 $0x3FFF, v1  }
0x26: {  	[tilespmem:$0x2840] =	vst v0;
	v0 =	vshrl.u32 v1, $0xE;
	v1 =	vld [tilespmem:$0x70]  }
0x27: {  	[tilespmem:$0x2940] =	vst v0;
	v0 =	vand.u32 $0x3FFF, v2  }
0x28: {  	[tilespmem:$0x2850] =	vst v0;
	v0 =	vshrl.u32 v2, $0xE  }
0x29: {  	[tilespmem:$0x2950] =	vst v0;
	v0 =	vand.u32 $0x3FFF, v3  }
0x2a: {  	[tilespmem:$0x2860] =	vst v0;
	v0 =	vshrl.u32 v3, $0xE  }
0x2b: {  	[tilespmem:$0x2960] =	vst v0;
	v0 =	vand.u32 $0x3FFF, v1  }
0x2c: {  	[tilespmem:$0x2870] =	vst v0;
	v0 =	vshrl.u32 v1, $0xE  }
0x2d: {  	[tilespmem:$0x2970] =	vst v0  }
0x2e: {  	[tilespmem:s14], [sflag:$0x1] =	stream.indirect.gather [hbm4b:s1+s12], $0x80, s13, s12, $0xb8;
	[tilespmem:$0x1EA00] =	vst v63  }
0x2f: {  	v0 =	vld [tilespmem:$0x80];
	_ =	sdelay $0x1  }
0x30: {  	v1 =	vld [tilespmem:$0x90];
	_ =	sdelay $0x1  }
0x31: {  	v2 =	vld [tilespmem:$0xA0]  }
0x32: {  	v3 =	vand.u32 $0x3FFF, v0  }
0x33: {  	v0 =	vshrl.u32 v0, $0xE;
	[tilespmem:$0x2880] =	vst v3;
	v3 =	vld [tilespmem:$0xB0]  }
0x34: {  	[tilespmem:$0x2980] =	vst v0;
	v0 =	vand.u32 $0x3FFF, v1  }
0x35: {  	[tilespmem:$0x2890] =	vst v0;
	v0 =	vshrl.u32 v1, $0xE;
	v1 =	vld [tilespmem:$0xC0]  }
0x36: {  	[tilespmem:$0x2990] =	vst v0;
	v0 =	vand.u32 $0x3FFF, v2  }
0x37: {  	[tilespmem:$0x28A0] =	vst v0;
	v0 =	vshrl.u32 v2, $0xE;
	v2 =	vld [tilespmem:$0xD0]  }
0x38: {  	[tilespmem:$0x29A0] =	vst v0;
	v0 =	vand.u32 $0x3FFF, v3  }
0x39: {  	[tilespmem:$0x28B0] =	vst v0;
	v0 =	vshrl.u32 v3, $0xE;
	v3 =	vld [tilespmem:$0xE0]  }
0x3a: {  	[tilespmem:$0x29B0] =	vst v0;
	v0 =	vand.u32 $0x3FFF, v1  }
0x3b: {  	[tilespmem:$0x28C0] =	vst v0;
	v0 =	vshrl.u32 v1, $0xE;
	v1 =	vld [tilespmem:$0xF0]  }
0x3c: {  	[tilespmem:$0x29C0] =	vst v0;
	v0 =	vand.u32 $0x3FFF, v2  }
0x3d: {  	[tilespmem:$0x28D0] =	vst v0;
	v0 =	vshrl.u32 v2, $0xE  }
0x3e: {  	[tilespmem:$0x29D0] =	vst v0;
	v0 =	vand.u32 $0x3FFF, v3  }
0x3f: {  	[tilespmem:$0x28E0] =	vst v0;
	v0 =	vshrl.u32 v3, $0xE  }
0x40: {  	[tilespmem:$0x29E0] =	vst v0;
	v0 =	vand.u32 $0x3FFF, v1  }
0x41: {  	[tilespmem:$0x28F0] =	vst v0;
	v0 =	vshrl.u32 v1, $0xE  }
0x42: {  	[tilespmem:$0x29F0] =	vst v0  }
0x43: {  	[tilespmem:s16], [sflag:$0x2] =	stream.indirect.gather [hbm4b:s1+s12], $0x80, s15, s12, $0xb8;
	[tilespmem:$0x1EA00] =	vst v63  }
0x44: {  	_ =	swait.ge [sflag:s17], $0x4000  }
0x45: {  	[sflag:s17] =	ssyncset.done $0x0  }
0x46: {  	[sflag:s17] =	ssyncadd.s32 $0xFFFFC000  }
0x47: {  	[spmem:s3] =	stream.indirect.scatter.add.f32 [tilespmem:s14], [sflag:$0x3], $0x80, s18, s12, $0xb8;
	[tilespmem:$0x1EA00] =	vst v63  }
0x48: {  	_ =	swait.ge [sflag:s19], $0x4000  }
0x49: {  	[sflag:s19] =	ssyncset.done $0x0  }
0x4a: {  	[sflag:s19] =	ssyncadd.s32 $0xFFFFC000  }
0x4b: {  	[spmem:s3] =	stream.indirect.scatter.add.f32 [tilespmem:s16], [sflag:$0x4], $0x80, s20, s12, $0xb8;
	[tilespmem:$0x1EA00] =	vst v63  }
0x4c: {  	_ =	swait.ge [sflag:s21], $0x4000  }
0x4d: {  	[sflag:s21] =	ssyncset.done $0x0  }
0x4e: {  	s25 =	simm.s32 $0x1F0;
	[sflag:s21] =	ssyncadd.s32 $0xFFFFC000  }
0x4f: {  	v0 =	vld [tilespmem:s25+$0xFFFFFF10];
	_ =	sdelay $0x4  }
0x50: {  	v1 =	vand.u32 $0x3FFF, v0  }
0x51: {  	v0 =	vshrl.u32 v0, $0xE;
	[tilespmem:$0x2800] =	vst v1  }
0x52: {  	[tilespmem:$0x2900] =	vst v0  }
0x53: {  	v0 =	vld [tilespmem:s25+$0xFFFFFF20];
	_ =	sdelay $0x4  }
0x54: {  	v1 =	vand.u32 $0x3FFF, v0  }
0x55: {  	v0 =	vshrl.u32 v0, $0xE;
	[tilespmem:$0x2810] =	vst v1  }
0x56: {  	[tilespmem:$0x2910] =	vst v0  }
0x57: {  	v0 =	vld [tilespmem:s25+$0xFFFFFF30];
	_ =	sdelay $0x4  }
0x58: {  	v1 =	vand.u32 $0x3FFF, v0  }
0x59: {  	v0 =	vshrl.u32 v0, $0xE;
	[tilespmem:$0x2820] =	vst v1  }
0x5a: {  	[tilespmem:$0x2920] =	vst v0  }
0x5b: {  	v0 =	vld [tilespmem:s25+$0xFFFFFF40];
	_ =	sdelay $0x4  }
0x5c: {  	v1 =	vand.u32 $0x3FFF, v0  }
0x5d: {  	v0 =	vshrl.u32 v0, $0xE;
	[tilespmem:$0x2830] =	vst v1  }
0x5e: {  	[tilespmem:$0x2930] =	vst v0  }
0x5f: {  	v0 =	vld [tilespmem:s25+$0xFFFFFF50];
	_ =	sdelay $0x4  }
0x60: {  	v1 =	vand.u32 $0x3FFF, v0  }
0x61: {  	v0 =	vshrl.u32 v0, $0xE;
	[tilespmem:$0x2840] =	vst v1  }
0x62: {  	[tilespmem:$0x2940] =	vst v0  }
0x63: {  	v0 =	vld [tilespmem:s25+$0xFFFFFF60];
	_ =	sdelay $0x4  }
0x64: {  	v1 =	vand.u32 $0x3FFF, v0  }
0x65: {  	v0 =	vshrl.u32 v0, $0xE;
	[tilespmem:$0x2850] =	vst v1  }
0x66: {  	[tilespmem:$0x2950] =	vst v0  }
0x67: {  	v0 =	vld [tilespmem:s25+$0xFFFFFF70];
	_ =	sdelay $0x4  }
0x68: {  	v1 =	vand.u32 $0x3FFF, v0  }
0x69: {  	v0 =	vshrl.u32 v0, $0xE;
	[tilespmem:$0x2860] =	vst v1  }
0x6a: {  	[tilespmem:$0x2960] =	vst v0  }
0x6b: {  	v0 =	vld [tilespmem:s25+$0xFFFFFF80];
	_ =	sdelay $0x4  }
0x6c: {  	v1 =	vand.u32 $0x3FFF, v0  }
0x6d: {  	v0 =	vshrl.u32 v0, $0xE;
	[tilespmem:$0x2870] =	vst v1  }
0x6e: {  	[tilespmem:$0x2970] =	vst v0  }
0x6f: {  	[tilespmem:s14], [sflag:$0x1] =	stream.indirect.gather [hbm4b:s1+s12], $0x80, s13, s12, $0xb8;
	[tilespmem:$0x1EA00] =	vst v63  }
0x70: {  	_ =	swait.ge [sflag:s22], $0x4000  }
0x71: {  	[sflag:s22] =	ssyncset.done $0x0  }
0x72: {  	[sflag:s22] =	ssyncadd.s32 $0xFFFFC000  }
0x73: {  	v0 =	vld [tilespmem:s25+$0xFFFFFF90];
	_ =	sdelay $0x4  }
0x74: {  	v1 =	vand.u32 $0x3FFF, v0  }
0x75: {  	v0 =	vshrl.u32 v0, $0xE;
	[tilespmem:$0x2880] =	vst v1  }
0x76: {  	[tilespmem:$0x2980] =	vst v0  }
0x77: {  	v0 =	vld [tilespmem:s25+$0xFFFFFFA0];
	_ =	sdelay $0x4  }
0x78: {  	v1 =	vand.u32 $0x3FFF, v0  }
0x79: {  	v0 =	vshrl.u32 v0, $0xE;
	[tilespmem:$0x2890] =	vst v1  }
0x7a: {  	[tilespmem:$0x2990] =	vst v0  }
0x7b: {  	v0 =	vld [tilespmem:s25+$0xFFFFFFB0];
	_ =	sdelay $0x4  }
0x7c: {  	v1 =	vand.u32 $0x3FFF, v0  }
0x7d: {  	v0 =	vshrl.u32 v0, $0xE;
	[tilespmem:$0x28A0] =	vst v1  }
0x7e: {  	[tilespmem:$0x29A0] =	vst v0  }
0x7f: {  	v0 =	vld [tilespmem:s25+$0xFFFFFFC0];
	_ =	sdelay $0x4  }
0x80: {  	v1 =	vand.u32 $0x3FFF, v0  }
0x81: {  	v0 =	vshrl.u32 v0, $0xE;
	[tilespmem:$0x28B0] =	vst v1  }
0x82: {  	[tilespmem:$0x29B0] =	vst v0  }
0x83: {  	v0 =	vld [tilespmem:s25+$0xFFFFFFD0];
	_ =	sdelay $0x4  }
0x84: {  	v1 =	vand.u32 $0x3FFF, v0  }
0x85: {  	v0 =	vshrl.u32 v0, $0xE;
	[tilespmem:$0x28C0] =	vst v1  }
0x86: {  	[tilespmem:$0x29C0] =	vst v0  }
0x87: {  	v0 =	vld [tilespmem:s25+$0xFFFFFFE0];
	_ =	sdelay $0x4  }
0x88: {  	v1 =	vand.u32 $0x3FFF, v0  }
0x89: {  	v0 =	vshrl.u32 v0, $0xE;
	[tilespmem:$0x28D0] =	vst v1  }
0x8a: {  	[tilespmem:$0x29D0] =	vst v0  }
0x8b: {  	v0 =	vld [tilespmem:s25+$0xFFFFFFF0];
	_ =	sdelay $0x4  }
0x8c: {  	v1 =	vand.u32 $0x3FFF, v0  }
0x8d: {  	v0 =	vshrl.u32 v0, $0xE;
	[tilespmem:$0x28E0] =	vst v1  }
0x8e: {  	[tilespmem:$0x29E0] =	vst v0  }
0x8f: {  	s24 =	simm.s32 $0xBC0;
	v0 =	vld [tilespmem:s25+$0x0]  }
.LBB2_2:
0x90: {  	_ =	sdelay $0x1  }
0x91: {  	p0 =	sne.s32 s24, $0x9FC0;
	s25 =	smov.u32 s24;
	s24 =	sadd.s32 $0x400, s24  }
0x92: {  	_ = 	snop  }
0x93: {  	v1 =	vand.u32 $0x3FFF, v0;
	v0 =	vshrl.u32 v0, $0xE  }
0x94: {  	[tilespmem:$0x28F0] =	vst v1  }
0x95: {  	[tilespmem:$0x29F0] =	vst v0  }
0x96: {  	[tilespmem:s16], [sflag:$0x2] =	stream.indirect.gather [hbm4b:s1+s12], $0x80, s15, s12, $0xb8;
	[tilespmem:$0x1EA00] =	vst v63  }
0x97: {  	_ =	swait.ge [sflag:s17], $0x4000  }
0x98: {  	[sflag:s17] =	ssyncset.done $0x0  }
0x99: {  	[sflag:s17] =	ssyncadd.s32 $0xFFFFC000  }
0x9a: {  	[spmem:s3] =	stream.indirect.scatter.add.f32 [tilespmem:s14], [sflag:$0x3], $0x80, s18, s12, $0xb8;
	[tilespmem:$0x1EA00] =	vst v63  }
0x9b: {  	_ =	swait.ge [sflag:s19], $0x4000  }
0x9c: {  	[sflag:s19] =	ssyncset.done $0x0  }
0x9d: {  	[sflag:s19] =	ssyncadd.s32 $0xFFFFC000  }
0x9e: {  	[spmem:s3] =	stream.indirect.scatter.add.f32 [tilespmem:s16], [sflag:$0x4], $0x80, s20, s12, $0xb8;
	[tilespmem:$0x1EA00] =	vst v63  }
0x9f: {  	_ =	swait.ge [sflag:s21], $0x4000  }
0xa0: {  	[sflag:s21] =	ssyncset.done $0x0  }
0xa1: {  	s25 =	sshra.s32 s25, $0x2;
	[sflag:s21] =	ssyncadd.s32 $0xFFFFC000  }
0xa2: {  	v0 =	vld [tilespmem:s25+$0xFFFFFF10];
	_ =	sdelay $0x4  }
0xa3: {  	v1 =	vand.u32 $0x3FFF, v0;
	v0 =	vshrl.u32 v0, $0xE  }
0xa4: {  	[tilespmem:$0x2800] =	vst v1  }
0xa5: {  	[tilespmem:$0x2900] =	vst v0  }
0xa6: {  	v0 =	vld [tilespmem:s25+$0xFFFFFF20];
	_ =	sdelay $0x4  }
0xa7: {  	v1 =	vand.u32 $0x3FFF, v0;
	v0 =	vshrl.u32 v0, $0xE  }
0xa8: {  	[tilespmem:$0x2810] =	vst v1  }
0xa9: {  	[tilespmem:$0x2910] =	vst v0  }
0xaa: {  	v0 =	vld [tilespmem:s25+$0xFFFFFF30];
	_ =	sdelay $0x4  }
0xab: {  	v1 =	vand.u32 $0x3FFF, v0;
	v0 =	vshrl.u32 v0, $0xE  }
0xac: {  	[tilespmem:$0x2820] =	vst v1  }
0xad: {  	[tilespmem:$0x2920] =	vst v0  }
0xae: {  	v0 =	vld [tilespmem:s25+$0xFFFFFF40];
	_ =	sdelay $0x4  }
0xaf: {  	v1 =	vand.u32 $0x3FFF, v0;
	v0 =	vshrl.u32 v0, $0xE  }
0xb0: {  	[tilespmem:$0x2830] =	vst v1  }
0xb1: {  	[tilespmem:$0x2930] =	vst v0  }
0xb2: {  	v0 =	vld [tilespmem:s25+$0xFFFFFF50];
	_ =	sdelay $0x4  }
0xb3: {  	v1 =	vand.u32 $0x3FFF, v0;
	v0 =	vshrl.u32 v0, $0xE  }
0xb4: {  	[tilespmem:$0x2840] =	vst v1  }
0xb5: {  	[tilespmem:$0x2940] =	vst v0  }
0xb6: {  	v0 =	vld [tilespmem:s25+$0xFFFFFF60];
	_ =	sdelay $0x4  }
0xb7: {  	v1 =	vand.u32 $0x3FFF, v0;
	v0 =	vshrl.u32 v0, $0xE  }
0xb8: {  	[tilespmem:$0x2850] =	vst v1  }
0xb9: {  	[tilespmem:$0x2950] =	vst v0  }
0xba: {  	v0 =	vld [tilespmem:s25+$0xFFFFFF70];
	_ =	sdelay $0x4  }
0xbb: {  	v1 =	vand.u32 $0x3FFF, v0;
	v0 =	vshrl.u32 v0, $0xE  }
0xbc: {  	[tilespmem:$0x2860] =	vst v1  }
0xbd: {  	[tilespmem:$0x2960] =	vst v0  }
0xbe: {  	v0 =	vld [tilespmem:s25+$0xFFFFFF80];
	_ =	sdelay $0x4  }
0xbf: {  	v1 =	vand.u32 $0x3FFF, v0;
	v0 =	vshrl.u32 v0, $0xE  }
0xc0: {  	[tilespmem:$0x2870] =	vst v1  }
0xc1: {  	[tilespmem:$0x2970] =	vst v0  }
0xc2: {  	[tilespmem:s14], [sflag:$0x1] =	stream.indirect.gather [hbm4b:s1+s12], $0x80, s13, s12, $0xb8;
	[tilespmem:$0x1EA00] =	vst v63  }
0xc3: {  	_ =	swait.ge [sflag:s22], $0x4000  }
0xc4: {  	[sflag:s22] =	ssyncset.done $0x0  }
0xc5: {  	[sflag:s22] =	ssyncadd.s32 $0xFFFFC000  }
0xc6: {  	v0 =	vld [tilespmem:s25+$0xFFFFFF90];
	_ =	sdelay $0x4  }
0xc7: {  	v1 =	vand.u32 $0x3FFF, v0;
	v0 =	vshrl.u32 v0, $0xE  }
0xc8: {  	[tilespmem:$0x2880] =	vst v1  }
0xc9: {  	[tilespmem:$0x2980] =	vst v0  }
0xca: {  	v0 =	vld [tilespmem:s25+$0xFFFFFFA0];
	_ =	sdelay $0x4  }
0xcb: {  	v1 =	vand.u32 $0x3FFF, v0;
	v0 =	vshrl.u32 v0, $0xE  }
0xcc: {  	[tilespmem:$0x2890] =	vst v1  }
0xcd: {  	[tilespmem:$0x2990] =	vst v0  }
0xce: {  	v0 =	vld [tilespmem:s25+$0xFFFFFFB0];
	_ =	sdelay $0x4  }
0xcf: {  	v1 =	vand.u32 $0x3FFF, v0;
	v0 =	vshrl.u32 v0, $0xE  }
0xd0: {  	[tilespmem:$0x28A0] =	vst v1  }
0xd1: {  	[tilespmem:$0x29A0] =	vst v0  }
0xd2: {  	v0 =	vld [tilespmem:s25+$0xFFFFFFC0];
	_ =	sdelay $0x4  }
0xd3: {  	v1 =	vand.u32 $0x3FFF, v0;
	v0 =	vshrl.u32 v0, $0xE  }
0xd4: {  	[tilespmem:$0x28B0] =	vst v1  }
0xd5: {  	[tilespmem:$0x29B0] =	vst v0  }
0xd6: {  	v0 =	vld [tilespmem:s25+$0xFFFFFFD0];
	_ =	sdelay $0x4  }
0xd7: {  	v1 =	vand.u32 $0x3FFF, v0;
	v0 =	vshrl.u32 v0, $0xE  }
0xd8: {  	[tilespmem:$0x28C0] =	vst v1  }
0xd9: {  	[tilespmem:$0x29C0] =	vst v0  }
0xda: {  	v0 =	vld [tilespmem:s25+$0xFFFFFFE0];
	_ =	sdelay $0x4  }
0xdb: {  	v1 =	vand.u32 $0x3FFF, v0;
	v0 =	vshrl.u32 v0, $0xE  }
0xdc: {  	[tilespmem:$0x28D0] =	vst v1  }
0xdd: {  	[tilespmem:$0x29D0] =	vst v0  }
0xde: {  	v0 =	vld [tilespmem:s25+$0xFFFFFFF0];
	_ =	sdelay $0x3  }
.Ltmp0:
0xdf: {  	(pc) =	sbr.rel @p0 .LBB2_2-.Ltmp0, $4  }
0xe0: {  	v1 =	vand.u32 $0x3FFF, v0;
	v0 =	vshrl.u32 v0, $0xE  }
0xe1: {  	[tilespmem:$0x28E0] =	vst v1  }
0xe2: {  	[tilespmem:$0x29E0] =	vst v0  }
0xe3: {  	v0 =	vld [tilespmem:s25+$0x0]  }
0xe4: {  	_ =	sdelay $0x3  }
0xe5: {  	v1 =	vand.u32 $0x3FFF, v0  }
0xe6: {  	v63 =	vshrl.u32 v0, $0xE;
	[tilespmem:$0x28F0] =	vst v1  }
0xe7: {  	[tilespmem:$0x29F0] =	vst v63  }
0xe8: {  	[tilespmem:s16], [sflag:$0x2] =	stream.indirect.gather [hbm4b:s1+s12], $0x80, s15, s12, $0xb8;
	[tilespmem:$0x1EA00] =	vst v63  }
0xe9: {  	_ =	swait.ge [sflag:s17], $0x4000  }
0xea: {  	[sflag:s17] =	ssyncset.done $0x0  }
0xeb: {  	[sflag:s17] =	ssyncadd.s32 $0xFFFFC000  }
0xec: {  	[spmem:s3] =	stream.indirect.scatter.add.f32 [tilespmem:s14], [sflag:$0x3], $0x80, s18, s12, $0xb8;
	[tilespmem:$0x1EA00] =	vst v63  }
0xed: {  	_ =	swait.ge [sflag:s19], $0x4000  }
0xee: {  	[sflag:s19] =	ssyncset.done $0x0  }
0xef: {  	[sflag:s19] =	ssyncadd.s32 $0xFFFFC000  }
0xf0: {  	[spmem:s3] =	stream.indirect.scatter.add.f32 [tilespmem:s16], [sflag:$0x4], $0x80, s20, s12, $0xb8;
	[tilespmem:$0x1EA00] =	vst v63  }
0xf1: {  	_ =	swait.ge [sflag:s21], $0x4000  }
0xf2: {  	[sflag:s21] =	ssyncset.done $0x0  }
0xf3: {  	[sflag:s21] =	ssyncadd.s32 $0xFFFFC000  }
0xf4: {  	_ =	swait.ge [sflag:s22], $0x4000  }
0xf5: {  	s23 =	sadd.s32 $0x1, s23;
	[sflag:s22] =	ssyncset.done $0x0  }
0xf6: {  	p0 =	sne.s32 s23, s9;
	[sflag:s22] =	ssyncadd.s32 $0xFFFFC000  }
.Ltmp1:
0xf7: {  	[bflag:$0x0] =	sbarrier.arrive $0xFFFF;
	(pc) =	sbr.rel @p0 .LBB2_1-.Ltmp1, $4  }
0xf8: {  	[hbm:s8], [sflag:s6] =	dma.local [spmem:s10], $0x2800  }
0xf9: {  	_ =	swait.ge [sflag:s11], $0x2800  }
0xfa: {  	[sflag:s11] =	ssyncset.done $0x0  }
0xfb: {  	[sflag:s11] =	ssyncadd.s32 $0xFFFFD800  }
0xfc: {  	_ =	sfence.sel $0x180000  }
0xfd: {  	[bflag:$0x0] =	sbarrier.arrive $0xFFFF  }
0xfe: {  	p0 =	sne.s32 s0, $0x0;
	_ =	strace $0x90000047  }
0xff: {  	s0 =	sadd.s32 @!p0 $0x100000, s2;
	[bflag:$0x2] =	sbarrier.arrive $0xFFFF  }
0x100: {  	[sflag:s0] =	ssyncadd.tile.s32 @!p0 $0x1;
	_ =	shalt  }
.Lfunc_end2:
_tile_overlayer_lowered:
.L_overlay_start_2:
0x101: {  	(tag) =	ssettag $0x2  }
0x102: {  	s0 =	rddreg [dreg:$0x0];
	s2 =	stileid.u32  }
0x103: {  	s1 =	rddreg [dreg:$0x1];
	p0 =	sne.s32 s2, $0x0  }
0x104: {  	s3 =	rddreg [dreg:$0x2];
	[bflag:$0x3] =	sbarrier.arrive $0xFFFF;
	s2 =	simm.s32 @!p0 $0x1C05  }
0x105: {  	[timem:s3], [sflag:s2] =	dma.local @!p0 [hbm:s0], s1  }
0x106: {  	s0 =	simm.s32 @!p0 $0x5  }
0x107: {  	_ =	swait.ge @!p0 [sflag:s0], s1  }
0x108: {  	s1 =	ssub.s32 @!p0 $0x0, s1;
	[sflag:s0] =	ssyncset.done @!p0 $0x0  }
0x109: {  	[sflag:s0] =	ssyncadd.s32 @!p0 s1  }
0x10a: {  	[bflag:$0x3] =	sbarrier.arrive $0xFFFF  }
0x10b: {  	_ =	shalt  }

// kernel: kernel.9.cloned.1.call-start
scs
__scs_entry_jumppad:
0x0: {  	(pc) =	sbr.rel $0x88, $3  }
0x1: {  	(tag) =	ssettag $0x0;
	lr =	simm.s32 $0x1  }
0x2: {  	[smem:$0x3F8A] =	sst lr;
	_ =	strace $0xD0000000  }
0x3: {  	_ = 	snop  }
0x4: {  	_ = 	snop  }
0x5: {  	_ = 	snop  }
0x6: {  	_ = 	snop  }
0x7: {  	_ = 	snop  }
__scs_overlays_trampoline_lowered:
0x8: {  	[smem:$0x3F99] =	sst s0  }
0x9: {  	[smem:$0x3F9A] =	sst s1  }
0xa: {  	[smem:$0x3F9B] =	sst s2  }
0xb: {  	[smem:$0x3F9C] =	sst s3  }
0xc: {  	[smem:$0x3F9D] =	sst s4  }
0xd: {  	[smem:$0x3F9E] =	sst s5  }
0xe: {  	[smem:$0x3F9F] =	sst s6  }
0xf: {  	[smem:$0x3FA0] =	sst s7  }
0x10: {  	[smem:$0x3FA1] =	sst s8  }
0x11: {  	[smem:$0x3FA2] =	sst s9;
	s0 =	simm.s32 @!p0 $0x0  }
0x12: {  	s1 =	sld [smem:$0x3F88];
	s0 =	simm.s32 @p0 $0x1  }
0x13: {  	[smem:$0x3FA3] =	sst s0;
	s0 =	simm.s32 @!p1 $0x0  }
0x14: {  	s2 =	sld [smem:$0x3F87];
	s0 =	simm.s32 @p1 $0x1  }
0x15: {  	[smem:$0x3FA4] =	sst s0;
	s0 =	simm.s32 @!p2 $0x0  }
0x16: {  	s3 =	sld [smem:$0x3FDB];
	s0 =	simm.s32 @p2 $0x1  }
0x17: {  	s4 =	simm.s32 $0x1BF5;
	[smem:$0x3FA6] =	sst s0  }
0x18: {  	s0 =	sld [smem:$0x3F89];
	_ =	swait.ge [sflag:s4], $0x0  }
0x19: {  	s7 =	sld [smem:$0x3F8A]  }
0x1a: {  	s8 =	sadd.s32 $0xFFFFE003, lr  }
0x1b: {  	s9 =	sadd.s32 $0xFFFFFEF7, lr;
	s5 =	simm.s32 $0xFFFFFFFF;
	p2 =	slt.u32 s8, $0xFFFFF086  }
0x1c: {  	p1 =	slt.u32 s9, $0xF7A;
	s5 =	simm.s32 @!p2 $0x0  }
0x1d: {  	s5 =	simm.s32 @p1 $0x1;
	p0 =	seq.s32 s7, s2  }
0x1e: {  	s7 =	smul.u32 @!p0 $0xF7A, s2;
	p2 =	seq.s32 @!p0 s5, $0x0  }
0x1f: {  	s9 =	smul.u32 $0xF7A, s1;
	s8 =	simm.s32 @!p0 $0x1BF5;
	p2 =	por !p2, p0  }
0x20: {  	[sflag:s8] =	ssyncset.s32 @!p0 $0xFFFFF086;
	s6 =	sadd.s32 @!p0 s3, s7;
	s7 =	simm.s32 @!p0 $0x108  }
0x21: {  	s3 =	sadd.s32 s3, s9;
	s6 =	sadd.s32 @!p0 $0x88, s6;
	s7 =	simm.s32 @p2 $0x1082  }
0x22: {  	[simem:s7], [sflag:s8] =	dma.local @!p0 [hbm:s6], $0xF7A  }
0x23: {  	s9 =	sor.u32 $0xD0000000, s2;
	s6 =	simm.s32 $0x108;
	_ =	swait.ge @!p0 [sflag:s8], $0x0  }
0x24: {  	s3 =	sadd.s32 $0x88, s3;
	s6 =	simm.s32 @!p1 $0x1082;
	[sflag:s4] =	ssyncset.s32 $0xFFFFF086  }
0x25: {  	[simem:s6], [sflag:s4] =	dma.local [hbm:s3], $0xF7A  }
0x26: {  	[smem:$0x3F8A] =	sst s1;
	(tag) =	ssettag s2;
	_ =	strace s9  }
0x27: {  	s1 =	sld [smem:$0x3F9A]  }
0x28: {  	s2 =	sld [smem:$0x3F9B]  }
0x29: {  	s4 =	sld [smem:$0x3F9D]  }
0x2a: {  	p0 =	seq.s32 s5, $0x0;
	s5 =	sld [smem:$0x3F9E]  }
0x2b: {  	s6 =	sld [smem:$0x3F9F]  }
0x2c: {  	s7 =	sld [smem:$0x3FA0]  }
0x2d: {  	s3 =	simm.s32 $0x108;
	s8 =	sld [smem:$0x3FA1]  }
0x2e: {  	s3 =	simm.s32 @!p0 $0x1082;
	s9 =	sld [smem:$0x3FA2]  }
0x2f: {  	lr =	sadd.s32 s0, s3;
	s0 =	sld [smem:$0x3F99]  }
0x30: {  	s3 =	sld [smem:$0x3F9C]  }
0x31: {  	[smem:$0x3FA5] =	sst s10  }
0x32: {  	s10 =	sld [smem:$0x3FA3];
	_ =	sdelay $0x3  }
0x33: {  	p0 =	seq.s32 s10, $0x1;
	s10 =	sld [smem:$0x3FA5];
	_ =	sdelay $0x3  }
0x34: {  	[smem:$0x3FA5] =	sst s10  }
0x35: {  	s10 =	sld [smem:$0x3FA4];
	_ =	sdelay $0x3  }
0x36: {  	p1 =	seq.s32 s10, $0x1;
	s10 =	sld [smem:$0x3FA5];
	_ =	sdelay $0x3  }
0x37: {  	[smem:$0x3FA5] =	sst s10  }
0x38: {  	s10 =	sld [smem:$0x3FA6]  }
0x39: {  	_ = 	snop;
	(pc) =	sbr.ind lr, $3  }
0x3a: {  	_ = 	snop  }
0x3b: {  	_ = 	snop  }
0x3c: {  	p2 =	seq.s32 s10, $0x1;
	s10 =	sld [smem:$0x3FA5]  }
0x3d: {  	_ =	shalt  }
0x3e: {  	_ =	shalt  }
0x3f: {  	_ =	shalt  }
0x40: {  	_ =	shalt  }
0x41: {  	_ =	shalt  }
0x42: {  	_ =	shalt  }
0x43: {  	_ =	shalt  }
0x44: {  	_ =	shalt  }
0x45: {  	_ =	shalt  }
0x46: {  	_ =	shalt  }
0x47: {  	_ =	shalt  }
0x48: {  	_ =	shalt  }
0x49: {  	_ =	shalt  }
0x4a: {  	_ =	shalt  }
0x4b: {  	_ =	shalt  }
0x4c: {  	_ =	shalt  }
0x4d: {  	_ =	shalt  }
0x4e: {  	_ =	shalt  }
0x4f: {  	_ =	shalt  }
0x50: {  	_ =	shalt  }
0x51: {  	_ =	shalt  }
0x52: {  	_ =	shalt  }
0x53: {  	_ =	shalt  }
0x54: {  	_ =	shalt  }
0x55: {  	_ =	shalt  }
0x56: {  	_ =	shalt  }
0x57: {  	_ =	shalt  }
0x58: {  	_ =	shalt  }
0x59: {  	_ =	shalt  }
0x5a: {  	_ =	shalt  }
0x5b: {  	_ =	shalt  }
0x5c: {  	_ =	shalt  }
0x5d: {  	_ =	shalt  }
0x5e: {  	_ =	shalt  }
0x5f: {  	_ =	shalt  }
0x60: {  	_ =	shalt  }
0x61: {  	_ =	shalt  }
0x62: {  	_ =	shalt  }
0x63: {  	_ =	shalt  }
0x64: {  	_ =	shalt  }
0x65: {  	_ =	shalt  }
0x66: {  	_ =	shalt  }
0x67: {  	_ =	shalt  }
0x68: {  	_ =	shalt  }
0x69: {  	_ =	shalt  }
0x6a: {  	_ =	shalt  }
0x6b: {  	_ =	shalt  }
0x6c: {  	_ =	shalt  }
0x6d: {  	_ =	shalt  }
0x6e: {  	_ =	shalt  }
0x6f: {  	_ =	shalt  }
0x70: {  	_ =	shalt  }
0x71: {  	_ =	shalt  }
0x72: {  	_ =	shalt  }
0x73: {  	_ =	shalt  }
0x74: {  	_ =	shalt  }
0x75: {  	_ =	shalt  }
0x76: {  	_ =	shalt  }
0x77: {  	_ =	shalt  }
0x78: {  	_ =	shalt  }
0x79: {  	_ =	shalt  }
0x7a: {  	_ =	shalt  }
0x7b: {  	_ =	shalt  }
0x7c: {  	_ =	shalt  }
0x7d: {  	_ =	shalt  }
0x7e: {  	_ =	shalt  }
0x7f: {  	_ =	shalt  }
0x80: {  	_ =	shalt  }
0x81: {  	_ =	shalt  }
0x82: {  	_ =	shalt  }
0x83: {  	_ =	shalt  }
0x84: {  	_ =	shalt  }
0x85: {  	_ =	shalt  }
0x86: {  	_ =	shalt  }
0x87: {  	_ =	shalt  }
.Lfunc_end0:
.L_simem_size_0:
called_computation.1_lowered:
.L_overlay_start_0:
0x88: {  	s2 =	sld [smem:$0x3FD9]  }
0x89: {  	s3 =	sld [smem:$0x3FFE];
	_ =	sdelay $0x1  }
0x8a: {  	s1 =	srdreg.scid  }
0x8b: {  	s0 =	sand.u32 $0x1, s1  }
0x8c: {  	s16 =	sshll.u32 s0, $0xA;
	s2 =	sadd.s32 s3, s2  }
0x8d: {  	s2 =	sadd.s32 s2, s16  }
0x8e: {  	[smem:$0x3FB1] =	sst s2  }
0x8f: {  	_ = 	snop  }
0x90: {  	(tm) =	ssettm $0x1  }
0x91: {  	s17 =	sld [smem:$0x3FFB];
	_ =	sdelay $0x3  }
0x92: {  	_ =	strace s17  }
0x93: {  	s2 =	sld [smem:$0x3FFC];
	_ =	sdelay $0x3  }
0x94: {  	_ =	strace s2  }
0x95: {  	s2 =	sld [smem:$0x3FFD];
	_ =	sdelay $0x3  }
0x96: {  	_ =	strace s2  }
0x97: {  	_ =	strace $0x8FFFFFFF  }
0x98: {  	s18 =	sld [smem:$0x3FDB];
	_ =	sdelay $0x1  }
0x99: {  	s19 =	simm.s32 $_scs_section_size  }
0x9a: {  	s4 =	simm.s32 $_size__tile_overlayer_lowered;
	s5 =	simm.s32 $_tile_overlayer_lowered  }
0x9b: {  	s22 =	simm.s32 $0x1BFF;
	s21 =	sshll.u32 s5, $0x1;
	s2 =	sadd.s32 s19, s18  }
0x9c: {  	s6 =	simm.s32 $0x0;
	s20 =	sshll.u32 s4, $0x1;
	s4 =	sadd.s32 s21, s2  }
0x9d: {  	[timem:s6], [sflag:s22] =	dma.local [hbm:s4], s20  }
0x9e: {  	_ =	swait.ge [sflag:s22], s20  }
0x9f: {  	s3 =	ssub.s32 $0x0, s20;
	[sflag:s22] =	ssyncset.done $0x0  }
0xa0: {  	[sflag:s22] =	ssyncadd.s32 s3;
	_ =	sdelay $0x1  }
0xa1: {  	s23 =	simm.s32 $0x1B8B  }
0xa2: {  	_ =	swait.ge [sflag:s23], $0x1  }
0xa3: {  	[sflag:s23] =	ssyncset.done $0x0  }
0xa4: {  	s25 =	simm.s32 $0x1B8E;
	s24 =	sld [smem:$0x3FFE];
	[sflag:s23] =	ssyncadd.s32 $0xFFFFFFFF  }
0xa5: {  	s26 =	simm.s32 $execute0_lowered;
	[smem:$0x3FD2] =	sst s25  }
0xa6: {  	s4 =	sshll.u32 s26, $0x1;
	_ =	strace $0x80000049;
	[dreg:$0x1] =	wrdreg $0xFFFFFFFF  }
0xa7: {  	s28 =	simm.s32 $_size_execute0_lowered;
	s2 =	sadd.s32 s2, s4;
	[dreg:$0x0] =	wrdreg $0x0  }
0xa8: {  	s4 =	sshll.u32 s28, $0x1;
	[dreg:$0x2] =	wrdreg s2  }
0xa9: {  	[dreg:$0x3] =	wrdreg s4  }
0xaa: {  	[dreg:$0x4] =	wrdreg $0xC0  }
0xab: {  	_ =	task [dreg:s6], $0x5FFFF  }
0xac: {  	[dreg:$0x1] =	wrdreg $0xFFFFFFFF  }
0xad: {  	[dreg:$0x0] =	wrdreg $0x60  }
0xae: {  	[dreg:$0x2] =	wrdreg s24  }
0xaf: {  	[dreg:$0x3] =	wrdreg $0xAA000  }
0xb0: {  	[dreg:$0x4] =	wrdreg $0x9  }
0xb1: {  	_ =	task.clear_ibuf [dreg:s6], $0x5FFFF;
	_ =	strace $0x90000049  }
0xb2: {  	s29 =	simm.s32 $0x9;
	_ =	strace $0x8000004B  }
0xb3: {  	_ =	swait.ge [sflag:s29], $0x1  }
0xb4: {  	[sflag:s29] =	ssyncadd.s32 $0xFFFFFFFF  }
0xb5: {  	_ =	strace $0x9000004B  }
0xb6: {  	_ =	sfence  }
0xb7: {  	s30 =	sld [smem:$0x0];
	_ =	sdelay $0x2  }
0xb8: {  	s31 =	sshll.u32 s1, $0xD;
	s1 =	sshrl.u32 s1, $0x2  }
0xb9: {  	s3 =	sand.u32 $0x4000, s31;
	s1 =	sadd.s32 s1, s30  }
0xba: {  	s0 =	sor.u32 s3, s0;
	s1 =	sshll.u32 s1, $0x11  }
0xbb: {  	s0 =	sor.u32 s1, s0  }
0xbc: {  	s0 =	sadd.s32 $0x8F2B, s0  }
0xbd: {  	[sflag:s0] =	ssyncadd.remote.s32 $0x1  }
0xbe: {  	_ =	sfence.sel $0xFFFF  }
0xbf: {  	[dreg:$0x0] =	wrdreg $0xFFFFFFFF;
	(pc) =	sbr.abs _section_cstart, $3  }
0xc0: {  	[dreg:$0x1] =	wrdreg $0xFFFFFFFF  }
0xc1: {  	_ =	task.clear_ibuf [dreg:s6], $0x2FFFF;
	_ =	strace $0x9FFFFFFF  }
0xc2: {  	(tm) =	ssettm $0x7FFFFFFF  }
0xc3: {  	_ =	shalt  }
tec
execute0_lowered:
.L_overlay_start_1:
0x0: {  	(tag) =	ssettag $0x1  }
0x1: {  	s1 =	srdreg.scid  }
0x2: {  	s0 =	stileid.u32;
	s7 =	rddreg [dreg:$0x0]  }
0x3: {  	s2 =	rddreg [dreg:$0x1];
	s3 =	simm.s32 $0x0;
	s13 =	simm.s32 $0x2800  }
0x4: {  	s14 =	simm.s32 $0x2A00;
	s15 =	simm.s32 $0x2880;
	s16 =	simm.s32 $0x6A00  }
0x5: {  	s17 =	simm.s32 $0x1;
	s18 =	simm.s32 $0x2900;
	s19 =	simm.s32 $0x2  }
0x6: {  	s20 =	simm.s32 $0x2980;
	s21 =	simm.s32 $0x3;
	s22 =	simm.s32 $0x4  }
0x7: {  	s23 =	simm.s32 $0x0;
	s6 =	sand.u32 $0x1, s1;
	s9 =	smul.u32 $0x14000, s0  }
0x8: {  	s28 =	sshll.u32 s0, $0x1;
	[smem:$0x7FF] =	sst s3;
	s29 =	smul.u32 $0x50000, s0  }
0x9: {  	s4 =	sadd.s32 $0xFE00, s7;
	s1 =	sor.u32 s6, s28;
	s8 =	smul.u32 $0x140000, s6  }
0xa: {  	s31 =	sshll.u32 s0, $0x6;
	s6 =	ssub.s32 $0x2, s6;
	s5 =	smul.u32 $0x500, s1  }
0xb: {  	s1 =	rddreg [dreg:$0x2];
	_ =	strace $0x8000004A;
	s30 =	sshrl.u32 s6, $0x1  }
0xc: {  	s8 =	sadd.s32 s9, s8;
	s9 =	sshrl.u32 s29, $0x2;
	s11 =	ssub.s32 s6, s30  }
0xd: {  	s6 =	sor.u32 $0x1C05, s31;
	s10 =	sadd.s32 s5, s7;
	s5 =	sadd.s32 $0xD600, s7  }
0xe: {  	s8 =	sshrl.u32 s8, $0x3;
	s12 =	sadd.s32 s9, s2;
	s9 =	smax.u32 s11, $0x1  }
0xf: {  	s11 =	simm.s32 $0x5;
	s8 =	sadd.s32 s8, s7;
	s7 =	sadd.s32 $0x3600, s10  }
0x10: {  	s10 =	sshrl.u32 s12, $0x3;
	s12 =	simm.s32 $0x80;
	s8 =	sadd.s32 $0x37000, s8  }
.LBB2_1:
0x11: {  	[spmem:s10], [sflag:s6] =	dma.local [hbm:s5], $0x2800  }
0x12: {  	_ =	swait.ge [sflag:s11], $0x2800  }
0x13: {  	[sflag:s11] =	ssyncset.done $0x0  }
0x14: {  	[sflag:s11] =	ssyncadd.s32 $0xFFFFD800  }
0x15: {  	[tilespmem:s3], [sflag:$0x5] =	stream.linear.gather [hbm4b:s7+s3], $0x2800, $0x38;
	[tilespmem:$0x1EA00] =	vst v63  }
0x16: {  	_ =	swait.ge [sflag:s11], $0x2800  }
0x17: {  	[sflag:s11] =	ssyncset.done $0x0  }
0x18: {  	[sflag:s11] =	ssyncadd.s32 $0xFFFFD800  }
0x19: {  	[bflag:$0x0] =	sbarrier.arrive $0xFFFF  }
0x1a: {  	v0 =	vld [tilespmem:$0x0];
	_ =	sdelay $0x1  }
0x1b: {  	v1 =	vld [tilespmem:$0x10];
	_ =	sdelay $0x1  }
0x1c: {  	v2 =	vld [tilespmem:$0x20]  }
0x1d: {  	v3 =	vand.u32 $0x3FFF, v0  }
0x1e: {  	v0 =	vshrl.u32 v0, $0xE;
	[tilespmem:$0x2800] =	vst v3;
	v3 =	vld [tilespmem:$0x30]  }
0x1f: {  	[tilespmem:$0x2900] =	vst v0;
	v0 =	vand.u32 $0x3FFF, v1  }
0x20: {  	[tilespmem:$0x2810] =	vst v0;
	v0 =	vshrl.u32 v1, $0xE;
	v1 =	vld [tilespmem:$0x40]  }
0x21: {  	[tilespmem:$0x2910] =	vst v0;
	v0 =	vand.u32 $0x3FFF, v2  }
0x22: {  	[tilespmem:$0x2820] =	vst v0;
	v0 =	vshrl.u32 v2, $0xE;
	v2 =	vld [tilespmem:$0x50]  }
0x23: {  	[tilespmem:$0x2920] =	vst v0;
	v0 =	vand.u32 $0x3FFF, v3  }
0x24: {  	[tilespmem:$0x2830] =	vst v0;
	v0 =	vshrl.u32 v3, $0xE;
	v3 =	vld [tilespmem:$0x60]  }
0x25: {  	[tilespmem:$0x2930] =	vst v0;
	v0 =	vand.u32 $0x3FFF, v1  }
0x26: {  	[tilespmem:$0x2840] =	vst v0;
	v0 =	vshrl.u32 v1, $0xE;
	v1 =	vld [tilespmem:$0x70]  }
0x27: {  	[tilespmem:$0x2940] =	vst v0;
	v0 =	vand.u32 $0x3FFF, v2  }
0x28: {  	[tilespmem:$0x2850] =	vst v0;
	v0 =	vshrl.u32 v2, $0xE  }
0x29: {  	[tilespmem:$0x2950] =	vst v0;
	v0 =	vand.u32 $0x3FFF, v3  }
0x2a: {  	[tilespmem:$0x2860] =	vst v0;
	v0 =	vshrl.u32 v3, $0xE  }
0x2b: {  	[tilespmem:$0x2960] =	vst v0;
	v0 =	vand.u32 $0x3FFF, v1  }
0x2c: {  	[tilespmem:$0x2870] =	vst v0;
	v0 =	vshrl.u32 v1, $0xE  }
0x2d: {  	[tilespmem:$0x2970] =	vst v0  }
0x2e: {  	[tilespmem:s14], [sflag:$0x1] =	stream.indirect.gather [hbm4b:s4+s12], $0x80, s13, s12, $0xb8;
	[tilespmem:$0x1EA00] =	vst v63  }
0x2f: {  	v0 =	vld [tilespmem:$0x80];
	_ =	sdelay $0x1  }
0x30: {  	v1 =	vld [tilespmem:$0x90];
	_ =	sdelay $0x1  }
0x31: {  	v2 =	vld [tilespmem:$0xA0]  }
0x32: {  	v3 =	vand.u32 $0x3FFF, v0  }
0x33: {  	v0 =	vshrl.u32 v0, $0xE;
	[tilespmem:$0x2880] =	vst v3;
	v3 =	vld [tilespmem:$0xB0]  }
0x34: {  	[tilespmem:$0x2980] =	vst v0;
	v0 =	vand.u32 $0x3FFF, v1  }
0x35: {  	[tilespmem:$0x2890] =	vst v0;
	v0 =	vshrl.u32 v1, $0xE;
	v1 =	vld [tilespmem:$0xC0]  }
0x36: {  	[tilespmem:$0x2990] =	vst v0;
	v0 =	vand.u32 $0x3FFF, v2  }
0x37: {  	[tilespmem:$0x28A0] =	vst v0;
	v0 =	vshrl.u32 v2, $0xE;
	v2 =	vld [tilespmem:$0xD0]  }
0x38: {  	[tilespmem:$0x29A0] =	vst v0;
	v0 =	vand.u32 $0x3FFF, v3  }
0x39: {  	[tilespmem:$0x28B0] =	vst v0;
	v0 =	vshrl.u32 v3, $0xE;
	v3 =	vld [tilespmem:$0xE0]  }
0x3a: {  	[tilespmem:$0x29B0] =	vst v0;
	v0 =	vand.u32 $0x3FFF, v1  }
0x3b: {  	[tilespmem:$0x28C0] =	vst v0;
	v0 =	vshrl.u32 v1, $0xE;
	v1 =	vld [tilespmem:$0xF0]  }
0x3c: {  	[tilespmem:$0x29C0] =	vst v0;
	v0 =	vand.u32 $0x3FFF, v2  }
0x3d: {  	[tilespmem:$0x28D0] =	vst v0;
	v0 =	vshrl.u32 v2, $0xE  }
0x3e: {  	[tilespmem:$0x29D0] =	vst v0;
	v0 =	vand.u32 $0x3FFF, v3  }
0x3f: {  	[tilespmem:$0x28E0] =	vst v0;
	v0 =	vshrl.u32 v3, $0xE  }
0x40: {  	[tilespmem:$0x29E0] =	vst v0;
	v0 =	vand.u32 $0x3FFF, v1  }
0x41: {  	[tilespmem:$0x28F0] =	vst v0;
	v0 =	vshrl.u32 v1, $0xE  }
0x42: {  	[tilespmem:$0x29F0] =	vst v0  }
0x43: {  	[tilespmem:s16], [sflag:$0x2] =	stream.indirect.gather [hbm4b:s4+s12], $0x80, s15, s12, $0xb8;
	[tilespmem:$0x1EA00] =	vst v63  }
0x44: {  	_ =	swait.ge [sflag:s17], $0x4000  }
0x45: {  	[sflag:s17] =	ssyncset.done $0x0  }
0x46: {  	[sflag:s17] =	ssyncadd.s32 $0xFFFFC000  }
0x47: {  	[spmem:s2] =	stream.indirect.scatter.add.f32 [tilespmem:s14], [sflag:$0x3], $0x80, s18, s12, $0xb8;
	[tilespmem:$0x1EA00] =	vst v63  }
0x48: {  	_ =	swait.ge [sflag:s19], $0x4000  }
0x49: {  	[sflag:s19] =	ssyncset.done $0x0  }
0x4a: {  	[sflag:s19] =	ssyncadd.s32 $0xFFFFC000  }
0x4b: {  	[spmem:s2] =	stream.indirect.scatter.add.f32 [tilespmem:s16], [sflag:$0x4], $0x80, s20, s12, $0xb8;
	[tilespmem:$0x1EA00] =	vst v63  }
0x4c: {  	_ =	swait.ge [sflag:s21], $0x4000  }
0x4d: {  	[sflag:s21] =	ssyncset.done $0x0  }
0x4e: {  	s25 =	simm.s32 $0x1F0;
	[sflag:s21] =	ssyncadd.s32 $0xFFFFC000  }
0x4f: {  	v0 =	vld [tilespmem:s25+$0xFFFFFF10];
	_ =	sdelay $0x4  }
0x50: {  	v1 =	vand.u32 $0x3FFF, v0  }
0x51: {  	v0 =	vshrl.u32 v0, $0xE;
	[tilespmem:$0x2800] =	vst v1  }
0x52: {  	[tilespmem:$0x2900] =	vst v0  }
0x53: {  	v0 =	vld [tilespmem:s25+$0xFFFFFF20];
	_ =	sdelay $0x4  }
0x54: {  	v1 =	vand.u32 $0x3FFF, v0  }
0x55: {  	v0 =	vshrl.u32 v0, $0xE;
	[tilespmem:$0x2810] =	vst v1  }
0x56: {  	[tilespmem:$0x2910] =	vst v0  }
0x57: {  	v0 =	vld [tilespmem:s25+$0xFFFFFF30];
	_ =	sdelay $0x4  }
0x58: {  	v1 =	vand.u32 $0x3FFF, v0  }
0x59: {  	v0 =	vshrl.u32 v0, $0xE;
	[tilespmem:$0x2820] =	vst v1  }
0x5a: {  	[tilespmem:$0x2920] =	vst v0  }
0x5b: {  	v0 =	vld [tilespmem:s25+$0xFFFFFF40];
	_ =	sdelay $0x4  }
0x5c: {  	v1 =	vand.u32 $0x3FFF, v0  }
0x5d: {  	v0 =	vshrl.u32 v0, $0xE;
	[tilespmem:$0x2830] =	vst v1  }
0x5e: {  	[tilespmem:$0x2930] =	vst v0  }
0x5f: {  	v0 =	vld [tilespmem:s25+$0xFFFFFF50];
	_ =	sdelay $0x4  }
0x60: {  	v1 =	vand.u32 $0x3FFF, v0  }
0x61: {  	v0 =	vshrl.u32 v0, $0xE;
	[tilespmem:$0x2840] =	vst v1  }
0x62: {  	[tilespmem:$0x2940] =	vst v0  }
0x63: {  	v0 =	vld [tilespmem:s25+$0xFFFFFF60];
	_ =	sdelay $0x4  }
0x64: {  	v1 =	vand.u32 $0x3FFF, v0  }
0x65: {  	v0 =	vshrl.u32 v0, $0xE;
	[tilespmem:$0x2850] =	vst v1  }
0x66: {  	[tilespmem:$0x2950] =	vst v0  }
0x67: {  	v0 =	vld [tilespmem:s25+$0xFFFFFF70];
	_ =	sdelay $0x4  }
0x68: {  	v1 =	vand.u32 $0x3FFF, v0  }
0x69: {  	v0 =	vshrl.u32 v0, $0xE;
	[tilespmem:$0x2860] =	vst v1  }
0x6a: {  	[tilespmem:$0x2960] =	vst v0  }
0x6b: {  	v0 =	vld [tilespmem:s25+$0xFFFFFF80];
	_ =	sdelay $0x4  }
0x6c: {  	v1 =	vand.u32 $0x3FFF, v0  }
0x6d: {  	v0 =	vshrl.u32 v0, $0xE;
	[tilespmem:$0x2870] =	vst v1  }
0x6e: {  	[tilespmem:$0x2970] =	vst v0  }
0x6f: {  	[tilespmem:s14], [sflag:$0x1] =	stream.indirect.gather [hbm4b:s4+s12], $0x80, s13, s12, $0xb8;
	[tilespmem:$0x1EA00] =	vst v63  }
0x70: {  	_ =	swait.ge [sflag:s22], $0x4000  }
0x71: {  	[sflag:s22] =	ssyncset.done $0x0  }
0x72: {  	[sflag:s22] =	ssyncadd.s32 $0xFFFFC000  }
0x73: {  	v0 =	vld [tilespmem:s25+$0xFFFFFF90];
	_ =	sdelay $0x4  }
0x74: {  	v1 =	vand.u32 $0x3FFF, v0  }
0x75: {  	v0 =	vshrl.u32 v0, $0xE;
	[tilespmem:$0x2880] =	vst v1  }
0x76: {  	[tilespmem:$0x2980] =	vst v0  }
0x77: {  	v0 =	vld [tilespmem:s25+$0xFFFFFFA0];
	_ =	sdelay $0x4  }
0x78: {  	v1 =	vand.u32 $0x3FFF, v0  }
0x79: {  	v0 =	vshrl.u32 v0, $0xE;
	[tilespmem:$0x2890] =	vst v1  }
0x7a: {  	[tilespmem:$0x2990] =	vst v0  }
0x7b: {  	v0 =	vld [tilespmem:s25+$0xFFFFFFB0];
	_ =	sdelay $0x4  }
0x7c: {  	v1 =	vand.u32 $0x3FFF, v0  }
0x7d: {  	v0 =	vshrl.u32 v0, $0xE;
	[tilespmem:$0x28A0] =	vst v1  }
0x7e: {  	[tilespmem:$0x29A0] =	vst v0  }
0x7f: {  	v0 =	vld [tilespmem:s25+$0xFFFFFFC0];
	_ =	sdelay $0x4  }
0x80: {  	v1 =	vand.u32 $0x3FFF, v0  }
0x81: {  	v0 =	vshrl.u32 v0, $0xE;
	[tilespmem:$0x28B0] =	vst v1  }
0x82: {  	[tilespmem:$0x29B0] =	vst v0  }
0x83: {  	v0 =	vld [tilespmem:s25+$0xFFFFFFD0];
	_ =	sdelay $0x4  }
0x84: {  	v1 =	vand.u32 $0x3FFF, v0  }
0x85: {  	v0 =	vshrl.u32 v0, $0xE;
	[tilespmem:$0x28C0] =	vst v1  }
0x86: {  	[tilespmem:$0x29C0] =	vst v0  }
0x87: {  	v0 =	vld [tilespmem:s25+$0xFFFFFFE0];
	_ =	sdelay $0x4  }
0x88: {  	v1 =	vand.u32 $0x3FFF, v0  }
0x89: {  	v0 =	vshrl.u32 v0, $0xE;
	[tilespmem:$0x28D0] =	vst v1  }
0x8a: {  	[tilespmem:$0x29D0] =	vst v0  }
0x8b: {  	v0 =	vld [tilespmem:s25+$0xFFFFFFF0];
	_ =	sdelay $0x4  }
0x8c: {  	v1 =	vand.u32 $0x3FFF, v0  }
0x8d: {  	v0 =	vshrl.u32 v0, $0xE;
	[tilespmem:$0x28E0] =	vst v1  }
0x8e: {  	[tilespmem:$0x29E0] =	vst v0  }
0x8f: {  	s24 =	simm.s32 $0xBC0;
	v0 =	vld [tilespmem:s25+$0x0]  }
.LBB2_2:
0x90: {  	_ =	sdelay $0x1  }
0x91: {  	p0 =	sne.s32 s24, $0x9FC0;
	s25 =	smov.u32 s24;
	s24 =	sadd.s32 $0x400, s24  }
0x92: {  	_ = 	snop  }
0x93: {  	v1 =	vand.u32 $0x3FFF, v0;
	v0 =	vshrl.u32 v0, $0xE  }
0x94: {  	[tilespmem:$0x28F0] =	vst v1  }
0x95: {  	[tilespmem:$0x29F0] =	vst v0  }
0x96: {  	[tilespmem:s16], [sflag:$0x2] =	stream.indirect.gather [hbm4b:s4+s12], $0x80, s15, s12, $0xb8;
	[tilespmem:$0x1EA00] =	vst v63  }
0x97: {  	_ =	swait.ge [sflag:s17], $0x4000  }
0x98: {  	[sflag:s17] =	ssyncset.done $0x0  }
0x99: {  	[sflag:s17] =	ssyncadd.s32 $0xFFFFC000  }
0x9a: {  	[spmem:s2] =	stream.indirect.scatter.add.f32 [tilespmem:s14], [sflag:$0x3], $0x80, s18, s12, $0xb8;
	[tilespmem:$0x1EA00] =	vst v63  }
0x9b: {  	_ =	swait.ge [sflag:s19], $0x4000  }
0x9c: {  	[sflag:s19] =	ssyncset.done $0x0  }
0x9d: {  	[sflag:s19] =	ssyncadd.s32 $0xFFFFC000  }
0x9e: {  	[spmem:s2] =	stream.indirect.scatter.add.f32 [tilespmem:s16], [sflag:$0x4], $0x80, s20, s12, $0xb8;
	[tilespmem:$0x1EA00] =	vst v63  }
0x9f: {  	_ =	swait.ge [sflag:s21], $0x4000  }
0xa0: {  	[sflag:s21] =	ssyncset.done $0x0  }
0xa1: {  	s25 =	sshra.s32 s25, $0x2;
	[sflag:s21] =	ssyncadd.s32 $0xFFFFC000  }
0xa2: {  	v0 =	vld [tilespmem:s25+$0xFFFFFF10];
	_ =	sdelay $0x4  }
0xa3: {  	v1 =	vand.u32 $0x3FFF, v0;
	v0 =	vshrl.u32 v0, $0xE  }
0xa4: {  	[tilespmem:$0x2800] =	vst v1  }
0xa5: {  	[tilespmem:$0x2900] =	vst v0  }
0xa6: {  	v0 =	vld [tilespmem:s25+$0xFFFFFF20];
	_ =	sdelay $0x4  }
0xa7: {  	v1 =	vand.u32 $0x3FFF, v0;
	v0 =	vshrl.u32 v0, $0xE  }
0xa8: {  	[tilespmem:$0x2810] =	vst v1  }
0xa9: {  	[tilespmem:$0x2910] =	vst v0  }
0xaa: {  	v0 =	vld [tilespmem:s25+$0xFFFFFF30];
	_ =	sdelay $0x4  }
0xab: {  	v1 =	vand.u32 $0x3FFF, v0;
	v0 =	vshrl.u32 v0, $0xE  }
0xac: {  	[tilespmem:$0x2820] =	vst v1  }
0xad: {  	[tilespmem:$0x2920] =	vst v0  }
0xae: {  	v0 =	vld [tilespmem:s25+$0xFFFFFF40];
	_ =	sdelay $0x4  }
0xaf: {  	v1 =	vand.u32 $0x3FFF, v0;
	v0 =	vshrl.u32 v0, $0xE  }
0xb0: {  	[tilespmem:$0x2830] =	vst v1  }
0xb1: {  	[tilespmem:$0x2930] =	vst v0  }
0xb2: {  	v0 =	vld [tilespmem:s25+$0xFFFFFF50];
	_ =	sdelay $0x4  }
0xb3: {  	v1 =	vand.u32 $0x3FFF, v0;
	v0 =	vshrl.u32 v0, $0xE  }
0xb4: {  	[tilespmem:$0x2840] =	vst v1  }
0xb5: {  	[tilespmem:$0x2940] =	vst v0  }
0xb6: {  	v0 =	vld [tilespmem:s25+$0xFFFFFF60];
	_ =	sdelay $0x4  }
0xb7: {  	v1 =	vand.u32 $0x3FFF, v0;
	v0 =	vshrl.u32 v0, $0xE  }
0xb8: {  	[tilespmem:$0x2850] =	vst v1  }
0xb9: {  	[tilespmem:$0x2950] =	vst v0  }
0xba: {  	v0 =	vld [tilespmem:s25+$0xFFFFFF70];
	_ =	sdelay $0x4  }
0xbb: {  	v1 =	vand.u32 $0x3FFF, v0;
	v0 =	vshrl.u32 v0, $0xE  }
0xbc: {  	[tilespmem:$0x2860] =	vst v1  }
0xbd: {  	[tilespmem:$0x2960] =	vst v0  }
0xbe: {  	v0 =	vld [tilespmem:s25+$0xFFFFFF80];
	_ =	sdelay $0x4  }
0xbf: {  	v1 =	vand.u32 $0x3FFF, v0;
	v0 =	vshrl.u32 v0, $0xE  }
0xc0: {  	[tilespmem:$0x2870] =	vst v1  }
0xc1: {  	[tilespmem:$0x2970] =	vst v0  }
0xc2: {  	[tilespmem:s14], [sflag:$0x1] =	stream.indirect.gather [hbm4b:s4+s12], $0x80, s13, s12, $0xb8;
	[tilespmem:$0x1EA00] =	vst v63  }
0xc3: {  	_ =	swait.ge [sflag:s22], $0x4000  }
0xc4: {  	[sflag:s22] =	ssyncset.done $0x0  }
0xc5: {  	[sflag:s22] =	ssyncadd.s32 $0xFFFFC000  }
0xc6: {  	v0 =	vld [tilespmem:s25+$0xFFFFFF90];
	_ =	sdelay $0x4  }
0xc7: {  	v1 =	vand.u32 $0x3FFF, v0;
	v0 =	vshrl.u32 v0, $0xE  }
0xc8: {  	[tilespmem:$0x2880] =	vst v1  }
0xc9: {  	[tilespmem:$0x2980] =	vst v0  }
0xca: {  	v0 =	vld [tilespmem:s25+$0xFFFFFFA0];
	_ =	sdelay $0x4  }
0xcb: {  	v1 =	vand.u32 $0x3FFF, v0;
	v0 =	vshrl.u32 v0, $0xE  }
0xcc: {  	[tilespmem:$0x2890] =	vst v1  }
0xcd: {  	[tilespmem:$0x2990] =	vst v0  }
0xce: {  	v0 =	vld [tilespmem:s25+$0xFFFFFFB0];
	_ =	sdelay $0x4  }
0xcf: {  	v1 =	vand.u32 $0x3FFF, v0;
	v0 =	vshrl.u32 v0, $0xE  }
0xd0: {  	[tilespmem:$0x28A0] =	vst v1  }
0xd1: {  	[tilespmem:$0x29A0] =	vst v0  }
0xd2: {  	v0 =	vld [tilespmem:s25+$0xFFFFFFC0];
	_ =	sdelay $0x4  }
0xd3: {  	v1 =	vand.u32 $0x3FFF, v0;
	v0 =	vshrl.u32 v0, $0xE  }
0xd4: {  	[tilespmem:$0x28B0] =	vst v1  }
0xd5: {  	[tilespmem:$0x29B0] =	vst v0  }
0xd6: {  	v0 =	vld [tilespmem:s25+$0xFFFFFFD0];
	_ =	sdelay $0x4  }
0xd7: {  	v1 =	vand.u32 $0x3FFF, v0;
	v0 =	vshrl.u32 v0, $0xE  }
0xd8: {  	[tilespmem:$0x28C0] =	vst v1  }
0xd9: {  	[tilespmem:$0x29C0] =	vst v0  }
0xda: {  	v0 =	vld [tilespmem:s25+$0xFFFFFFE0];
	_ =	sdelay $0x4  }
0xdb: {  	v1 =	vand.u32 $0x3FFF, v0;
	v0 =	vshrl.u32 v0, $0xE  }
0xdc: {  	[tilespmem:$0x28D0] =	vst v1  }
0xdd: {  	[tilespmem:$0x29D0] =	vst v0  }
0xde: {  	v0 =	vld [tilespmem:s25+$0xFFFFFFF0];
	_ =	sdelay $0x3  }
.Ltmp0:
0xdf: {  	(pc) =	sbr.rel @p0 .LBB2_2-.Ltmp0, $4  }
0xe0: {  	v1 =	vand.u32 $0x3FFF, v0;
	v0 =	vshrl.u32 v0, $0xE  }
0xe1: {  	[tilespmem:$0x28E0] =	vst v1  }
0xe2: {  	[tilespmem:$0x29E0] =	vst v0  }
0xe3: {  	v0 =	vld [tilespmem:s25+$0x0]  }
0xe4: {  	_ =	sdelay $0x3  }
0xe5: {  	v1 =	vand.u32 $0x3FFF, v0  }
0xe6: {  	v63 =	vshrl.u32 v0, $0xE;
	[tilespmem:$0x28F0] =	vst v1  }
0xe7: {  	[tilespmem:$0x29F0] =	vst v63  }
0xe8: {  	[tilespmem:s16], [sflag:$0x2] =	stream.indirect.gather [hbm4b:s4+s12], $0x80, s15, s12, $0xb8;
	[tilespmem:$0x1EA00] =	vst v63  }
0xe9: {  	_ =	swait.ge [sflag:s17], $0x4000  }
0xea: {  	[sflag:s17] =	ssyncset.done $0x0  }
0xeb: {  	[sflag:s17] =	ssyncadd.s32 $0xFFFFC000  }
0xec: {  	[spmem:s2] =	stream.indirect.scatter.add.f32 [tilespmem:s14], [sflag:$0x3], $0x80, s18, s12, $0xb8;
	[tilespmem:$0x1EA00] =	vst v63  }
0xed: {  	_ =	swait.ge [sflag:s19], $0x4000  }
0xee: {  	[sflag:s19] =	ssyncset.done $0x0  }
0xef: {  	[sflag:s19] =	ssyncadd.s32 $0xFFFFC000  }
0xf0: {  	[spmem:s2] =	stream.indirect.scatter.add.f32 [tilespmem:s16], [sflag:$0x4], $0x80, s20, s12, $0xb8;
	[tilespmem:$0x1EA00] =	vst v63  }
0xf1: {  	_ =	swait.ge [sflag:s21], $0x4000  }
0xf2: {  	[sflag:s21] =	ssyncset.done $0x0  }
0xf3: {  	[sflag:s21] =	ssyncadd.s32 $0xFFFFC000  }
0xf4: {  	_ =	swait.ge [sflag:s22], $0x4000  }
0xf5: {  	s23 =	sadd.s32 $0x1, s23;
	[sflag:s22] =	ssyncset.done $0x0  }
0xf6: {  	p0 =	sne.s32 s23, s9;
	[sflag:s22] =	ssyncadd.s32 $0xFFFFC000  }
.Ltmp1:
0xf7: {  	[bflag:$0x0] =	sbarrier.arrive $0xFFFF;
	(pc) =	sbr.rel @p0 .LBB2_1-.Ltmp1, $4  }
0xf8: {  	[hbm:s8], [sflag:s6] =	dma.local [spmem:s10], $0x2800  }
0xf9: {  	_ =	swait.ge [sflag:s11], $0x2800  }
0xfa: {  	[sflag:s11] =	ssyncset.done $0x0  }
0xfb: {  	[sflag:s11] =	ssyncadd.s32 $0xFFFFD800  }
0xfc: {  	_ =	sfence.sel $0x180000  }
0xfd: {  	[bflag:$0x0] =	sbarrier.arrive $0xFFFF  }
0xfe: {  	p0 =	sne.s32 s0, $0x0;
	_ =	strace $0x9000004A  }
0xff: {  	s0 =	sadd.s32 @!p0 $0x100000, s1;
	[bflag:$0x2] =	sbarrier.arrive $0xFFFF  }
0x100: {  	[sflag:s0] =	ssyncadd.tile.s32 @!p0 $0x1;
	_ =	shalt  }
.Lfunc_end2:
_tile_overlayer_lowered:
.L_overlay_start_2:
0x101: {  	(tag) =	ssettag $0x2  }
0x102: {  	s0 =	rddreg [dreg:$0x0];
	s2 =	stileid.u32  }
0x103: {  	s1 =	rddreg [dreg:$0x1];
	p0 =	sne.s32 s2, $0x0  }
0x104: {  	s3 =	rddreg [dreg:$0x2];
	[bflag:$0x3] =	sbarrier.arrive $0xFFFF;
	s2 =	simm.s32 @!p0 $0x1C05  }
0x105: {  	[timem:s3], [sflag:s2] =	dma.local @!p0 [hbm:s0], s1  }
0x106: {  	s0 =	simm.s32 @!p0 $0x5  }
0x107: {  	_ =	swait.ge @!p0 [sflag:s0], s1  }
0x108: {  	s1 =	ssub.s32 @!p0 $0x0, s1;
	[sflag:s0] =	ssyncset.done @!p0 $0x0  }
0x109: {  	[sflag:s0] =	ssyncadd.s32 @!p0 s1  }
0x10a: {  	[bflag:$0x3] =	sbarrier.arrive $0xFFFF  }
0x10b: {  	_ =	shalt  }

</sc_bundles>
